<compile_context>
chip_gen: v7x
topology: tpu7x:2x2x1
jax: 0.10.2.dev20260603
libtpu: 0.0.44.dev20260713+nightly
codegen_flags: <defaults>
</compile_context>

<pallas_src>
import functools

import jax
import jax.numpy as jnp
from jax import lax
from jax.experimental import pallas as pl
from jax.experimental.pallas import tpu as pltpu
from jax.experimental.pallas import tpu_sc as plsc

N, H, W, K = 4, 512, 512, 4
B = N * H * W * K
F = 200000
V = 100000
FP = 204800
D = 8

NC, NS = 2, 16
NW = NC * NS

S1_FACES = 512
S1_IDX_ROWS = S1_FACES * 3 // 128
S1_ITERS = FP // NS // S1_FACES
S1_VECS = S1_FACES // 16

NG = N * H
GPW = NG // NW
G_IDX_ROWS = 16
G_OUT_ROWS = 48

_mesh = plsc.VectorSubcoreMesh(core_axis_name="c", subcore_axis_name="s")


@functools.partial(
    pl.kernel,
    mesh=_mesh,
    out_type=jax.ShapeDtypeStruct((NG * G_OUT_ROWS, 128), jnp.float32),
    scratch_types=[
        pltpu.VMEM_SHARED((FP,), jnp.float32),
        pltpu.VMEM_SHARED((FP,), jnp.float32),
        pltpu.VMEM_SHARED((FP,), jnp.float32),
        pltpu.VMEM_SHARED((V, D), jnp.float32),
        pltpu.VMEM((S1_IDX_ROWS, 128), jnp.int32),
        pltpu.VMEM((S1_FACES * 3, D), jnp.float32),
        pltpu.VMEM((S1_FACES,), jnp.float32),
        pltpu.VMEM((S1_FACES,), jnp.float32),
        pltpu.VMEM((S1_FACES,), jnp.float32),
        pltpu.VMEM((G_IDX_ROWS, 128), jnp.int32),
        pltpu.VMEM((G_OUT_ROWS, 128), jnp.float32),
        pltpu.SemaphoreType.DMA,
    ],
    compiler_params=pltpu.CompilerParams(needs_layout_passes=False,
                                         use_tc_tiling_on_sc=False),
)
def _phong_kernel(p2f_nat, faces2d, vn, out, tx, ty, tz, vn_sh,
                  s1_idx, s1_rows, s1x, s1y, s1z, s2_idx, s2_tile, sem):
    c = lax.axis_index("c")
    s = lax.axis_index("s")
    wid = s * NC + c
    lane = lax.iota(jnp.int32, 16)

    pltpu.sync_copy(vn.at[pl.ds(s * (V // NS), V // NS)],
                    vn_sh.at[pl.ds(s * (V // NS), V // NS)])
    plsc.subcore_barrier()

    def s1_step(it, carry):
        f0 = s * (FP // NS) + it * S1_FACES
        pltpu.sync_copy(faces2d.at[pl.ds(s * (S1_ITERS * S1_IDX_ROWS)
                                         + it * S1_IDX_ROWS, S1_IDX_ROWS)],
                        s1_idx)
        cps = [pltpu.async_copy(vn_sh.at[s1_idx.at[j]],
                                s1_rows.at[pl.ds(j * 128, 128)], sem)
               for j in range(S1_IDX_ROWS)]
        for cp in cps:
            cp.wait()

        def cvec(u, carry2):
            r0 = 48 * u + 3 * lane
            for comp, buf in ((0, s1x), (1, s1y), (2, s1z)):
                cv = jnp.full((16,), comp, jnp.int32)
                val = (plsc.load_gather(s1_rows, [r0, cv])
                       + plsc.load_gather(s1_rows, [r0 + 1, cv])
                       + plsc.load_gather(s1_rows, [r0 + 2, cv]))
                buf[pl.ds(16 * u, 16)] = val
            return carry2

        lax.fori_loop(0, S1_VECS, cvec, 0)
        pltpu.sync_copy(s1x, tx.at[pl.ds(f0, S1_FACES)])
        pltpu.sync_copy(s1y, ty.at[pl.ds(f0, S1_FACES)])
        pltpu.sync_copy(s1z, tz.at[pl.ds(f0, S1_FACES)])
        return carry

    lax.fori_loop(0, S1_ITERS, s1_step, 0)
    plsc.subcore_barrier()

    def s2_step(g, carry):
        gi = wid * GPW + g
        pltpu.sync_copy(p2f_nat.at[pl.ds(gi * G_IDX_ROWS, G_IDX_ROWS)],
                        s2_idx)
        cps = []
        for comp, tref in ((0, tx), (1, ty), (2, tz)):
            for j in range(G_IDX_ROWS):
                cps.append(pltpu.async_copy(tref.at[s2_idx.at[j]],
                                            s2_tile.at[comp * 16 + j], sem))
        for cp in cps:
            cp.wait()
        pltpu.sync_copy(s2_tile, out.at[pl.ds(gi * G_OUT_ROWS, G_OUT_ROWS)])
        return carry

    lax.fori_loop(0, GPW, s2_step, 0)


def kernel(pix_to_face, faces, vertex_normals):
    p2f5 = pix_to_face.astype(jnp.int32).reshape(N, H, W // 128, 128, K)
    p2f_nat = p2f5.transpose(0, 1, 2, 4, 3).reshape(NG * G_IDX_ROWS, 128)
    facesp = jnp.concatenate(
        [faces.astype(jnp.int32),
         jnp.zeros((FP - F, 3), jnp.int32)], axis=0)
    faces2d = facesp.reshape(FP * 3 // 128, 128)
    vn8 = jnp.pad(vertex_normals, ((0, 0), (0, D - 3)))
    out = _phong_kernel(p2f_nat, faces2d, vn8)
    o6 = out.reshape(N, H, 3, W // 128, K, 128)
    res = o6.transpose(0, 1, 3, 5, 4, 2).reshape(N, H, W, K, 3)
    return res

# --- scband reference (transcript-rebuilt; emitter-appended) ---
"""Pipeline reference for scband-hard-phong-normal-shader-16827681865975 (READ-ONLY COPY).

The authoritative reference and input builder live on the scoring server;
editing this copy changes nothing except your own understanding.
"""

import jax, jax.numpy as jnp
import numpy as np

N, H, W, K = 4, 512, 512, 4
F, V = 200000, 100000

def setup_inputs(seed: int = 0) -> dict:
    key = jax.random.key(seed)
    k1, k2, k3 = jax.random.split(key, 3)
    pix_to_face = jax.random.randint(k1, (N, H, W, K), 0, F, dtype=jnp.int64) if jax.config.jax_enable_x64 else jax.random.randint(k1, (N, H, W, K), 0, F, dtype=jnp.int32)
    faces = jax.random.randint(k2, (F, 3), 0, V, dtype=jnp.int32)
    vertex_normals = jax.random.normal(k3, (V, 3), dtype=jnp.float32)
    return {"pix_to_face": pix_to_face, "faces": faces, "vertex_normals": vertex_normals}

def reference(pix_to_face, faces, vertex_normals):
    # phong_normal_shading: gather vertex normals per face
    faces_normals = vertex_normals[faces]  # [F, 3, 3]
    # interpolate_face_attributes with barycentric coords = ones
    bary = jnp.ones(pix_to_face.shape + (3,), dtype=vertex_normals.dtype)  # [N,H,W,K,3]
    mask = pix_to_face < 0
    p2f = jnp.where(mask, 0, pix_to_face)
    attrs = jnp.take(faces_normals, p2f, axis=0)  # [N,H,W,K,3,3]
    pixel_normals = jnp.sum(bary[..., None] * attrs, axis=-2)  # [N,H,W,K,3]
    pixel_normals = jnp.where(mask[..., None], 0.0, pixel_normals)
    return pixel_normals

if __name__ == "__main__":
    import jax
    _d = setup_inputs()
    print(jax.jit(kernel)(*tuple(_d.values())))

</pallas_src>

<mosaic_0001>
#map = affine_map<(d0, d1) -> (0, 0)>
module attributes {stable_mosaic.version = 14 : i64} {
  func.func @_phong_kernel(%arg0: i32, %arg1: i32, %arg2: memref<32768x128xi32, #tpu.memory_space<hbm>>, %arg3: memref<4800x128xi32, #tpu.memory_space<hbm>>, %arg4: memref<100000x8xf32, #tpu.memory_space<hbm>>, %arg5: memref<98304x128xf32, #tpu.memory_space<hbm>>, %arg6: memref<204800xf32, #tpu.memory_space<vmem_shared>>, %arg7: memref<204800xf32, #tpu.memory_space<vmem_shared>>, %arg8: memref<204800xf32, #tpu.memory_space<vmem_shared>>, %arg9: memref<100000x8xf32, #tpu.memory_space<vmem_shared>>, %arg10: memref<12x128xi32, #tpu.memory_space<vmem>>, %arg11: memref<1536x8xf32, #tpu.memory_space<vmem>>, %arg12: memref<512xf32, #tpu.memory_space<vmem>>, %arg13: memref<512xf32, #tpu.memory_space<vmem>>, %arg14: memref<512xf32, #tpu.memory_space<vmem>>, %arg15: memref<16x128xi32, #tpu.memory_space<vmem>>, %arg16: memref<48x128xf32, #tpu.memory_space<vmem>>, %arg17: memref<!tpu.dma_semaphore, #tpu.memory_space<semaphore_mem>>) attributes {dimension_semantics = [#tpu.dimension_semantics<core_parallel>, #tpu.dimension_semantics<subcore_parallel>], iteration_bounds = array<i64: 2, 16>, scalar_prefetch = 0 : i64, scratch_operands = 12 : i64, tpu.core_type = #tpu.core_type<sc_vector_subcore>, window_params = [{transform_indices = #map}, {transform_indices = #map}, {transform_indices = #map}, {transform_indices = #map}]} {
    %mul3A = arith.constant 2 : i32
    %mul3A_0 = arith.muli %arg1, %mul3A : i32
    %add3A = arith.addi %mul3A_0, %arg0 : i32
    %iota3A = tpu.iota {dimensions = array<i32: 0>} : vector<16xi32>
    %mul3A_1 = arith.constant 6250 : i32
    %mul3A_2 = arith.muli %arg1, %mul3A_1 : i32
    %mul3A_3 = arith.constant 6250 : i32
    %mul3A_4 = arith.muli %arg1, %mul3A_3 : i32
    "tpu.region"() ({
      %run_scoped3A = tpu.sem_alloc : memref<!tpu.dma_semaphore, #tpu.memory_space<semaphore_mem>>
      %dma_start3A = arith.constant 0 : i32
      %dma_start3A_17 = tpu.memref_slice %arg9[%mul3A_4, %dma_start3A] : memref<100000x8xf32, #tpu.memory_space<vmem_shared>> -> memref<6250x8xf32, #tpu.memory_space<vmem_shared>>
      %dma_start3A_18 = arith.constant 0 : i32
      %dma_start3A_19 = tpu.memref_slice %arg4[%mul3A_2, %dma_start3A_18] : memref<100000x8xf32, #tpu.memory_space<hbm>> -> memref<6250x8xf32, #tpu.memory_space<hbm>>
      tpu.enqueue_dma source(%dma_start3A_19 : memref<6250x8xf32, #tpu.memory_space<hbm>>) target(%dma_start3A_17 : memref<6250x8xf32, #tpu.memory_space<vmem_shared>>) target_semaphore(%run_scoped3A : memref<!tpu.dma_semaphore, #tpu.memory_space<semaphore_mem>>)
      %dma_wait3A = arith.constant 0 : i32
      %dma_wait3A_20 = tpu.memref_slice %arg9[%mul3A_4, %dma_wait3A] : memref<100000x8xf32, #tpu.memory_space<vmem_shared>> -> memref<6250x8xf32, #tpu.memory_space<vmem_shared>>
      %dma_wait3A_21 = arith.constant 0 : i32
      %dma_wait3A_22 = tpu.memref_slice %arg4[%mul3A_2, %dma_wait3A_21] : memref<100000x8xf32, #tpu.memory_space<hbm>> -> memref<6250x8xf32, #tpu.memory_space<hbm>>
      tpu.wait_dma2 semaphore(%run_scoped3A : memref<!tpu.dma_semaphore, #tpu.memory_space<semaphore_mem>>) src(%dma_wait3A_22 : memref<6250x8xf32, #tpu.memory_space<hbm>>) dst(%dma_wait3A_20 : memref<6250x8xf32, #tpu.memory_space<vmem_shared>>)
      tpu.yield
    }) : () -> ()
    %barrier3A = arith.constant 0 : index
    tpu.barrier barrier_id(%barrier3A)
    %scan3A = arith.constant 0 : i32
    %scan3A_5 = arith.constant 0 : i32
    %scan3A_6 = arith.constant 25 : i32
    %scan3A_7 = arith.addi %scan3A_5, %scan3A_6 : i32
    %scan3A_8 = arith.constant 1 : i32
    scf.for %scan3A_17 = %scan3A_5 to %scan3A_7 step %scan3A_8  : i32 {
      %mul3A_18 = arith.constant 12800 : i32
      %mul3A_19 = arith.muli %arg1, %mul3A_18 : i32
      %mul3A_20 = arith.constant 512 : i32
      %mul3A_21 = arith.muli %scan3A_17, %mul3A_20 : i32
      %add3A_22 = arith.addi %mul3A_19, %mul3A_21 : i32
      %mul3A_23 = arith.constant 300 : i32
      %mul3A_24 = arith.muli %arg1, %mul3A_23 : i32
      %mul3A_25 = arith.constant 12 : i32
      %mul3A_26 = arith.muli %scan3A_17, %mul3A_25 : i32
      %add3A_27 = arith.addi %mul3A_24, %mul3A_26 : i32
      "tpu.region"() ({
        %run_scoped3A = tpu.sem_alloc : memref<!tpu.dma_semaphore, #tpu.memory_space<semaphore_mem>>
        %dma_start3A_272 = arith.constant 0 : i32
        %dma_start3A_273 = tpu.memref_slice %arg3[%add3A_27, %dma_start3A_272] : memref<4800x128xi32, #tpu.memory_space<hbm>> -> memref<12x128xi32, #tpu.memory_space<hbm>>
        %dma_start3A_274 = arith.constant 0 : i32
        %dma_start3A_275 = tpu.memref_slice %arg3[%add3A_27, %dma_start3A_274] : memref<4800x128xi32, #tpu.memory_space<hbm>> -> memref<12x128xi32, #tpu.memory_space<hbm>>
        tpu.enqueue_dma source(%dma_start3A_275 : memref<12x128xi32, #tpu.memory_space<hbm>>) target(%arg10 : memref<12x128xi32, #tpu.memory_space<vmem>>) target_semaphore(%run_scoped3A : memref<!tpu.dma_semaphore, #tpu.memory_space<semaphore_mem>>)
        %dma_wait3A_276 = arith.constant 0 : i32
        %dma_wait3A_277 = tpu.memref_slice %arg3[%add3A_27, %dma_wait3A_276] : memref<4800x128xi32, #tpu.memory_space<hbm>> -> memref<12x128xi32, #tpu.memory_space<hbm>>
        %dma_wait3A_278 = arith.constant 0 : i32
        %dma_wait3A_279 = tpu.memref_slice %arg3[%add3A_27, %dma_wait3A_278] : memref<4800x128xi32, #tpu.memory_space<hbm>> -> memref<12x128xi32, #tpu.memory_space<hbm>>
        tpu.wait_dma2 semaphore(%run_scoped3A : memref<!tpu.dma_semaphore, #tpu.memory_space<semaphore_mem>>) src(%dma_wait3A_279 : memref<12x128xi32, #tpu.memory_space<hbm>>) dst(%arg10 : memref<12x128xi32, #tpu.memory_space<vmem>>)
        tpu.yield
      }) : () -> ()
      %dma_start3A = arith.constant 0 : i32
      %dma_start3A_28 = arith.constant 0 : i32
      %dma_start3A_29 = arith.constant 0 : i32
      %dma_start3A_30 = tpu.memref_slice %arg11[%dma_start3A_28, %dma_start3A_29] : memref<1536x8xf32, #tpu.memory_space<vmem>> -> memref<128x8xf32, #tpu.memory_space<vmem>>
      %dma_start3A_31 = arith.constant 0 : i32
      %dma_start3A_32 = tpu.memref_slice %arg10[%dma_start3A, %dma_start3A_31] : memref<12x128xi32, #tpu.memory_space<vmem>> -> memref<1x128xi32, #tpu.memory_space<vmem>>
      %dma_start3A_33 = tpu.memref_squeeze %dma_start3A_32 : memref<1x128xi32, #tpu.memory_space<vmem>> -> memref<128xi32, #tpu.memory_space<vmem>>
      %dma_start3A_34 = arith.constant 0 : i32
      %dma_start3A_35 = arith.constant 0 : i32
      %dma_start3A_36 = tpu.memref_slice %arg9[%dma_start3A_34, %dma_start3A_35] : memref<100000x8xf32, #tpu.memory_space<vmem_shared>> -> memref<100000x8xf32, #tpu.memory_space<vmem_shared>>
      tpu.enqueue_indirect_dma source(%dma_start3A_36 : memref<100000x8xf32, #tpu.memory_space<vmem_shared>>) target(%dma_start3A_30 : memref<128x8xf32, #tpu.memory_space<vmem>>) offsets(%dma_start3A_33 : memref<128xi32, #tpu.memory_space<vmem>>) semaphore(%arg17 : memref<!tpu.dma_semaphore, #tpu.memory_space<semaphore_mem>>)
      %dma_start3A_37 = arith.constant 1 : i32
      %dma_start3A_38 = arith.constant 128 : i32
      %dma_start3A_39 = arith.constant 0 : i32
      %dma_start3A_40 = tpu.memref_slice %arg11[%dma_start3A_38, %dma_start3A_39] : memref<1536x8xf32, #tpu.memory_space<vmem>> -> memref<128x8xf32, #tpu.memory_space<vmem>>
      %dma_start3A_41 = arith.constant 0 : i32
      %dma_start3A_42 = tpu.memref_slice %arg10[%dma_start3A_37, %dma_start3A_41] : memref<12x128xi32, #tpu.memory_space<vmem>> -> memref<1x128xi32, #tpu.memory_space<vmem>>
      %dma_start3A_43 = tpu.memref_squeeze %dma_start3A_42 : memref<1x128xi32, #tpu.memory_space<vmem>> -> memref<128xi32, #tpu.memory_space<vmem>>
      %dma_start3A_44 = arith.constant 0 : i32
      %dma_start3A_45 = arith.constant 0 : i32
      %dma_start3A_46 = tpu.memref_slice %arg9[%dma_start3A_44, %dma_start3A_45] : memref<100000x8xf32, #tpu.memory_space<vmem_shared>> -> memref<100000x8xf32, #tpu.memory_space<vmem_shared>>
      tpu.enqueue_indirect_dma source(%dma_start3A_46 : memref<100000x8xf32, #tpu.memory_space<vmem_shared>>) target(%dma_start3A_40 : memref<128x8xf32, #tpu.memory_space<vmem>>) offsets(%dma_start3A_43 : memref<128xi32, #tpu.memory_space<vmem>>) semaphore(%arg17 : memref<!tpu.dma_semaphore, #tpu.memory_space<semaphore_mem>>)
      %dma_start3A_47 = arith.constant 2 : i32
      %dma_start3A_48 = arith.constant 256 : i32
      %dma_start3A_49 = arith.constant 0 : i32
      %dma_start3A_50 = tpu.memref_slice %arg11[%dma_start3A_48, %dma_start3A_49] : memref<1536x8xf32, #tpu.memory_space<vmem>> -> memref<128x8xf32, #tpu.memory_space<vmem>>
      %dma_start3A_51 = arith.constant 0 : i32
      %dma_start3A_52 = tpu.memref_slice %arg10[%dma_start3A_47, %dma_start3A_51] : memref<12x128xi32, #tpu.memory_space<vmem>> -> memref<1x128xi32, #tpu.memory_space<vmem>>
      %dma_start3A_53 = tpu.memref_squeeze %dma_start3A_52 : memref<1x128xi32, #tpu.memory_space<vmem>> -> memref<128xi32, #tpu.memory_space<vmem>>
      %dma_start3A_54 = arith.constant 0 : i32
      %dma_start3A_55 = arith.constant 0 : i32
      %dma_start3A_56 = tpu.memref_slice %arg9[%dma_start3A_54, %dma_start3A_55] : memref<100000x8xf32, #tpu.memory_space<vmem_shared>> -> memref<100000x8xf32, #tpu.memory_space<vmem_shared>>
      tpu.enqueue_indirect_dma source(%dma_start3A_56 : memref<100000x8xf32, #tpu.memory_space<vmem_shared>>) target(%dma_start3A_50 : memref<128x8xf32, #tpu.memory_space<vmem>>) offsets(%dma_start3A_53 : memref<128xi32, #tpu.memory_space<vmem>>) semaphore(%arg17 : memref<!tpu.dma_semaphore, #tpu.memory_space<semaphore_mem>>)
      %dma_start3A_57 = arith.constant 3 : i32
      %dma_start3A_58 = arith.constant 384 : i32
      %dma_start3A_59 = arith.constant 0 : i32
      %dma_start3A_60 = tpu.memref_slice %arg11[%dma_start3A_58, %dma_start3A_59] : memref<1536x8xf32, #tpu.memory_space<vmem>> -> memref<128x8xf32, #tpu.memory_space<vmem>>
      %dma_start3A_61 = arith.constant 0 : i32
      %dma_start3A_62 = tpu.memref_slice %arg10[%dma_start3A_57, %dma_start3A_61] : memref<12x128xi32, #tpu.memory_space<vmem>> -> memref<1x128xi32, #tpu.memory_space<vmem>>
      %dma_start3A_63 = tpu.memref_squeeze %dma_start3A_62 : memref<1x128xi32, #tpu.memory_space<vmem>> -> memref<128xi32, #tpu.memory_space<vmem>>
      %dma_start3A_64 = arith.constant 0 : i32
      %dma_start3A_65 = arith.constant 0 : i32
      %dma_start3A_66 = tpu.memref_slice %arg9[%dma_start3A_64, %dma_start3A_65] : memref<100000x8xf32, #tpu.memory_space<vmem_shared>> -> memref<100000x8xf32, #tpu.memory_space<vmem_shared>>
      tpu.enqueue_indirect_dma source(%dma_start3A_66 : memref<100000x8xf32, #tpu.memory_space<vmem_shared>>) target(%dma_start3A_60 : memref<128x8xf32, #tpu.memory_space<vmem>>) offsets(%dma_start3A_63 : memref<128xi32, #tpu.memory_space<vmem>>) semaphore(%arg17 : memref<!tpu.dma_semaphore, #tpu.memory_space<semaphore_mem>>)
      %dma_start3A_67 = arith.constant 4 : i32
      %dma_start3A_68 = arith.constant 512 : i32
      %dma_start3A_69 = arith.constant 0 : i32
      %dma_start3A_70 = tpu.memref_slice %arg11[%dma_start3A_68, %dma_start3A_69] : memref<1536x8xf32, #tpu.memory_space<vmem>> -> memref<128x8xf32, #tpu.memory_space<vmem>>
      %dma_start3A_71 = arith.constant 0 : i32
      %dma_start3A_72 = tpu.memref_slice %arg10[%dma_start3A_67, %dma_start3A_71] : memref<12x128xi32, #tpu.memory_space<vmem>> -> memref<1x128xi32, #tpu.memory_space<vmem>>
      %dma_start3A_73 = tpu.memref_squeeze %dma_start3A_72 : memref<1x128xi32, #tpu.memory_space<vmem>> -> memref<128xi32, #tpu.memory_space<vmem>>
      %dma_start3A_74 = arith.constant 0 : i32
      %dma_start3A_75 = arith.constant 0 : i32
      %dma_start3A_76 = tpu.memref_slice %arg9[%dma_start3A_74, %dma_start3A_75] : memref<100000x8xf32, #tpu.memory_space<vmem_shared>> -> memref<100000x8xf32, #tpu.memory_space<vmem_shared>>
      tpu.enqueue_indirect_dma source(%dma_start3A_76 : memref<100000x8xf32, #tpu.memory_space<vmem_shared>>) target(%dma_start3A_70 : memref<128x8xf32, #tpu.memory_space<vmem>>) offsets(%dma_start3A_73 : memref<128xi32, #tpu.memory_space<vmem>>) semaphore(%arg17 : memref<!tpu.dma_semaphore, #tpu.memory_space<semaphore_mem>>)
      %dma_start3A_77 = arith.constant 5 : i32
      %dma_start3A_78 = arith.constant 640 : i32
      %dma_start3A_79 = arith.constant 0 : i32
      %dma_start3A_80 = tpu.memref_slice %arg11[%dma_start3A_78, %dma_start3A_79] : memref<1536x8xf32, #tpu.memory_space<vmem>> -> memref<128x8xf32, #tpu.memory_space<vmem>>
      %dma_start3A_81 = arith.constant 0 : i32
      %dma_start3A_82 = tpu.memref_slice %arg10[%dma_start3A_77, %dma_start3A_81] : memref<12x128xi32, #tpu.memory_space<vmem>> -> memref<1x128xi32, #tpu.memory_space<vmem>>
      %dma_start3A_83 = tpu.memref_squeeze %dma_start3A_82 : memref<1x128xi32, #tpu.memory_space<vmem>> -> memref<128xi32, #tpu.memory_space<vmem>>
      %dma_start3A_84 = arith.constant 0 : i32
      %dma_start3A_85 = arith.constant 0 : i32
      %dma_start3A_86 = tpu.memref_slice %arg9[%dma_start3A_84, %dma_start3A_85] : memref<100000x8xf32, #tpu.memory_space<vmem_shared>> -> memref<100000x8xf32, #tpu.memory_space<vmem_shared>>
      tpu.enqueue_indirect_dma source(%dma_start3A_86 : memref<100000x8xf32, #tpu.memory_space<vmem_shared>>) target(%dma_start3A_80 : memref<128x8xf32, #tpu.memory_space<vmem>>) offsets(%dma_start3A_83 : memref<128xi32, #tpu.memory_space<vmem>>) semaphore(%arg17 : memref<!tpu.dma_semaphore, #tpu.memory_space<semaphore_mem>>)
      %dma_start3A_87 = arith.constant 6 : i32
      %dma_start3A_88 = arith.constant 768 : i32
      %dma_start3A_89 = arith.constant 0 : i32
      %dma_start3A_90 = tpu.memref_slice %arg11[%dma_start3A_88, %dma_start3A_89] : memref<1536x8xf32, #tpu.memory_space<vmem>> -> memref<128x8xf32, #tpu.memory_space<vmem>>
      %dma_start3A_91 = arith.constant 0 : i32
      %dma_start3A_92 = tpu.memref_slice %arg10[%dma_start3A_87, %dma_start3A_91] : memref<12x128xi32, #tpu.memory_space<vmem>> -> memref<1x128xi32, #tpu.memory_space<vmem>>
      %dma_start3A_93 = tpu.memref_squeeze %dma_start3A_92 : memref<1x128xi32, #tpu.memory_space<vmem>> -> memref<128xi32, #tpu.memory_space<vmem>>
      %dma_start3A_94 = arith.constant 0 : i32
      %dma_start3A_95 = arith.constant 0 : i32
      %dma_start3A_96 = tpu.memref_slice %arg9[%dma_start3A_94, %dma_start3A_95] : memref<100000x8xf32, #tpu.memory_space<vmem_shared>> -> memref<100000x8xf32, #tpu.memory_space<vmem_shared>>
      tpu.enqueue_indirect_dma source(%dma_start3A_96 : memref<100000x8xf32, #tpu.memory_space<vmem_shared>>) target(%dma_start3A_90 : memref<128x8xf32, #tpu.memory_space<vmem>>) offsets(%dma_start3A_93 : memref<128xi32, #tpu.memory_space<vmem>>) semaphore(%arg17 : memref<!tpu.dma_semaphore, #tpu.memory_space<semaphore_mem>>)
      %dma_start3A_97 = arith.constant 7 : i32
      %dma_start3A_98 = arith.constant 896 : i32
      %dma_start3A_99 = arith.constant 0 : i32
      %dma_start3A_100 = tpu.memref_slice %arg11[%dma_start3A_98, %dma_start3A_99] : memref<1536x8xf32, #tpu.memory_space<vmem>> -> memref<128x8xf32, #tpu.memory_space<vmem>>
      %dma_start3A_101 = arith.constant 0 : i32
      %dma_start3A_102 = tpu.memref_slice %arg10[%dma_start3A_97, %dma_start3A_101] : memref<12x128xi32, #tpu.memory_space<vmem>> -> memref<1x128xi32, #tpu.memory_space<vmem>>
      %dma_start3A_103 = tpu.memref_squeeze %dma_start3A_102 : memref<1x128xi32, #tpu.memory_space<vmem>> -> memref<128xi32, #tpu.memory_space<vmem>>
      %dma_start3A_104 = arith.constant 0 : i32
      %dma_start3A_105 = arith.constant 0 : i32
      %dma_start3A_106 = tpu.memref_slice %arg9[%dma_start3A_104, %dma_start3A_105] : memref<100000x8xf32, #tpu.memory_space<vmem_shared>> -> memref<100000x8xf32, #tpu.memory_space<vmem_shared>>
      tpu.enqueue_indirect_dma source(%dma_start3A_106 : memref<100000x8xf32, #tpu.memory_space<vmem_shared>>) target(%dma_start3A_100 : memref<128x8xf32, #tpu.memory_space<vmem>>) offsets(%dma_start3A_103 : memref<128xi32, #tpu.memory_space<vmem>>) semaphore(%arg17 : memref<!tpu.dma_semaphore, #tpu.memory_space<semaphore_mem>>)
      %dma_start3A_107 = arith.constant 8 : i32
      %dma_start3A_108 = arith.constant 1024 : i32
      %dma_start3A_109 = arith.constant 0 : i32
      %dma_start3A_110 = tpu.memref_slice %arg11[%dma_start3A_108, %dma_start3A_109] : memref<1536x8xf32, #tpu.memory_space<vmem>> -> memref<128x8xf32, #tpu.memory_space<vmem>>
      %dma_start3A_111 = arith.constant 0 : i32
      %dma_start3A_112 = tpu.memref_slice %arg10[%dma_start3A_107, %dma_start3A_111] : memref<12x128xi32, #tpu.memory_space<vmem>> -> memref<1x128xi32, #tpu.memory_space<vmem>>
      %dma_start3A_113 = tpu.memref_squeeze %dma_start3A_112 : memref<1x128xi32, #tpu.memory_space<vmem>> -> memref<128xi32, #tpu.memory_space<vmem>>
      %dma_start3A_114 = arith.constant 0 : i32
      %dma_start3A_115 = arith.constant 0 : i32
      %dma_start3A_116 = tpu.memref_slice %arg9[%dma_start3A_114, %dma_start3A_115] : memref<100000x8xf32, #tpu.memory_space<vmem_shared>> -> memref<100000x8xf32, #tpu.memory_space<vmem_shared>>
      tpu.enqueue_indirect_dma source(%dma_start3A_116 : memref<100000x8xf32, #tpu.memory_space<vmem_shared>>) target(%dma_start3A_110 : memref<128x8xf32, #tpu.memory_space<vmem>>) offsets(%dma_start3A_113 : memref<128xi32, #tpu.memory_space<vmem>>) semaphore(%arg17 : memref<!tpu.dma_semaphore, #tpu.memory_space<semaphore_mem>>)
      %dma_start3A_117 = arith.constant 9 : i32
      %dma_start3A_118 = arith.constant 1152 : i32
      %dma_start3A_119 = arith.constant 0 : i32
      %dma_start3A_120 = tpu.memref_slice %arg11[%dma_start3A_118, %dma_start3A_119] : memref<1536x8xf32, #tpu.memory_space<vmem>> -> memref<128x8xf32, #tpu.memory_space<vmem>>
      %dma_start3A_121 = arith.constant 0 : i32
      %dma_start3A_122 = tpu.memref_slice %arg10[%dma_start3A_117, %dma_start3A_121] : memref<12x128xi32, #tpu.memory_space<vmem>> -> memref<1x128xi32, #tpu.memory_space<vmem>>
      %dma_start3A_123 = tpu.memref_squeeze %dma_start3A_122 : memref<1x128xi32, #tpu.memory_space<vmem>> -> memref<128xi32, #tpu.memory_space<vmem>>
      %dma_start3A_124 = arith.constant 0 : i32
      %dma_start3A_125 = arith.constant 0 : i32
      %dma_start3A_126 = tpu.memref_slice %arg9[%dma_start3A_124, %dma_start3A_125] : memref<100000x8xf32, #tpu.memory_space<vmem_shared>> -> memref<100000x8xf32, #tpu.memory_space<vmem_shared>>
      tpu.enqueue_indirect_dma source(%dma_start3A_126 : memref<100000x8xf32, #tpu.memory_space<vmem_shared>>) target(%dma_start3A_120 : memref<128x8xf32, #tpu.memory_space<vmem>>) offsets(%dma_start3A_123 : memref<128xi32, #tpu.memory_space<vmem>>) semaphore(%arg17 : memref<!tpu.dma_semaphore, #tpu.memory_space<semaphore_mem>>)
      %dma_start3A_127 = arith.constant 10 : i32
      %dma_start3A_128 = arith.constant 1280 : i32
      %dma_start3A_129 = arith.constant 0 : i32
      %dma_start3A_130 = tpu.memref_slice %arg11[%dma_start3A_128, %dma_start3A_129] : memref<1536x8xf32, #tpu.memory_space<vmem>> -> memref<128x8xf32, #tpu.memory_space<vmem>>
      %dma_start3A_131 = arith.constant 0 : i32
      %dma_start3A_132 = tpu.memref_slice %arg10[%dma_start3A_127, %dma_start3A_131] : memref<12x128xi32, #tpu.memory_space<vmem>> -> memref<1x128xi32, #tpu.memory_space<vmem>>
      %dma_start3A_133 = tpu.memref_squeeze %dma_start3A_132 : memref<1x128xi32, #tpu.memory_space<vmem>> -> memref<128xi32, #tpu.memory_space<vmem>>
      %dma_start3A_134 = arith.constant 0 : i32
      %dma_start3A_135 = arith.constant 0 : i32
      %dma_start3A_136 = tpu.memref_slice %arg9[%dma_start3A_134, %dma_start3A_135] : memref<100000x8xf32, #tpu.memory_space<vmem_shared>> -> memref<100000x8xf32, #tpu.memory_space<vmem_shared>>
      tpu.enqueue_indirect_dma source(%dma_start3A_136 : memref<100000x8xf32, #tpu.memory_space<vmem_shared>>) target(%dma_start3A_130 : memref<128x8xf32, #tpu.memory_space<vmem>>) offsets(%dma_start3A_133 : memref<128xi32, #tpu.memory_space<vmem>>) semaphore(%arg17 : memref<!tpu.dma_semaphore, #tpu.memory_space<semaphore_mem>>)
      %dma_start3A_137 = arith.constant 11 : i32
      %dma_start3A_138 = arith.constant 1408 : i32
      %dma_start3A_139 = arith.constant 0 : i32
      %dma_start3A_140 = tpu.memref_slice %arg11[%dma_start3A_138, %dma_start3A_139] : memref<1536x8xf32, #tpu.memory_space<vmem>> -> memref<128x8xf32, #tpu.memory_space<vmem>>
      %dma_start3A_141 = arith.constant 0 : i32
      %dma_start3A_142 = tpu.memref_slice %arg10[%dma_start3A_137, %dma_start3A_141] : memref<12x128xi32, #tpu.memory_space<vmem>> -> memref<1x128xi32, #tpu.memory_space<vmem>>
      %dma_start3A_143 = tpu.memref_squeeze %dma_start3A_142 : memref<1x128xi32, #tpu.memory_space<vmem>> -> memref<128xi32, #tpu.memory_space<vmem>>
      %dma_start3A_144 = arith.constant 0 : i32
      %dma_start3A_145 = arith.constant 0 : i32
      %dma_start3A_146 = tpu.memref_slice %arg9[%dma_start3A_144, %dma_start3A_145] : memref<100000x8xf32, #tpu.memory_space<vmem_shared>> -> memref<100000x8xf32, #tpu.memory_space<vmem_shared>>
      tpu.enqueue_indirect_dma source(%dma_start3A_146 : memref<100000x8xf32, #tpu.memory_space<vmem_shared>>) target(%dma_start3A_140 : memref<128x8xf32, #tpu.memory_space<vmem>>) offsets(%dma_start3A_143 : memref<128xi32, #tpu.memory_space<vmem>>) semaphore(%arg17 : memref<!tpu.dma_semaphore, #tpu.memory_space<semaphore_mem>>)
      %dma_wait3A = arith.constant 0 : i32
      %dma_wait3A_147 = arith.constant 0 : i32
      %dma_wait3A_148 = arith.constant 0 : i32
      %dma_wait3A_149 = tpu.memref_slice %arg11[%dma_wait3A_147, %dma_wait3A_148] : memref<1536x8xf32, #tpu.memory_space<vmem>> -> memref<128x8xf32, #tpu.memory_space<vmem>>
      %dma_wait3A_150 = arith.constant 0 : i32
      %dma_wait3A_151 = tpu.memref_slice %arg10[%dma_wait3A, %dma_wait3A_150] : memref<12x128xi32, #tpu.memory_space<vmem>> -> memref<1x128xi32, #tpu.memory_space<vmem>>
      %dma_wait3A_152 = tpu.memref_squeeze %dma_wait3A_151 : memref<1x128xi32, #tpu.memory_space<vmem>> -> memref<128xi32, #tpu.memory_space<vmem>>
      %dma_wait3A_153 = arith.constant 0 : i32
      %dma_wait3A_154 = arith.constant 0 : i32
      %dma_wait3A_155 = tpu.memref_slice %arg9[%dma_wait3A_153, %dma_wait3A_154] : memref<100000x8xf32, #tpu.memory_space<vmem_shared>> -> memref<100000x8xf32, #tpu.memory_space<vmem_shared>>
      tpu.wait_indirect_dma semaphore(%arg17 : memref<!tpu.dma_semaphore, #tpu.memory_space<semaphore_mem>>) src(%dma_wait3A_155 : memref<100000x8xf32, #tpu.memory_space<vmem_shared>>) dst(%dma_wait3A_149 : memref<128x8xf32, #tpu.memory_space<vmem>>)
      %dma_wait3A_156 = arith.constant 1 : i32
      %dma_wait3A_157 = arith.constant 128 : i32
      %dma_wait3A_158 = arith.constant 0 : i32
      %dma_wait3A_159 = tpu.memref_slice %arg11[%dma_wait3A_157, %dma_wait3A_158] : memref<1536x8xf32, #tpu.memory_space<vmem>> -> memref<128x8xf32, #tpu.memory_space<vmem>>
      %dma_wait3A_160 = arith.constant 0 : i32
      %dma_wait3A_161 = tpu.memref_slice %arg10[%dma_wait3A_156, %dma_wait3A_160] : memref<12x128xi32, #tpu.memory_space<vmem>> -> memref<1x128xi32, #tpu.memory_space<vmem>>
      %dma_wait3A_162 = tpu.memref_squeeze %dma_wait3A_161 : memref<1x128xi32, #tpu.memory_space<vmem>> -> memref<128xi32, #tpu.memory_space<vmem>>
      %dma_wait3A_163 = arith.constant 0 : i32
      %dma_wait3A_164 = arith.constant 0 : i32
      %dma_wait3A_165 = tpu.memref_slice %arg9[%dma_wait3A_163, %dma_wait3A_164] : memref<100000x8xf32, #tpu.memory_space<vmem_shared>> -> memref<100000x8xf32, #tpu.memory_space<vmem_shared>>
      tpu.wait_indirect_dma semaphore(%arg17 : memref<!tpu.dma_semaphore, #tpu.memory_space<semaphore_mem>>) src(%dma_wait3A_165 : memref<100000x8xf32, #tpu.memory_space<vmem_shared>>) dst(%dma_wait3A_159 : memref<128x8xf32, #tpu.memory_space<vmem>>)
      %dma_wait3A_166 = arith.constant 2 : i32
      %dma_wait3A_167 = arith.constant 256 : i32
      %dma_wait3A_168 = arith.constant 0 : i32
      %dma_wait3A_169 = tpu.memref_slice %arg11[%dma_wait3A_167, %dma_wait3A_168] : memref<1536x8xf32, #tpu.memory_space<vmem>> -> memref<128x8xf32, #tpu.memory_space<vmem>>
      %dma_wait3A_170 = arith.constant 0 : i32
      %dma_wait3A_171 = tpu.memref_slice %arg10[%dma_wait3A_166, %dma_wait3A_170] : memref<12x128xi32, #tpu.memory_space<vmem>> -> memref<1x128xi32, #tpu.memory_space<vmem>>
      %dma_wait3A_172 = tpu.memref_squeeze %dma_wait3A_171 : memref<1x128xi32, #tpu.memory_space<vmem>> -> memref<128xi32, #tpu.memory_space<vmem>>
      %dma_wait3A_173 = arith.constant 0 : i32
      %dma_wait3A_174 = arith.constant 0 : i32
      %dma_wait3A_175 = tpu.memref_slice %arg9[%dma_wait3A_173, %dma_wait3A_174] : memref<100000x8xf32, #tpu.memory_space<vmem_shared>> -> memref<100000x8xf32, #tpu.memory_space<vmem_shared>>
      tpu.wait_indirect_dma semaphore(%arg17 : memref<!tpu.dma_semaphore, #tpu.memory_space<semaphore_mem>>) src(%dma_wait3A_175 : memref<100000x8xf32, #tpu.memory_space<vmem_shared>>) dst(%dma_wait3A_169 : memref<128x8xf32, #tpu.memory_space<vmem>>)
      %dma_wait3A_176 = arith.constant 3 : i32
      %dma_wait3A_177 = arith.constant 384 : i32
      %dma_wait3A_178 = arith.constant 0 : i32
      %dma_wait3A_179 = tpu.memref_slice %arg11[%dma_wait3A_177, %dma_wait3A_178] : memref<1536x8xf32, #tpu.memory_space<vmem>> -> memref<128x8xf32, #tpu.memory_space<vmem>>
      %dma_wait3A_180 = arith.constant 0 : i32
      %dma_wait3A_181 = tpu.memref_slice %arg10[%dma_wait3A_176, %dma_wait3A_180] : memref<12x128xi32, #tpu.memory_space<vmem>> -> memref<1x128xi32, #tpu.memory_space<vmem>>
      %dma_wait3A_182 = tpu.memref_squeeze %dma_wait3A_181 : memref<1x128xi32, #tpu.memory_space<vmem>> -> memref<128xi32, #tpu.memory_space<vmem>>
      %dma_wait3A_183 = arith.constant 0 : i32
      %dma_wait3A_184 = arith.constant 0 : i32
      %dma_wait3A_185 = tpu.memref_slice %arg9[%dma_wait3A_183, %dma_wait3A_184] : memref<100000x8xf32, #tpu.memory_space<vmem_shared>> -> memref<100000x8xf32, #tpu.memory_space<vmem_shared>>
      tpu.wait_indirect_dma semaphore(%arg17 : memref<!tpu.dma_semaphore, #tpu.memory_space<semaphore_mem>>) src(%dma_wait3A_185 : memref<100000x8xf32, #tpu.memory_space<vmem_shared>>) dst(%dma_wait3A_179 : memref<128x8xf32, #tpu.memory_space<vmem>>)
      %dma_wait3A_186 = arith.constant 4 : i32
      %dma_wait3A_187 = arith.constant 512 : i32
      %dma_wait3A_188 = arith.constant 0 : i32
      %dma_wait3A_189 = tpu.memref_slice %arg11[%dma_wait3A_187, %dma_wait3A_188] : memref<1536x8xf32, #tpu.memory_space<vmem>> -> memref<128x8xf32, #tpu.memory_space<vmem>>
      %dma_wait3A_190 = arith.constant 0 : i32
      %dma_wait3A_191 = tpu.memref_slice %arg10[%dma_wait3A_186, %dma_wait3A_190] : memref<12x128xi32, #tpu.memory_space<vmem>> -> memref<1x128xi32, #tpu.memory_space<vmem>>
      %dma_wait3A_192 = tpu.memref_squeeze %dma_wait3A_191 : memref<1x128xi32, #tpu.memory_space<vmem>> -> memref<128xi32, #tpu.memory_space<vmem>>
      %dma_wait3A_193 = arith.constant 0 : i32
      %dma_wait3A_194 = arith.constant 0 : i32
      %dma_wait3A_195 = tpu.memref_slice %arg9[%dma_wait3A_193, %dma_wait3A_194] : memref<100000x8xf32, #tpu.memory_space<vmem_shared>> -> memref<100000x8xf32, #tpu.memory_space<vmem_shared>>
      tpu.wait_indirect_dma semaphore(%arg17 : memref<!tpu.dma_semaphore, #tpu.memory_space<semaphore_mem>>) src(%dma_wait3A_195 : memref<100000x8xf32, #tpu.memory_space<vmem_shared>>) dst(%dma_wait3A_189 : memref<128x8xf32, #tpu.memory_space<vmem>>)
      %dma_wait3A_196 = arith.constant 5 : i32
      %dma_wait3A_197 = arith.constant 640 : i32
      %dma_wait3A_198 = arith.constant 0 : i32
      %dma_wait3A_199 = tpu.memref_slice %arg11[%dma_wait3A_197, %dma_wait3A_198] : memref<1536x8xf32, #tpu.memory_space<vmem>> -> memref<128x8xf32, #tpu.memory_space<vmem>>
      %dma_wait3A_200 = arith.constant 0 : i32
      %dma_wait3A_201 = tpu.memref_slice %arg10[%dma_wait3A_196, %dma_wait3A_200] : memref<12x128xi32, #tpu.memory_space<vmem>> -> memref<1x128xi32, #tpu.memory_space<vmem>>
      %dma_wait3A_202 = tpu.memref_squeeze %dma_wait3A_201 : memref<1x128xi32, #tpu.memory_space<vmem>> -> memref<128xi32, #tpu.memory_space<vmem>>
      %dma_wait3A_203 = arith.constant 0 : i32
      %dma_wait3A_204 = arith.constant 0 : i32
      %dma_wait3A_205 = tpu.memref_slice %arg9[%dma_wait3A_203, %dma_wait3A_204] : memref<100000x8xf32, #tpu.memory_space<vmem_shared>> -> memref<100000x8xf32, #tpu.memory_space<vmem_shared>>
      tpu.wait_indirect_dma semaphore(%arg17 : memref<!tpu.dma_semaphore, #tpu.memory_space<semaphore_mem>>) src(%dma_wait3A_205 : memref<100000x8xf32, #tpu.memory_space<vmem_shared>>) dst(%dma_wait3A_199 : memref<128x8xf32, #tpu.memory_space<vmem>>)
      %dma_wait3A_206 = arith.constant 6 : i32
      %dma_wait3A_207 = arith.constant 768 : i32
      %dma_wait3A_208 = arith.constant 0 : i32
      %dma_wait3A_209 = tpu.memref_slice %arg11[%dma_wait3A_207, %dma_wait3A_208] : memref<1536x8xf32, #tpu.memory_space<vmem>> -> memref<128x8xf32, #tpu.memory_space<vmem>>
      %dma_wait3A_210 = arith.constant 0 : i32
      %dma_wait3A_211 = tpu.memref_slice %arg10[%dma_wait3A_206, %dma_wait3A_210] : memref<12x128xi32, #tpu.memory_space<vmem>> -> memref<1x128xi32, #tpu.memory_space<vmem>>
      %dma_wait3A_212 = tpu.memref_squeeze %dma_wait3A_211 : memref<1x128xi32, #tpu.memory_space<vmem>> -> memref<128xi32, #tpu.memory_space<vmem>>
      %dma_wait3A_213 = arith.constant 0 : i32
      %dma_wait3A_214 = arith.constant 0 : i32
      %dma_wait3A_215 = tpu.memref_slice %arg9[%dma_wait3A_213, %dma_wait3A_214] : memref<100000x8xf32, #tpu.memory_space<vmem_shared>> -> memref<100000x8xf32, #tpu.memory_space<vmem_shared>>
      tpu.wait_indirect_dma semaphore(%arg17 : memref<!tpu.dma_semaphore, #tpu.memory_space<semaphore_mem>>) src(%dma_wait3A_215 : memref<100000x8xf32, #tpu.memory_space<vmem_shared>>) dst(%dma_wait3A_209 : memref<128x8xf32, #tpu.memory_space<vmem>>)
      %dma_wait3A_216 = arith.constant 7 : i32
      %dma_wait3A_217 = arith.constant 896 : i32
      %dma_wait3A_218 = arith.constant 0 : i32
      %dma_wait3A_219 = tpu.memref_slice %arg11[%dma_wait3A_217, %dma_wait3A_218] : memref<1536x8xf32, #tpu.memory_space<vmem>> -> memref<128x8xf32, #tpu.memory_space<vmem>>
      %dma_wait3A_220 = arith.constant 0 : i32
      %dma_wait3A_221 = tpu.memref_slice %arg10[%dma_wait3A_216, %dma_wait3A_220] : memref<12x128xi32, #tpu.memory_space<vmem>> -> memref<1x128xi32, #tpu.memory_space<vmem>>
      %dma_wait3A_222 = tpu.memref_squeeze %dma_wait3A_221 : memref<1x128xi32, #tpu.memory_space<vmem>> -> memref<128xi32, #tpu.memory_space<vmem>>
      %dma_wait3A_223 = arith.constant 0 : i32
      %dma_wait3A_224 = arith.constant 0 : i32
      %dma_wait3A_225 = tpu.memref_slice %arg9[%dma_wait3A_223, %dma_wait3A_224] : memref<100000x8xf32, #tpu.memory_space<vmem_shared>> -> memref<100000x8xf32, #tpu.memory_space<vmem_shared>>
      tpu.wait_indirect_dma semaphore(%arg17 : memref<!tpu.dma_semaphore, #tpu.memory_space<semaphore_mem>>) src(%dma_wait3A_225 : memref<100000x8xf32, #tpu.memory_space<vmem_shared>>) dst(%dma_wait3A_219 : memref<128x8xf32, #tpu.memory_space<vmem>>)
      %dma_wait3A_226 = arith.constant 8 : i32
      %dma_wait3A_227 = arith.constant 1024 : i32
      %dma_wait3A_228 = arith.constant 0 : i32
      %dma_wait3A_229 = tpu.memref_slice %arg11[%dma_wait3A_227, %dma_wait3A_228] : memref<1536x8xf32, #tpu.memory_space<vmem>> -> memref<128x8xf32, #tpu.memory_space<vmem>>
      %dma_wait3A_230 = arith.constant 0 : i32
      %dma_wait3A_231 = tpu.memref_slice %arg10[%dma_wait3A_226, %dma_wait3A_230] : memref<12x128xi32, #tpu.memory_space<vmem>> -> memref<1x128xi32, #tpu.memory_space<vmem>>
      %dma_wait3A_232 = tpu.memref_squeeze %dma_wait3A_231 : memref<1x128xi32, #tpu.memory_space<vmem>> -> memref<128xi32, #tpu.memory_space<vmem>>
      %dma_wait3A_233 = arith.constant 0 : i32
      %dma_wait3A_234 = arith.constant 0 : i32
      %dma_wait3A_235 = tpu.memref_slice %arg9[%dma_wait3A_233, %dma_wait3A_234] : memref<100000x8xf32, #tpu.memory_space<vmem_shared>> -> memref<100000x8xf32, #tpu.memory_space<vmem_shared>>
      tpu.wait_indirect_dma semaphore(%arg17 : memref<!tpu.dma_semaphore, #tpu.memory_space<semaphore_mem>>) src(%dma_wait3A_235 : memref<100000x8xf32, #tpu.memory_space<vmem_shared>>) dst(%dma_wait3A_229 : memref<128x8xf32, #tpu.memory_space<vmem>>)
      %dma_wait3A_236 = arith.constant 9 : i32
      %dma_wait3A_237 = arith.constant 1152 : i32
      %dma_wait3A_238 = arith.constant 0 : i32
      %dma_wait3A_239 = tpu.memref_slice %arg11[%dma_wait3A_237, %dma_wait3A_238] : memref<1536x8xf32, #tpu.memory_space<vmem>> -> memref<128x8xf32, #tpu.memory_space<vmem>>
      %dma_wait3A_240 = arith.constant 0 : i32
      %dma_wait3A_241 = tpu.memref_slice %arg10[%dma_wait3A_236, %dma_wait3A_240] : memref<12x128xi32, #tpu.memory_space<vmem>> -> memref<1x128xi32, #tpu.memory_space<vmem>>
      %dma_wait3A_242 = tpu.memref_squeeze %dma_wait3A_241 : memref<1x128xi32, #tpu.memory_space<vmem>> -> memref<128xi32, #tpu.memory_space<vmem>>
      %dma_wait3A_243 = arith.constant 0 : i32
      %dma_wait3A_244 = arith.constant 0 : i32
      %dma_wait3A_245 = tpu.memref_slice %arg9[%dma_wait3A_243, %dma_wait3A_244] : memref<100000x8xf32, #tpu.memory_space<vmem_shared>> -> memref<100000x8xf32, #tpu.memory_space<vmem_shared>>
      tpu.wait_indirect_dma semaphore(%arg17 : memref<!tpu.dma_semaphore, #tpu.memory_space<semaphore_mem>>) src(%dma_wait3A_245 : memref<100000x8xf32, #tpu.memory_space<vmem_shared>>) dst(%dma_wait3A_239 : memref<128x8xf32, #tpu.memory_space<vmem>>)
      %dma_wait3A_246 = arith.constant 10 : i32
      %dma_wait3A_247 = arith.constant 1280 : i32
      %dma_wait3A_248 = arith.constant 0 : i32
      %dma_wait3A_249 = tpu.memref_slice %arg11[%dma_wait3A_247, %dma_wait3A_248] : memref<1536x8xf32, #tpu.memory_space<vmem>> -> memref<128x8xf32, #tpu.memory_space<vmem>>
      %dma_wait3A_250 = arith.constant 0 : i32
      %dma_wait3A_251 = tpu.memref_slice %arg10[%dma_wait3A_246, %dma_wait3A_250] : memref<12x128xi32, #tpu.memory_space<vmem>> -> memref<1x128xi32, #tpu.memory_space<vmem>>
      %dma_wait3A_252 = tpu.memref_squeeze %dma_wait3A_251 : memref<1x128xi32, #tpu.memory_space<vmem>> -> memref<128xi32, #tpu.memory_space<vmem>>
      %dma_wait3A_253 = arith.constant 0 : i32
      %dma_wait3A_254 = arith.constant 0 : i32
      %dma_wait3A_255 = tpu.memref_slice %arg9[%dma_wait3A_253, %dma_wait3A_254] : memref<100000x8xf32, #tpu.memory_space<vmem_shared>> -> memref<100000x8xf32, #tpu.memory_space<vmem_shared>>
      tpu.wait_indirect_dma semaphore(%arg17 : memref<!tpu.dma_semaphore, #tpu.memory_space<semaphore_mem>>) src(%dma_wait3A_255 : memref<100000x8xf32, #tpu.memory_space<vmem_shared>>) dst(%dma_wait3A_249 : memref<128x8xf32, #tpu.memory_space<vmem>>)
      %dma_wait3A_256 = arith.constant 11 : i32
      %dma_wait3A_257 = arith.constant 1408 : i32
      %dma_wait3A_258 = arith.constant 0 : i32
      %dma_wait3A_259 = tpu.memref_slice %arg11[%dma_wait3A_257, %dma_wait3A_258] : memref<1536x8xf32, #tpu.memory_space<vmem>> -> memref<128x8xf32, #tpu.memory_space<vmem>>
      %dma_wait3A_260 = arith.constant 0 : i32
      %dma_wait3A_261 = tpu.memref_slice %arg10[%dma_wait3A_256, %dma_wait3A_260] : memref<12x128xi32, #tpu.memory_space<vmem>> -> memref<1x128xi32, #tpu.memory_space<vmem>>
      %dma_wait3A_262 = tpu.memref_squeeze %dma_wait3A_261 : memref<1x128xi32, #tpu.memory_space<vmem>> -> memref<128xi32, #tpu.memory_space<vmem>>
      %dma_wait3A_263 = arith.constant 0 : i32
      %dma_wait3A_264 = arith.constant 0 : i32
      %dma_wait3A_265 = tpu.memref_slice %arg9[%dma_wait3A_263, %dma_wait3A_264] : memref<100000x8xf32, #tpu.memory_space<vmem_shared>> -> memref<100000x8xf32, #tpu.memory_space<vmem_shared>>
      tpu.wait_indirect_dma semaphore(%arg17 : memref<!tpu.dma_semaphore, #tpu.memory_space<semaphore_mem>>) src(%dma_wait3A_265 : memref<100000x8xf32, #tpu.memory_space<vmem_shared>>) dst(%dma_wait3A_259 : memref<128x8xf32, #tpu.memory_space<vmem>>)
      %scan3A_266 = arith.constant 0 : i32
      %scan3A_267 = arith.constant 0 : i32
      %scan3A_268 = arith.constant 32 : i32
      %scan3A_269 = arith.addi %scan3A_267, %scan3A_268 : i32
      %scan3A_270 = arith.constant 1 : i32
      scf.for %scan3A_272 = %scan3A_267 to %scan3A_269 step %scan3A_270  : i32 {
        %mul3A_273 = arith.constant 48 : i32
        %mul3A_274 = arith.muli %mul3A_273, %scan3A_272 : i32
        %mul3A_275 = arith.constant 3 : i32
        %mul3A_276 = vector.broadcast %mul3A_275 : i32 to vector<16xi32>
        %mul3A_277 = arith.muli %mul3A_276, %iota3A : vector<16xi32>
        %add3A_278 = vector.broadcast %mul3A_274 : i32 to vector<16xi32>
        %add3A_279 = arith.addi %add3A_278, %mul3A_277 : vector<16xi32>
        %broadcast_in_dim3A = arith.constant 0 : i32
        %broadcast_in_dim3A_280 = vector.broadcast %broadcast_in_dim3A : i32 to vector<16xi32>
        %gather3A = tpu.vector_load_idx %arg11[%add3A_279, %broadcast_in_dim3A_280] : memref<1536x8xf32, #tpu.memory_space<vmem>>[vector<16xi32>, vector<16xi32>], vector<16xf32>,
        %add3A_281 = arith.constant 1 : i32
        %add3A_282 = vector.broadcast %add3A_281 : i32 to vector<16xi32>
        %add3A_283 = arith.addi %add3A_279, %add3A_282 : vector<16xi32>
        %gather3A_284 = tpu.vector_load_idx %arg11[%add3A_283, %broadcast_in_dim3A_280] : memref<1536x8xf32, #tpu.memory_space<vmem>>[vector<16xi32>, vector<16xi32>], vector<16xf32>,
        %add3A_285 = arith.addf %gather3A, %gather3A_284 : vector<16xf32>
        %add3A_286 = arith.constant 2 : i32
        %add3A_287 = vector.broadcast %add3A_286 : i32 to vector<16xi32>
        %add3A_288 = arith.addi %add3A_279, %add3A_287 : vector<16xi32>
        %gather3A_289 = tpu.vector_load_idx %arg11[%add3A_288, %broadcast_in_dim3A_280] : memref<1536x8xf32, #tpu.memory_space<vmem>>[vector<16xi32>, vector<16xi32>], vector<16xf32>,
        %add3A_290 = arith.addf %add3A_285, %gather3A_289 : vector<16xf32>
        %mul3A_291 = arith.constant 16 : i32
        %mul3A_292 = arith.muli %mul3A_291, %scan3A_272 : i32
        %swap3A = arith.index_cast %mul3A_292 : i32 to index
        %swap3A_293 = tpu.vector_load %arg12[%swap3A] {strides = array<i32>} : memref<512xf32, #tpu.memory_space<vmem>>, vector<16xf32>,
        tpu.vector_store %arg12[%swap3A], %add3A_290 {strides = array<i32>} : memref<512xf32, #tpu.memory_space<vmem>>, vector<16xf32>,
        %broadcast_in_dim3A_294 = arith.constant 1 : i32
        %broadcast_in_dim3A_295 = vector.broadcast %broadcast_in_dim3A_294 : i32 to vector<16xi32>
        %gather3A_296 = tpu.vector_load_idx %arg11[%add3A_279, %broadcast_in_dim3A_295] : memref<1536x8xf32, #tpu.memory_space<vmem>>[vector<16xi32>, vector<16xi32>], vector<16xf32>,
        %add3A_297 = arith.constant 1 : i32
        %add3A_298 = vector.broadcast %add3A_297 : i32 to vector<16xi32>
        %add3A_299 = arith.addi %add3A_279, %add3A_298 : vector<16xi32>
        %gather3A_300 = tpu.vector_load_idx %arg11[%add3A_299, %broadcast_in_dim3A_295] : memref<1536x8xf32, #tpu.memory_space<vmem>>[vector<16xi32>, vector<16xi32>], vector<16xf32>,
        %add3A_301 = arith.addf %gather3A_296, %gather3A_300 : vector<16xf32>
        %add3A_302 = arith.constant 2 : i32
        %add3A_303 = vector.broadcast %add3A_302 : i32 to vector<16xi32>
        %add3A_304 = arith.addi %add3A_279, %add3A_303 : vector<16xi32>
        %gather3A_305 = tpu.vector_load_idx %arg11[%add3A_304, %broadcast_in_dim3A_295] : memref<1536x8xf32, #tpu.memory_space<vmem>>[vector<16xi32>, vector<16xi32>], vector<16xf32>,
        %add3A_306 = arith.addf %add3A_301, %gather3A_305 : vector<16xf32>
        %mul3A_307 = arith.constant 16 : i32
        %mul3A_308 = arith.muli %mul3A_307, %scan3A_272 : i32
        %swap3A_309 = arith.index_cast %mul3A_308 : i32 to index
        %swap3A_310 = tpu.vector_load %arg13[%swap3A_309] {strides = array<i32>} : memref<512xf32, #tpu.memory_space<vmem>>, vector<16xf32>,
        tpu.vector_store %arg13[%swap3A_309], %add3A_306 {strides = array<i32>} : memref<512xf32, #tpu.memory_space<vmem>>, vector<16xf32>,
        %broadcast_in_dim3A_311 = arith.constant 2 : i32
        %broadcast_in_dim3A_312 = vector.broadcast %broadcast_in_dim3A_311 : i32 to vector<16xi32>
        %gather3A_313 = tpu.vector_load_idx %arg11[%add3A_279, %broadcast_in_dim3A_312] : memref<1536x8xf32, #tpu.memory_space<vmem>>[vector<16xi32>, vector<16xi32>], vector<16xf32>,
        %add3A_314 = arith.constant 1 : i32
        %add3A_315 = vector.broadcast %add3A_314 : i32 to vector<16xi32>
        %add3A_316 = arith.addi %add3A_279, %add3A_315 : vector<16xi32>
        %gather3A_317 = tpu.vector_load_idx %arg11[%add3A_316, %broadcast_in_dim3A_312] : memref<1536x8xf32, #tpu.memory_space<vmem>>[vector<16xi32>, vector<16xi32>], vector<16xf32>,
        %add3A_318 = arith.addf %gather3A_313, %gather3A_317 : vector<16xf32>
        %add3A_319 = arith.constant 2 : i32
        %add3A_320 = vector.broadcast %add3A_319 : i32 to vector<16xi32>
        %add3A_321 = arith.addi %add3A_279, %add3A_320 : vector<16xi32>
        %gather3A_322 = tpu.vector_load_idx %arg11[%add3A_321, %broadcast_in_dim3A_312] : memref<1536x8xf32, #tpu.memory_space<vmem>>[vector<16xi32>, vector<16xi32>], vector<16xf32>,
        %add3A_323 = arith.addf %add3A_318, %gather3A_322 : vector<16xf32>
        %mul3A_324 = arith.constant 16 : i32
        %mul3A_325 = arith.muli %mul3A_324, %scan3A_272 : i32
        %swap3A_326 = arith.index_cast %mul3A_325 : i32 to index
        %swap3A_327 = tpu.vector_load %arg14[%swap3A_326] {strides = array<i32>} : memref<512xf32, #tpu.memory_space<vmem>>, vector<16xf32>,
        tpu.vector_store %arg14[%swap3A_326], %add3A_323 {strides = array<i32>} : memref<512xf32, #tpu.memory_space<vmem>>, vector<16xf32>,
      }
      %scan3A_271 = arith.constant 32 : i32
      "tpu.region"() ({
        %run_scoped3A = tpu.sem_alloc : memref<!tpu.dma_semaphore, #tpu.memory_space<semaphore_mem>>
        %dma_start3A_272 = tpu.memref_slice %arg6[%add3A_22] : memref<204800xf32, #tpu.memory_space<vmem_shared>> -> memref<512xf32, #tpu.memory_space<vmem_shared>>
        %dma_start3A_273 = tpu.memref_slice %arg6[%add3A_22] : memref<204800xf32, #tpu.memory_space<vmem_shared>> -> memref<512xf32, #tpu.memory_space<vmem_shared>>
        tpu.enqueue_dma source(%arg12 : memref<512xf32, #tpu.memory_space<vmem>>) target(%dma_start3A_273 : memref<512xf32, #tpu.memory_space<vmem_shared>>) target_semaphore(%run_scoped3A : memref<!tpu.dma_semaphore, #tpu.memory_space<semaphore_mem>>)
        %dma_wait3A_274 = tpu.memref_slice %arg6[%add3A_22] : memref<204800xf32, #tpu.memory_space<vmem_shared>> -> memref<512xf32, #tpu.memory_space<vmem_shared>>
        %dma_wait3A_275 = tpu.memref_slice %arg6[%add3A_22] : memref<204800xf32, #tpu.memory_space<vmem_shared>> -> memref<512xf32, #tpu.memory_space<vmem_shared>>
        tpu.wait_dma2 semaphore(%run_scoped3A : memref<!tpu.dma_semaphore, #tpu.memory_space<semaphore_mem>>) src(%arg12 : memref<512xf32, #tpu.memory_space<vmem>>) dst(%dma_wait3A_275 : memref<512xf32, #tpu.memory_space<vmem_shared>>)
        tpu.yield
      }) : () -> ()
      "tpu.region"() ({
        %run_scoped3A = tpu.sem_alloc : memref<!tpu.dma_semaphore, #tpu.memory_space<semaphore_mem>>
        %dma_start3A_272 = tpu.memref_slice %arg7[%add3A_22] : memref<204800xf32, #tpu.memory_space<vmem_shared>> -> memref<512xf32, #tpu.memory_space<vmem_shared>>
        %dma_start3A_273 = tpu.memref_slice %arg7[%add3A_22] : memref<204800xf32, #tpu.memory_space<vmem_shared>> -> memref<512xf32, #tpu.memory_space<vmem_shared>>
        tpu.enqueue_dma source(%arg13 : memref<512xf32, #tpu.memory_space<vmem>>) target(%dma_start3A_273 : memref<512xf32, #tpu.memory_space<vmem_shared>>) target_semaphore(%run_scoped3A : memref<!tpu.dma_semaphore, #tpu.memory_space<semaphore_mem>>)
        %dma_wait3A_274 = tpu.memref_slice %arg7[%add3A_22] : memref<204800xf32, #tpu.memory_space<vmem_shared>> -> memref<512xf32, #tpu.memory_space<vmem_shared>>
        %dma_wait3A_275 = tpu.memref_slice %arg7[%add3A_22] : memref<204800xf32, #tpu.memory_space<vmem_shared>> -> memref<512xf32, #tpu.memory_space<vmem_shared>>
        tpu.wait_dma2 semaphore(%run_scoped3A : memref<!tpu.dma_semaphore, #tpu.memory_space<semaphore_mem>>) src(%arg13 : memref<512xf32, #tpu.memory_space<vmem>>) dst(%dma_wait3A_275 : memref<512xf32, #tpu.memory_space<vmem_shared>>)
        tpu.yield
      }) : () -> ()
      "tpu.region"() ({
        %run_scoped3A = tpu.sem_alloc : memref<!tpu.dma_semaphore, #tpu.memory_space<semaphore_mem>>
        %dma_start3A_272 = tpu.memref_slice %arg8[%add3A_22] : memref<204800xf32, #tpu.memory_space<vmem_shared>> -> memref<512xf32, #tpu.memory_space<vmem_shared>>
        %dma_start3A_273 = tpu.memref_slice %arg8[%add3A_22] : memref<204800xf32, #tpu.memory_space<vmem_shared>> -> memref<512xf32, #tpu.memory_space<vmem_shared>>
        tpu.enqueue_dma source(%arg14 : memref<512xf32, #tpu.memory_space<vmem>>) target(%dma_start3A_273 : memref<512xf32, #tpu.memory_space<vmem_shared>>) target_semaphore(%run_scoped3A : memref<!tpu.dma_semaphore, #tpu.memory_space<semaphore_mem>>)
        %dma_wait3A_274 = tpu.memref_slice %arg8[%add3A_22] : memref<204800xf32, #tpu.memory_space<vmem_shared>> -> memref<512xf32, #tpu.memory_space<vmem_shared>>
        %dma_wait3A_275 = tpu.memref_slice %arg8[%add3A_22] : memref<204800xf32, #tpu.memory_space<vmem_shared>> -> memref<512xf32, #tpu.memory_space<vmem_shared>>
        tpu.wait_dma2 semaphore(%run_scoped3A : memref<!tpu.dma_semaphore, #tpu.memory_space<semaphore_mem>>) src(%arg14 : memref<512xf32, #tpu.memory_space<vmem>>) dst(%dma_wait3A_275 : memref<512xf32, #tpu.memory_space<vmem_shared>>)
        tpu.yield
      }) : () -> ()
    }
    %scan3A_9 = arith.constant 25 : i32
    %barrier3A_10 = arith.constant 0 : index
    tpu.barrier barrier_id(%barrier3A_10)
    %scan3A_11 = arith.constant 0 : i32
    %scan3A_12 = arith.constant 0 : i32
    %scan3A_13 = arith.constant 64 : i32
    %scan3A_14 = arith.addi %scan3A_12, %scan3A_13 : i32
    %scan3A_15 = arith.constant 1 : i32
    scf.for %scan3A_17 = %scan3A_12 to %scan3A_14 step %scan3A_15  : i32 {
      %mul3A_18 = arith.constant 64 : i32
      %mul3A_19 = arith.muli %add3A, %mul3A_18 : i32
      %add3A_20 = arith.addi %mul3A_19, %scan3A_17 : i32
      %mul3A_21 = arith.constant 16 : i32
      %mul3A_22 = arith.muli %add3A_20, %mul3A_21 : i32
      "tpu.region"() ({
        %run_scoped3A = tpu.sem_alloc : memref<!tpu.dma_semaphore, #tpu.memory_space<semaphore_mem>>
        %dma_start3A_983 = arith.constant 0 : i32
        %dma_start3A_984 = tpu.memref_slice %arg2[%mul3A_22, %dma_start3A_983] : memref<32768x128xi32, #tpu.memory_space<hbm>> -> memref<16x128xi32, #tpu.memory_space<hbm>>
        %dma_start3A_985 = arith.constant 0 : i32
        %dma_start3A_986 = tpu.memref_slice %arg2[%mul3A_22, %dma_start3A_985] : memref<32768x128xi32, #tpu.memory_space<hbm>> -> memref<16x128xi32, #tpu.memory_space<hbm>>
        tpu.enqueue_dma source(%dma_start3A_986 : memref<16x128xi32, #tpu.memory_space<hbm>>) target(%arg15 : memref<16x128xi32, #tpu.memory_space<vmem>>) target_semaphore(%run_scoped3A : memref<!tpu.dma_semaphore, #tpu.memory_space<semaphore_mem>>)
        %dma_wait3A_987 = arith.constant 0 : i32
        %dma_wait3A_988 = tpu.memref_slice %arg2[%mul3A_22, %dma_wait3A_987] : memref<32768x128xi32, #tpu.memory_space<hbm>> -> memref<16x128xi32, #tpu.memory_space<hbm>>
        %dma_wait3A_989 = arith.constant 0 : i32
        %dma_wait3A_990 = tpu.memref_slice %arg2[%mul3A_22, %dma_wait3A_989] : memref<32768x128xi32, #tpu.memory_space<hbm>> -> memref<16x128xi32, #tpu.memory_space<hbm>>
        tpu.wait_dma2 semaphore(%run_scoped3A : memref<!tpu.dma_semaphore, #tpu.memory_space<semaphore_mem>>) src(%dma_wait3A_990 : memref<16x128xi32, #tpu.memory_space<hbm>>) dst(%arg15 : memref<16x128xi32, #tpu.memory_space<vmem>>)
        tpu.yield
      }) : () -> ()
      %dma_start3A = arith.constant 0 : i32
      %dma_start3A_23 = arith.constant 0 : i32
      %dma_start3A_24 = arith.constant 0 : i32
      %dma_start3A_25 = tpu.memref_slice %arg16[%dma_start3A_23, %dma_start3A_24] : memref<48x128xf32, #tpu.memory_space<vmem>> -> memref<1x128xf32, #tpu.memory_space<vmem>>
      %dma_start3A_26 = tpu.memref_squeeze %dma_start3A_25 : memref<1x128xf32, #tpu.memory_space<vmem>> -> memref<128xf32, #tpu.memory_space<vmem>>
      %dma_start3A_27 = arith.constant 0 : i32
      %dma_start3A_28 = tpu.memref_slice %arg15[%dma_start3A, %dma_start3A_27] : memref<16x128xi32, #tpu.memory_space<vmem>> -> memref<1x128xi32, #tpu.memory_space<vmem>>
      %dma_start3A_29 = tpu.memref_squeeze %dma_start3A_28 : memref<1x128xi32, #tpu.memory_space<vmem>> -> memref<128xi32, #tpu.memory_space<vmem>>
      %dma_start3A_30 = arith.constant 0 : i32
      %dma_start3A_31 = tpu.memref_slice %arg6[%dma_start3A_30] : memref<204800xf32, #tpu.memory_space<vmem_shared>> -> memref<204800xf32, #tpu.memory_space<vmem_shared>>
      tpu.enqueue_indirect_dma source(%dma_start3A_31 : memref<204800xf32, #tpu.memory_space<vmem_shared>>) target(%dma_start3A_26 : memref<128xf32, #tpu.memory_space<vmem>>) offsets(%dma_start3A_29 : memref<128xi32, #tpu.memory_space<vmem>>) semaphore(%arg17 : memref<!tpu.dma_semaphore, #tpu.memory_space<semaphore_mem>>)
      %dma_start3A_32 = arith.constant 1 : i32
      %dma_start3A_33 = arith.constant 1 : i32
      %dma_start3A_34 = arith.constant 0 : i32
      %dma_start3A_35 = tpu.memref_slice %arg16[%dma_start3A_33, %dma_start3A_34] : memref<48x128xf32, #tpu.memory_space<vmem>> -> memref<1x128xf32, #tpu.memory_space<vmem>>
      %dma_start3A_36 = tpu.memref_squeeze %dma_start3A_35 : memref<1x128xf32, #tpu.memory_space<vmem>> -> memref<128xf32, #tpu.memory_space<vmem>>
      %dma_start3A_37 = arith.constant 0 : i32
      %dma_start3A_38 = tpu.memref_slice %arg15[%dma_start3A_32, %dma_start3A_37] : memref<16x128xi32, #tpu.memory_space<vmem>> -> memref<1x128xi32, #tpu.memory_space<vmem>>
      %dma_start3A_39 = tpu.memref_squeeze %dma_start3A_38 : memref<1x128xi32, #tpu.memory_space<vmem>> -> memref<128xi32, #tpu.memory_space<vmem>>
      %dma_start3A_40 = arith.constant 0 : i32
      %dma_start3A_41 = tpu.memref_slice %arg6[%dma_start3A_40] : memref<204800xf32, #tpu.memory_space<vmem_shared>> -> memref<204800xf32, #tpu.memory_space<vmem_shared>>
      tpu.enqueue_indirect_dma source(%dma_start3A_41 : memref<204800xf32, #tpu.memory_space<vmem_shared>>) target(%dma_start3A_36 : memref<128xf32, #tpu.memory_space<vmem>>) offsets(%dma_start3A_39 : memref<128xi32, #tpu.memory_space<vmem>>) semaphore(%arg17 : memref<!tpu.dma_semaphore, #tpu.memory_space<semaphore_mem>>)
      %dma_start3A_42 = arith.constant 2 : i32
      %dma_start3A_43 = arith.constant 2 : i32
      %dma_start3A_44 = arith.constant 0 : i32
      %dma_start3A_45 = tpu.memref_slice %arg16[%dma_start3A_43, %dma_start3A_44] : memref<48x128xf32, #tpu.memory_space<vmem>> -> memref<1x128xf32, #tpu.memory_space<vmem>>
      %dma_start3A_46 = tpu.memref_squeeze %dma_start3A_45 : memref<1x128xf32, #tpu.memory_space<vmem>> -> memref<128xf32, #tpu.memory_space<vmem>>
      %dma_start3A_47 = arith.constant 0 : i32
      %dma_start3A_48 = tpu.memref_slice %arg15[%dma_start3A_42, %dma_start3A_47] : memref<16x128xi32, #tpu.memory_space<vmem>> -> memref<1x128xi32, #tpu.memory_space<vmem>>
      %dma_start3A_49 = tpu.memref_squeeze %dma_start3A_48 : memref<1x128xi32, #tpu.memory_space<vmem>> -> memref<128xi32, #tpu.memory_space<vmem>>
      %dma_start3A_50 = arith.constant 0 : i32
      %dma_start3A_51 = tpu.memref_slice %arg6[%dma_start3A_50] : memref<204800xf32, #tpu.memory_space<vmem_shared>> -> memref<204800xf32, #tpu.memory_space<vmem_shared>>
      tpu.enqueue_indirect_dma source(%dma_start3A_51 : memref<204800xf32, #tpu.memory_space<vmem_shared>>) target(%dma_start3A_46 : memref<128xf32, #tpu.memory_space<vmem>>) offsets(%dma_start3A_49 : memref<128xi32, #tpu.memory_space<vmem>>) semaphore(%arg17 : memref<!tpu.dma_semaphore, #tpu.memory_space<semaphore_mem>>)
      %dma_start3A_52 = arith.constant 3 : i32
      %dma_start3A_53 = arith.constant 3 : i32
      %dma_start3A_54 = arith.constant 0 : i32
      %dma_start3A_55 = tpu.memref_slice %arg16[%dma_start3A_53, %dma_start3A_54] : memref<48x128xf32, #tpu.memory_space<vmem>> -> memref<1x128xf32, #tpu.memory_space<vmem>>
      %dma_start3A_56 = tpu.memref_squeeze %dma_start3A_55 : memref<1x128xf32, #tpu.memory_space<vmem>> -> memref<128xf32, #tpu.memory_space<vmem>>
      %dma_start3A_57 = arith.constant 0 : i32
      %dma_start3A_58 = tpu.memref_slice %arg15[%dma_start3A_52, %dma_start3A_57] : memref<16x128xi32, #tpu.memory_space<vmem>> -> memref<1x128xi32, #tpu.memory_space<vmem>>
      %dma_start3A_59 = tpu.memref_squeeze %dma_start3A_58 : memref<1x128xi32, #tpu.memory_space<vmem>> -> memref<128xi32, #tpu.memory_space<vmem>>
      %dma_start3A_60 = arith.constant 0 : i32
      %dma_start3A_61 = tpu.memref_slice %arg6[%dma_start3A_60] : memref<204800xf32, #tpu.memory_space<vmem_shared>> -> memref<204800xf32, #tpu.memory_space<vmem_shared>>
      tpu.enqueue_indirect_dma source(%dma_start3A_61 : memref<204800xf32, #tpu.memory_space<vmem_shared>>) target(%dma_start3A_56 : memref<128xf32, #tpu.memory_space<vmem>>) offsets(%dma_start3A_59 : memref<128xi32, #tpu.memory_space<vmem>>) semaphore(%arg17 : memref<!tpu.dma_semaphore, #tpu.memory_space<semaphore_mem>>)
      %dma_start3A_62 = arith.constant 4 : i32
      %dma_start3A_63 = arith.constant 4 : i32
      %dma_start3A_64 = arith.constant 0 : i32
      %dma_start3A_65 = tpu.memref_slice %arg16[%dma_start3A_63, %dma_start3A_64] : memref<48x128xf32, #tpu.memory_space<vmem>> -> memref<1x128xf32, #tpu.memory_space<vmem>>
      %dma_start3A_66 = tpu.memref_squeeze %dma_start3A_65 : memref<1x128xf32, #tpu.memory_space<vmem>> -> memref<128xf32, #tpu.memory_space<vmem>>
      %dma_start3A_67 = arith.constant 0 : i32
      %dma_start3A_68 = tpu.memref_slice %arg15[%dma_start3A_62, %dma_start3A_67] : memref<16x128xi32, #tpu.memory_space<vmem>> -> memref<1x128xi32, #tpu.memory_space<vmem>>
      %dma_start3A_69 = tpu.memref_squeeze %dma_start3A_68 : memref<1x128xi32, #tpu.memory_space<vmem>> -> memref<128xi32, #tpu.memory_space<vmem>>
      %dma_start3A_70 = arith.constant 0 : i32
      %dma_start3A_71 = tpu.memref_slice %arg6[%dma_start3A_70] : memref<204800xf32, #tpu.memory_space<vmem_shared>> -> memref<204800xf32, #tpu.memory_space<vmem_shared>>
      tpu.enqueue_indirect_dma source(%dma_start3A_71 : memref<204800xf32, #tpu.memory_space<vmem_shared>>) target(%dma_start3A_66 : memref<128xf32, #tpu.memory_space<vmem>>) offsets(%dma_start3A_69 : memref<128xi32, #tpu.memory_space<vmem>>) semaphore(%arg17 : memref<!tpu.dma_semaphore, #tpu.memory_space<semaphore_mem>>)
      %dma_start3A_72 = arith.constant 5 : i32
      %dma_start3A_73 = arith.constant 5 : i32
      %dma_start3A_74 = arith.constant 0 : i32
      %dma_start3A_75 = tpu.memref_slice %arg16[%dma_start3A_73, %dma_start3A_74] : memref<48x128xf32, #tpu.memory_space<vmem>> -> memref<1x128xf32, #tpu.memory_space<vmem>>
      %dma_start3A_76 = tpu.memref_squeeze %dma_start3A_75 : memref<1x128xf32, #tpu.memory_space<vmem>> -> memref<128xf32, #tpu.memory_space<vmem>>
      %dma_start3A_77 = arith.constant 0 : i32
      %dma_start3A_78 = tpu.memref_slice %arg15[%dma_start3A_72, %dma_start3A_77] : memref<16x128xi32, #tpu.memory_space<vmem>> -> memref<1x128xi32, #tpu.memory_space<vmem>>
      %dma_start3A_79 = tpu.memref_squeeze %dma_start3A_78 : memref<1x128xi32, #tpu.memory_space<vmem>> -> memref<128xi32, #tpu.memory_space<vmem>>
      %dma_start3A_80 = arith.constant 0 : i32
      %dma_start3A_81 = tpu.memref_slice %arg6[%dma_start3A_80] : memref<204800xf32, #tpu.memory_space<vmem_shared>> -> memref<204800xf32, #tpu.memory_space<vmem_shared>>
      tpu.enqueue_indirect_dma source(%dma_start3A_81 : memref<204800xf32, #tpu.memory_space<vmem_shared>>) target(%dma_start3A_76 : memref<128xf32, #tpu.memory_space<vmem>>) offsets(%dma_start3A_79 : memref<128xi32, #tpu.memory_space<vmem>>) semaphore(%arg17 : memref<!tpu.dma_semaphore, #tpu.memory_space<semaphore_mem>>)
      %dma_start3A_82 = arith.constant 6 : i32
      %dma_start3A_83 = arith.constant 6 : i32
      %dma_start3A_84 = arith.constant 0 : i32
      %dma_start3A_85 = tpu.memref_slice %arg16[%dma_start3A_83, %dma_start3A_84] : memref<48x128xf32, #tpu.memory_space<vmem>> -> memref<1x128xf32, #tpu.memory_space<vmem>>
      %dma_start3A_86 = tpu.memref_squeeze %dma_start3A_85 : memref<1x128xf32, #tpu.memory_space<vmem>> -> memref<128xf32, #tpu.memory_space<vmem>>
      %dma_start3A_87 = arith.constant 0 : i32
      %dma_start3A_88 = tpu.memref_slice %arg15[%dma_start3A_82, %dma_start3A_87] : memref<16x128xi32, #tpu.memory_space<vmem>> -> memref<1x128xi32, #tpu.memory_space<vmem>>
      %dma_start3A_89 = tpu.memref_squeeze %dma_start3A_88 : memref<1x128xi32, #tpu.memory_space<vmem>> -> memref<128xi32, #tpu.memory_space<vmem>>
      %dma_start3A_90 = arith.constant 0 : i32
      %dma_start3A_91 = tpu.memref_slice %arg6[%dma_start3A_90] : memref<204800xf32, #tpu.memory_space<vmem_shared>> -> memref<204800xf32, #tpu.memory_space<vmem_shared>>
      tpu.enqueue_indirect_dma source(%dma_start3A_91 : memref<204800xf32, #tpu.memory_space<vmem_shared>>) target(%dma_start3A_86 : memref<128xf32, #tpu.memory_space<vmem>>) offsets(%dma_start3A_89 : memref<128xi32, #tpu.memory_space<vmem>>) semaphore(%arg17 : memref<!tpu.dma_semaphore, #tpu.memory_space<semaphore_mem>>)
      %dma_start3A_92 = arith.constant 7 : i32
      %dma_start3A_93 = arith.constant 7 : i32
      %dma_start3A_94 = arith.constant 0 : i32
      %dma_start3A_95 = tpu.memref_slice %arg16[%dma_start3A_93, %dma_start3A_94] : memref<48x128xf32, #tpu.memory_space<vmem>> -> memref<1x128xf32, #tpu.memory_space<vmem>>
      %dma_start3A_96 = tpu.memref_squeeze %dma_start3A_95 : memref<1x128xf32, #tpu.memory_space<vmem>> -> memref<128xf32, #tpu.memory_space<vmem>>
      %dma_start3A_97 = arith.constant 0 : i32
      %dma_start3A_98 = tpu.memref_slice %arg15[%dma_start3A_92, %dma_start3A_97] : memref<16x128xi32, #tpu.memory_space<vmem>> -> memref<1x128xi32, #tpu.memory_space<vmem>>
      %dma_start3A_99 = tpu.memref_squeeze %dma_start3A_98 : memref<1x128xi32, #tpu.memory_space<vmem>> -> memref<128xi32, #tpu.memory_space<vmem>>
      %dma_start3A_100 = arith.constant 0 : i32
      %dma_start3A_101 = tpu.memref_slice %arg6[%dma_start3A_100] : memref<204800xf32, #tpu.memory_space<vmem_shared>> -> memref<204800xf32, #tpu.memory_space<vmem_shared>>
      tpu.enqueue_indirect_dma source(%dma_start3A_101 : memref<204800xf32, #tpu.memory_space<vmem_shared>>) target(%dma_start3A_96 : memref<128xf32, #tpu.memory_space<vmem>>) offsets(%dma_start3A_99 : memref<128xi32, #tpu.memory_space<vmem>>) semaphore(%arg17 : memref<!tpu.dma_semaphore, #tpu.memory_space<semaphore_mem>>)
      %dma_start3A_102 = arith.constant 8 : i32
      %dma_start3A_103 = arith.constant 8 : i32
      %dma_start3A_104 = arith.constant 0 : i32
      %dma_start3A_105 = tpu.memref_slice %arg16[%dma_start3A_103, %dma_start3A_104] : memref<48x128xf32, #tpu.memory_space<vmem>> -> memref<1x128xf32, #tpu.memory_space<vmem>>
      %dma_start3A_106 = tpu.memref_squeeze %dma_start3A_105 : memref<1x128xf32, #tpu.memory_space<vmem>> -> memref<128xf32, #tpu.memory_space<vmem>>
      %dma_start3A_107 = arith.constant 0 : i32
      %dma_start3A_108 = tpu.memref_slice %arg15[%dma_start3A_102, %dma_start3A_107] : memref<16x128xi32, #tpu.memory_space<vmem>> -> memref<1x128xi32, #tpu.memory_space<vmem>>
      %dma_start3A_109 = tpu.memref_squeeze %dma_start3A_108 : memref<1x128xi32, #tpu.memory_space<vmem>> -> memref<128xi32, #tpu.memory_space<vmem>>
      %dma_start3A_110 = arith.constant 0 : i32
      %dma_start3A_111 = tpu.memref_slice %arg6[%dma_start3A_110] : memref<204800xf32, #tpu.memory_space<vmem_shared>> -> memref<204800xf32, #tpu.memory_space<vmem_shared>>
      tpu.enqueue_indirect_dma source(%dma_start3A_111 : memref<204800xf32, #tpu.memory_space<vmem_shared>>) target(%dma_start3A_106 : memref<128xf32, #tpu.memory_space<vmem>>) offsets(%dma_start3A_109 : memref<128xi32, #tpu.memory_space<vmem>>) semaphore(%arg17 : memref<!tpu.dma_semaphore, #tpu.memory_space<semaphore_mem>>)
      %dma_start3A_112 = arith.constant 9 : i32
      %dma_start3A_113 = arith.constant 9 : i32
      %dma_start3A_114 = arith.constant 0 : i32
      %dma_start3A_115 = tpu.memref_slice %arg16[%dma_start3A_113, %dma_start3A_114] : memref<48x128xf32, #tpu.memory_space<vmem>> -> memref<1x128xf32, #tpu.memory_space<vmem>>
      %dma_start3A_116 = tpu.memref_squeeze %dma_start3A_115 : memref<1x128xf32, #tpu.memory_space<vmem>> -> memref<128xf32, #tpu.memory_space<vmem>>
      %dma_start3A_117 = arith.constant 0 : i32
      %dma_start3A_118 = tpu.memref_slice %arg15[%dma_start3A_112, %dma_start3A_117] : memref<16x128xi32, #tpu.memory_space<vmem>> -> memref<1x128xi32, #tpu.memory_space<vmem>>
      %dma_start3A_119 = tpu.memref_squeeze %dma_start3A_118 : memref<1x128xi32, #tpu.memory_space<vmem>> -> memref<128xi32, #tpu.memory_space<vmem>>
      %dma_start3A_120 = arith.constant 0 : i32
      %dma_start3A_121 = tpu.memref_slice %arg6[%dma_start3A_120] : memref<204800xf32, #tpu.memory_space<vmem_shared>> -> memref<204800xf32, #tpu.memory_space<vmem_shared>>
      tpu.enqueue_indirect_dma source(%dma_start3A_121 : memref<204800xf32, #tpu.memory_space<vmem_shared>>) target(%dma_start3A_116 : memref<128xf32, #tpu.memory_space<vmem>>) offsets(%dma_start3A_119 : memref<128xi32, #tpu.memory_space<vmem>>) semaphore(%arg17 : memref<!tpu.dma_semaphore, #tpu.memory_space<semaphore_mem>>)
      %dma_start3A_122 = arith.constant 10 : i32
      %dma_start3A_123 = arith.constant 10 : i32
      %dma_start3A_124 = arith.constant 0 : i32
      %dma_start3A_125 = tpu.memref_slice %arg16[%dma_start3A_123, %dma_start3A_124] : memref<48x128xf32, #tpu.memory_space<vmem>> -> memref<1x128xf32, #tpu.memory_space<vmem>>
      %dma_start3A_126 = tpu.memref_squeeze %dma_start3A_125 : memref<1x128xf32, #tpu.memory_space<vmem>> -> memref<128xf32, #tpu.memory_space<vmem>>
      %dma_start3A_127 = arith.constant 0 : i32
      %dma_start3A_128 = tpu.memref_slice %arg15[%dma_start3A_122, %dma_start3A_127] : memref<16x128xi32, #tpu.memory_space<vmem>> -> memref<1x128xi32, #tpu.memory_space<vmem>>
      %dma_start3A_129 = tpu.memref_squeeze %dma_start3A_128 : memref<1x128xi32, #tpu.memory_space<vmem>> -> memref<128xi32, #tpu.memory_space<vmem>>
      %dma_start3A_130 = arith.constant 0 : i32
      %dma_start3A_131 = tpu.memref_slice %arg6[%dma_start3A_130] : memref<204800xf32, #tpu.memory_space<vmem_shared>> -> memref<204800xf32, #tpu.memory_space<vmem_shared>>
      tpu.enqueue_indirect_dma source(%dma_start3A_131 : memref<204800xf32, #tpu.memory_space<vmem_shared>>) target(%dma_start3A_126 : memref<128xf32, #tpu.memory_space<vmem>>) offsets(%dma_start3A_129 : memref<128xi32, #tpu.memory_space<vmem>>) semaphore(%arg17 : memref<!tpu.dma_semaphore, #tpu.memory_space<semaphore_mem>>)
      %dma_start3A_132 = arith.constant 11 : i32
      %dma_start3A_133 = arith.constant 11 : i32
      %dma_start3A_134 = arith.constant 0 : i32
      %dma_start3A_135 = tpu.memref_slice %arg16[%dma_start3A_133, %dma_start3A_134] : memref<48x128xf32, #tpu.memory_space<vmem>> -> memref<1x128xf32, #tpu.memory_space<vmem>>
      %dma_start3A_136 = tpu.memref_squeeze %dma_start3A_135 : memref<1x128xf32, #tpu.memory_space<vmem>> -> memref<128xf32, #tpu.memory_space<vmem>>
      %dma_start3A_137 = arith.constant 0 : i32
      %dma_start3A_138 = tpu.memref_slice %arg15[%dma_start3A_132, %dma_start3A_137] : memref<16x128xi32, #tpu.memory_space<vmem>> -> memref<1x128xi32, #tpu.memory_space<vmem>>
      %dma_start3A_139 = tpu.memref_squeeze %dma_start3A_138 : memref<1x128xi32, #tpu.memory_space<vmem>> -> memref<128xi32, #tpu.memory_space<vmem>>
      %dma_start3A_140 = arith.constant 0 : i32
      %dma_start3A_141 = tpu.memref_slice %arg6[%dma_start3A_140] : memref<204800xf32, #tpu.memory_space<vmem_shared>> -> memref<204800xf32, #tpu.memory_space<vmem_shared>>
      tpu.enqueue_indirect_dma source(%dma_start3A_141 : memref<204800xf32, #tpu.memory_space<vmem_shared>>) target(%dma_start3A_136 : memref<128xf32, #tpu.memory_space<vmem>>) offsets(%dma_start3A_139 : memref<128xi32, #tpu.memory_space<vmem>>) semaphore(%arg17 : memref<!tpu.dma_semaphore, #tpu.memory_space<semaphore_mem>>)
      %dma_start3A_142 = arith.constant 12 : i32
      %dma_start3A_143 = arith.constant 12 : i32
      %dma_start3A_144 = arith.constant 0 : i32
      %dma_start3A_145 = tpu.memref_slice %arg16[%dma_start3A_143, %dma_start3A_144] : memref<48x128xf32, #tpu.memory_space<vmem>> -> memref<1x128xf32, #tpu.memory_space<vmem>>
      %dma_start3A_146 = tpu.memref_squeeze %dma_start3A_145 : memref<1x128xf32, #tpu.memory_space<vmem>> -> memref<128xf32, #tpu.memory_space<vmem>>
      %dma_start3A_147 = arith.constant 0 : i32
      %dma_start3A_148 = tpu.memref_slice %arg15[%dma_start3A_142, %dma_start3A_147] : memref<16x128xi32, #tpu.memory_space<vmem>> -> memref<1x128xi32, #tpu.memory_space<vmem>>
      %dma_start3A_149 = tpu.memref_squeeze %dma_start3A_148 : memref<1x128xi32, #tpu.memory_space<vmem>> -> memref<128xi32, #tpu.memory_space<vmem>>
      %dma_start3A_150 = arith.constant 0 : i32
      %dma_start3A_151 = tpu.memref_slice %arg6[%dma_start3A_150] : memref<204800xf32, #tpu.memory_space<vmem_shared>> -> memref<204800xf32, #tpu.memory_space<vmem_shared>>
      tpu.enqueue_indirect_dma source(%dma_start3A_151 : memref<204800xf32, #tpu.memory_space<vmem_shared>>) target(%dma_start3A_146 : memref<128xf32, #tpu.memory_space<vmem>>) offsets(%dma_start3A_149 : memref<128xi32, #tpu.memory_space<vmem>>) semaphore(%arg17 : memref<!tpu.dma_semaphore, #tpu.memory_space<semaphore_mem>>)
      %dma_start3A_152 = arith.constant 13 : i32
      %dma_start3A_153 = arith.constant 13 : i32
      %dma_start3A_154 = arith.constant 0 : i32
      %dma_start3A_155 = tpu.memref_slice %arg16[%dma_start3A_153, %dma_start3A_154] : memref<48x128xf32, #tpu.memory_space<vmem>> -> memref<1x128xf32, #tpu.memory_space<vmem>>
      %dma_start3A_156 = tpu.memref_squeeze %dma_start3A_155 : memref<1x128xf32, #tpu.memory_space<vmem>> -> memref<128xf32, #tpu.memory_space<vmem>>
      %dma_start3A_157 = arith.constant 0 : i32
      %dma_start3A_158 = tpu.memref_slice %arg15[%dma_start3A_152, %dma_start3A_157] : memref<16x128xi32, #tpu.memory_space<vmem>> -> memref<1x128xi32, #tpu.memory_space<vmem>>
      %dma_start3A_159 = tpu.memref_squeeze %dma_start3A_158 : memref<1x128xi32, #tpu.memory_space<vmem>> -> memref<128xi32, #tpu.memory_space<vmem>>
      %dma_start3A_160 = arith.constant 0 : i32
      %dma_start3A_161 = tpu.memref_slice %arg6[%dma_start3A_160] : memref<204800xf32, #tpu.memory_space<vmem_shared>> -> memref<204800xf32, #tpu.memory_space<vmem_shared>>
      tpu.enqueue_indirect_dma source(%dma_start3A_161 : memref<204800xf32, #tpu.memory_space<vmem_shared>>) target(%dma_start3A_156 : memref<128xf32, #tpu.memory_space<vmem>>) offsets(%dma_start3A_159 : memref<128xi32, #tpu.memory_space<vmem>>) semaphore(%arg17 : memref<!tpu.dma_semaphore, #tpu.memory_space<semaphore_mem>>)
      %dma_start3A_162 = arith.constant 14 : i32
      %dma_start3A_163 = arith.constant 14 : i32
      %dma_start3A_164 = arith.constant 0 : i32
      %dma_start3A_165 = tpu.memref_slice %arg16[%dma_start3A_163, %dma_start3A_164] : memref<48x128xf32, #tpu.memory_space<vmem>> -> memref<1x128xf32, #tpu.memory_space<vmem>>
      %dma_start3A_166 = tpu.memref_squeeze %dma_start3A_165 : memref<1x128xf32, #tpu.memory_space<vmem>> -> memref<128xf32, #tpu.memory_space<vmem>>
      %dma_start3A_167 = arith.constant 0 : i32
      %dma_start3A_168 = tpu.memref_slice %arg15[%dma_start3A_162, %dma_start3A_167] : memref<16x128xi32, #tpu.memory_space<vmem>> -> memref<1x128xi32, #tpu.memory_space<vmem>>
      %dma_start3A_169 = tpu.memref_squeeze %dma_start3A_168 : memref<1x128xi32, #tpu.memory_space<vmem>> -> memref<128xi32, #tpu.memory_space<vmem>>
      %dma_start3A_170 = arith.constant 0 : i32
      %dma_start3A_171 = tpu.memref_slice %arg6[%dma_start3A_170] : memref<204800xf32, #tpu.memory_space<vmem_shared>> -> memref<204800xf32, #tpu.memory_space<vmem_shared>>
      tpu.enqueue_indirect_dma source(%dma_start3A_171 : memref<204800xf32, #tpu.memory_space<vmem_shared>>) target(%dma_start3A_166 : memref<128xf32, #tpu.memory_space<vmem>>) offsets(%dma_start3A_169 : memref<128xi32, #tpu.memory_space<vmem>>) semaphore(%arg17 : memref<!tpu.dma_semaphore, #tpu.memory_space<semaphore_mem>>)
      %dma_start3A_172 = arith.constant 15 : i32
      %dma_start3A_173 = arith.constant 15 : i32
      %dma_start3A_174 = arith.constant 0 : i32
      %dma_start3A_175 = tpu.memref_slice %arg16[%dma_start3A_173, %dma_start3A_174] : memref<48x128xf32, #tpu.memory_space<vmem>> -> memref<1x128xf32, #tpu.memory_space<vmem>>
      %dma_start3A_176 = tpu.memref_squeeze %dma_start3A_175 : memref<1x128xf32, #tpu.memory_space<vmem>> -> memref<128xf32, #tpu.memory_space<vmem>>
      %dma_start3A_177 = arith.constant 0 : i32
      %dma_start3A_178 = tpu.memref_slice %arg15[%dma_start3A_172, %dma_start3A_177] : memref<16x128xi32, #tpu.memory_space<vmem>> -> memref<1x128xi32, #tpu.memory_space<vmem>>
      %dma_start3A_179 = tpu.memref_squeeze %dma_start3A_178 : memref<1x128xi32, #tpu.memory_space<vmem>> -> memref<128xi32, #tpu.memory_space<vmem>>
      %dma_start3A_180 = arith.constant 0 : i32
      %dma_start3A_181 = tpu.memref_slice %arg6[%dma_start3A_180] : memref<204800xf32, #tpu.memory_space<vmem_shared>> -> memref<204800xf32, #tpu.memory_space<vmem_shared>>
      tpu.enqueue_indirect_dma source(%dma_start3A_181 : memref<204800xf32, #tpu.memory_space<vmem_shared>>) target(%dma_start3A_176 : memref<128xf32, #tpu.memory_space<vmem>>) offsets(%dma_start3A_179 : memref<128xi32, #tpu.memory_space<vmem>>) semaphore(%arg17 : memref<!tpu.dma_semaphore, #tpu.memory_space<semaphore_mem>>)
      %dma_start3A_182 = arith.constant 0 : i32
      %dma_start3A_183 = arith.constant 16 : i32
      %dma_start3A_184 = arith.constant 0 : i32
      %dma_start3A_185 = tpu.memref_slice %arg16[%dma_start3A_183, %dma_start3A_184] : memref<48x128xf32, #tpu.memory_space<vmem>> -> memref<1x128xf32, #tpu.memory_space<vmem>>
      %dma_start3A_186 = tpu.memref_squeeze %dma_start3A_185 : memref<1x128xf32, #tpu.memory_space<vmem>> -> memref<128xf32, #tpu.memory_space<vmem>>
      %dma_start3A_187 = arith.constant 0 : i32
      %dma_start3A_188 = tpu.memref_slice %arg15[%dma_start3A_182, %dma_start3A_187] : memref<16x128xi32, #tpu.memory_space<vmem>> -> memref<1x128xi32, #tpu.memory_space<vmem>>
      %dma_start3A_189 = tpu.memref_squeeze %dma_start3A_188 : memref<1x128xi32, #tpu.memory_space<vmem>> -> memref<128xi32, #tpu.memory_space<vmem>>
      %dma_start3A_190 = arith.constant 0 : i32
      %dma_start3A_191 = tpu.memref_slice %arg7[%dma_start3A_190] : memref<204800xf32, #tpu.memory_space<vmem_shared>> -> memref<204800xf32, #tpu.memory_space<vmem_shared>>
      tpu.enqueue_indirect_dma source(%dma_start3A_191 : memref<204800xf32, #tpu.memory_space<vmem_shared>>) target(%dma_start3A_186 : memref<128xf32, #tpu.memory_space<vmem>>) offsets(%dma_start3A_189 : memref<128xi32, #tpu.memory_space<vmem>>) semaphore(%arg17 : memref<!tpu.dma_semaphore, #tpu.memory_space<semaphore_mem>>)
      %dma_start3A_192 = arith.constant 1 : i32
      %dma_start3A_193 = arith.constant 17 : i32
      %dma_start3A_194 = arith.constant 0 : i32
      %dma_start3A_195 = tpu.memref_slice %arg16[%dma_start3A_193, %dma_start3A_194] : memref<48x128xf32, #tpu.memory_space<vmem>> -> memref<1x128xf32, #tpu.memory_space<vmem>>
      %dma_start3A_196 = tpu.memref_squeeze %dma_start3A_195 : memref<1x128xf32, #tpu.memory_space<vmem>> -> memref<128xf32, #tpu.memory_space<vmem>>
      %dma_start3A_197 = arith.constant 0 : i32
      %dma_start3A_198 = tpu.memref_slice %arg15[%dma_start3A_192, %dma_start3A_197] : memref<16x128xi32, #tpu.memory_space<vmem>> -> memref<1x128xi32, #tpu.memory_space<vmem>>
      %dma_start3A_199 = tpu.memref_squeeze %dma_start3A_198 : memref<1x128xi32, #tpu.memory_space<vmem>> -> memref<128xi32, #tpu.memory_space<vmem>>
      %dma_start3A_200 = arith.constant 0 : i32
      %dma_start3A_201 = tpu.memref_slice %arg7[%dma_start3A_200] : memref<204800xf32, #tpu.memory_space<vmem_shared>> -> memref<204800xf32, #tpu.memory_space<vmem_shared>>
      tpu.enqueue_indirect_dma source(%dma_start3A_201 : memref<204800xf32, #tpu.memory_space<vmem_shared>>) target(%dma_start3A_196 : memref<128xf32, #tpu.memory_space<vmem>>) offsets(%dma_start3A_199 : memref<128xi32, #tpu.memory_space<vmem>>) semaphore(%arg17 : memref<!tpu.dma_semaphore, #tpu.memory_space<semaphore_mem>>)
      %dma_start3A_202 = arith.constant 2 : i32
      %dma_start3A_203 = arith.constant 18 : i32
      %dma_start3A_204 = arith.constant 0 : i32
      %dma_start3A_205 = tpu.memref_slice %arg16[%dma_start3A_203, %dma_start3A_204] : memref<48x128xf32, #tpu.memory_space<vmem>> -> memref<1x128xf32, #tpu.memory_space<vmem>>
      %dma_start3A_206 = tpu.memref_squeeze %dma_start3A_205 : memref<1x128xf32, #tpu.memory_space<vmem>> -> memref<128xf32, #tpu.memory_space<vmem>>
      %dma_start3A_207 = arith.constant 0 : i32
      %dma_start3A_208 = tpu.memref_slice %arg15[%dma_start3A_202, %dma_start3A_207] : memref<16x128xi32, #tpu.memory_space<vmem>> -> memref<1x128xi32, #tpu.memory_space<vmem>>
      %dma_start3A_209 = tpu.memref_squeeze %dma_start3A_208 : memref<1x128xi32, #tpu.memory_space<vmem>> -> memref<128xi32, #tpu.memory_space<vmem>>
      %dma_start3A_210 = arith.constant 0 : i32
      %dma_start3A_211 = tpu.memref_slice %arg7[%dma_start3A_210] : memref<204800xf32, #tpu.memory_space<vmem_shared>> -> memref<204800xf32, #tpu.memory_space<vmem_shared>>
      tpu.enqueue_indirect_dma source(%dma_start3A_211 : memref<204800xf32, #tpu.memory_space<vmem_shared>>) target(%dma_start3A_206 : memref<128xf32, #tpu.memory_space<vmem>>) offsets(%dma_start3A_209 : memref<128xi32, #tpu.memory_space<vmem>>) semaphore(%arg17 : memref<!tpu.dma_semaphore, #tpu.memory_space<semaphore_mem>>)
      %dma_start3A_212 = arith.constant 3 : i32
      %dma_start3A_213 = arith.constant 19 : i32
      %dma_start3A_214 = arith.constant 0 : i32
      %dma_start3A_215 = tpu.memref_slice %arg16[%dma_start3A_213, %dma_start3A_214] : memref<48x128xf32, #tpu.memory_space<vmem>> -> memref<1x128xf32, #tpu.memory_space<vmem>>
      %dma_start3A_216 = tpu.memref_squeeze %dma_start3A_215 : memref<1x128xf32, #tpu.memory_space<vmem>> -> memref<128xf32, #tpu.memory_space<vmem>>
      %dma_start3A_217 = arith.constant 0 : i32
      %dma_start3A_218 = tpu.memref_slice %arg15[%dma_start3A_212, %dma_start3A_217] : memref<16x128xi32, #tpu.memory_space<vmem>> -> memref<1x128xi32, #tpu.memory_space<vmem>>
      %dma_start3A_219 = tpu.memref_squeeze %dma_start3A_218 : memref<1x128xi32, #tpu.memory_space<vmem>> -> memref<128xi32, #tpu.memory_space<vmem>>
      %dma_start3A_220 = arith.constant 0 : i32
      %dma_start3A_221 = tpu.memref_slice %arg7[%dma_start3A_220] : memref<204800xf32, #tpu.memory_space<vmem_shared>> -> memref<204800xf32, #tpu.memory_space<vmem_shared>>
      tpu.enqueue_indirect_dma source(%dma_start3A_221 : memref<204800xf32, #tpu.memory_space<vmem_shared>>) target(%dma_start3A_216 : memref<128xf32, #tpu.memory_space<vmem>>) offsets(%dma_start3A_219 : memref<128xi32, #tpu.memory_space<vmem>>) semaphore(%arg17 : memref<!tpu.dma_semaphore, #tpu.memory_space<semaphore_mem>>)
      %dma_start3A_222 = arith.constant 4 : i32
      %dma_start3A_223 = arith.constant 20 : i32
      %dma_start3A_224 = arith.constant 0 : i32
      %dma_start3A_225 = tpu.memref_slice %arg16[%dma_start3A_223, %dma_start3A_224] : memref<48x128xf32, #tpu.memory_space<vmem>> -> memref<1x128xf32, #tpu.memory_space<vmem>>
      %dma_start3A_226 = tpu.memref_squeeze %dma_start3A_225 : memref<1x128xf32, #tpu.memory_space<vmem>> -> memref<128xf32, #tpu.memory_space<vmem>>
      %dma_start3A_227 = arith.constant 0 : i32
      %dma_start3A_228 = tpu.memref_slice %arg15[%dma_start3A_222, %dma_start3A_227] : memref<16x128xi32, #tpu.memory_space<vmem>> -> memref<1x128xi32, #tpu.memory_space<vmem>>
      %dma_start3A_229 = tpu.memref_squeeze %dma_start3A_228 : memref<1x128xi32, #tpu.memory_space<vmem>> -> memref<128xi32, #tpu.memory_space<vmem>>
      %dma_start3A_230 = arith.constant 0 : i32
      %dma_start3A_231 = tpu.memref_slice %arg7[%dma_start3A_230] : memref<204800xf32, #tpu.memory_space<vmem_shared>> -> memref<204800xf32, #tpu.memory_space<vmem_shared>>
      tpu.enqueue_indirect_dma source(%dma_start3A_231 : memref<204800xf32, #tpu.memory_space<vmem_shared>>) target(%dma_start3A_226 : memref<128xf32, #tpu.memory_space<vmem>>) offsets(%dma_start3A_229 : memref<128xi32, #tpu.memory_space<vmem>>) semaphore(%arg17 : memref<!tpu.dma_semaphore, #tpu.memory_space<semaphore_mem>>)
      %dma_start3A_232 = arith.constant 5 : i32
      %dma_start3A_233 = arith.constant 21 : i32
      %dma_start3A_234 = arith.constant 0 : i32
      %dma_start3A_235 = tpu.memref_slice %arg16[%dma_start3A_233, %dma_start3A_234] : memref<48x128xf32, #tpu.memory_space<vmem>> -> memref<1x128xf32, #tpu.memory_space<vmem>>
      %dma_start3A_236 = tpu.memref_squeeze %dma_start3A_235 : memref<1x128xf32, #tpu.memory_space<vmem>> -> memref<128xf32, #tpu.memory_space<vmem>>
      %dma_start3A_237 = arith.constant 0 : i32
      %dma_start3A_238 = tpu.memref_slice %arg15[%dma_start3A_232, %dma_start3A_237] : memref<16x128xi32, #tpu.memory_space<vmem>> -> memref<1x128xi32, #tpu.memory_space<vmem>>
      %dma_start3A_239 = tpu.memref_squeeze %dma_start3A_238 : memref<1x128xi32, #tpu.memory_space<vmem>> -> memref<128xi32, #tpu.memory_space<vmem>>
      %dma_start3A_240 = arith.constant 0 : i32
      %dma_start3A_241 = tpu.memref_slice %arg7[%dma_start3A_240] : memref<204800xf32, #tpu.memory_space<vmem_shared>> -> memref<204800xf32, #tpu.memory_space<vmem_shared>>
      tpu.enqueue_indirect_dma source(%dma_start3A_241 : memref<204800xf32, #tpu.memory_space<vmem_shared>>) target(%dma_start3A_236 : memref<128xf32, #tpu.memory_space<vmem>>) offsets(%dma_start3A_239 : memref<128xi32, #tpu.memory_space<vmem>>) semaphore(%arg17 : memref<!tpu.dma_semaphore, #tpu.memory_space<semaphore_mem>>)
      %dma_start3A_242 = arith.constant 6 : i32
      %dma_start3A_243 = arith.constant 22 : i32
      %dma_start3A_244 = arith.constant 0 : i32
      %dma_start3A_245 = tpu.memref_slice %arg16[%dma_start3A_243, %dma_start3A_244] : memref<48x128xf32, #tpu.memory_space<vmem>> -> memref<1x128xf32, #tpu.memory_space<vmem>>
      %dma_start3A_246 = tpu.memref_squeeze %dma_start3A_245 : memref<1x128xf32, #tpu.memory_space<vmem>> -> memref<128xf32, #tpu.memory_space<vmem>>
      %dma_start3A_247 = arith.constant 0 : i32
      %dma_start3A_248 = tpu.memref_slice %arg15[%dma_start3A_242, %dma_start3A_247] : memref<16x128xi32, #tpu.memory_space<vmem>> -> memref<1x128xi32, #tpu.memory_space<vmem>>
      %dma_start3A_249 = tpu.memref_squeeze %dma_start3A_248 : memref<1x128xi32, #tpu.memory_space<vmem>> -> memref<128xi32, #tpu.memory_space<vmem>>
      %dma_start3A_250 = arith.constant 0 : i32
      %dma_start3A_251 = tpu.memref_slice %arg7[%dma_start3A_250] : memref<204800xf32, #tpu.memory_space<vmem_shared>> -> memref<204800xf32, #tpu.memory_space<vmem_shared>>
      tpu.enqueue_indirect_dma source(%dma_start3A_251 : memref<204800xf32, #tpu.memory_space<vmem_shared>>) target(%dma_start3A_246 : memref<128xf32, #tpu.memory_space<vmem>>) offsets(%dma_start3A_249 : memref<128xi32, #tpu.memory_space<vmem>>) semaphore(%arg17 : memref<!tpu.dma_semaphore, #tpu.memory_space<semaphore_mem>>)
      %dma_start3A_252 = arith.constant 7 : i32
      %dma_start3A_253 = arith.constant 23 : i32
      %dma_start3A_254 = arith.constant 0 : i32
      %dma_start3A_255 = tpu.memref_slice %arg16[%dma_start3A_253, %dma_start3A_254] : memref<48x128xf32, #tpu.memory_space<vmem>> -> memref<1x128xf32, #tpu.memory_space<vmem>>
      %dma_start3A_256 = tpu.memref_squeeze %dma_start3A_255 : memref<1x128xf32, #tpu.memory_space<vmem>> -> memref<128xf32, #tpu.memory_space<vmem>>
      %dma_start3A_257 = arith.constant 0 : i32
      %dma_start3A_258 = tpu.memref_slice %arg15[%dma_start3A_252, %dma_start3A_257] : memref<16x128xi32, #tpu.memory_space<vmem>> -> memref<1x128xi32, #tpu.memory_space<vmem>>
      %dma_start3A_259 = tpu.memref_squeeze %dma_start3A_258 : memref<1x128xi32, #tpu.memory_space<vmem>> -> memref<128xi32, #tpu.memory_space<vmem>>
      %dma_start3A_260 = arith.constant 0 : i32
      %dma_start3A_261 = tpu.memref_slice %arg7[%dma_start3A_260] : memref<204800xf32, #tpu.memory_space<vmem_shared>> -> memref<204800xf32, #tpu.memory_space<vmem_shared>>
      tpu.enqueue_indirect_dma source(%dma_start3A_261 : memref<204800xf32, #tpu.memory_space<vmem_shared>>) target(%dma_start3A_256 : memref<128xf32, #tpu.memory_space<vmem>>) offsets(%dma_start3A_259 : memref<128xi32, #tpu.memory_space<vmem>>) semaphore(%arg17 : memref<!tpu.dma_semaphore, #tpu.memory_space<semaphore_mem>>)
      %dma_start3A_262 = arith.constant 8 : i32
      %dma_start3A_263 = arith.constant 24 : i32
      %dma_start3A_264 = arith.constant 0 : i32
      %dma_start3A_265 = tpu.memref_slice %arg16[%dma_start3A_263, %dma_start3A_264] : memref<48x128xf32, #tpu.memory_space<vmem>> -> memref<1x128xf32, #tpu.memory_space<vmem>>
      %dma_start3A_266 = tpu.memref_squeeze %dma_start3A_265 : memref<1x128xf32, #tpu.memory_space<vmem>> -> memref<128xf32, #tpu.memory_space<vmem>>
      %dma_start3A_267 = arith.constant 0 : i32
      %dma_start3A_268 = tpu.memref_slice %arg15[%dma_start3A_262, %dma_start3A_267] : memref<16x128xi32, #tpu.memory_space<vmem>> -> memref<1x128xi32, #tpu.memory_space<vmem>>
      %dma_start3A_269 = tpu.memref_squeeze %dma_start3A_268 : memref<1x128xi32, #tpu.memory_space<vmem>> -> memref<128xi32, #tpu.memory_space<vmem>>
      %dma_start3A_270 = arith.constant 0 : i32
      %dma_start3A_271 = tpu.memref_slice %arg7[%dma_start3A_270] : memref<204800xf32, #tpu.memory_space<vmem_shared>> -> memref<204800xf32, #tpu.memory_space<vmem_shared>>
      tpu.enqueue_indirect_dma source(%dma_start3A_271 : memref<204800xf32, #tpu.memory_space<vmem_shared>>) target(%dma_start3A_266 : memref<128xf32, #tpu.memory_space<vmem>>) offsets(%dma_start3A_269 : memref<128xi32, #tpu.memory_space<vmem>>) semaphore(%arg17 : memref<!tpu.dma_semaphore, #tpu.memory_space<semaphore_mem>>)
      %dma_start3A_272 = arith.constant 9 : i32
      %dma_start3A_273 = arith.constant 25 : i32
      %dma_start3A_274 = arith.constant 0 : i32
      %dma_start3A_275 = tpu.memref_slice %arg16[%dma_start3A_273, %dma_start3A_274] : memref<48x128xf32, #tpu.memory_space<vmem>> -> memref<1x128xf32, #tpu.memory_space<vmem>>
      %dma_start3A_276 = tpu.memref_squeeze %dma_start3A_275 : memref<1x128xf32, #tpu.memory_space<vmem>> -> memref<128xf32, #tpu.memory_space<vmem>>
      %dma_start3A_277 = arith.constant 0 : i32
      %dma_start3A_278 = tpu.memref_slice %arg15[%dma_start3A_272, %dma_start3A_277] : memref<16x128xi32, #tpu.memory_space<vmem>> -> memref<1x128xi32, #tpu.memory_space<vmem>>
      %dma_start3A_279 = tpu.memref_squeeze %dma_start3A_278 : memref<1x128xi32, #tpu.memory_space<vmem>> -> memref<128xi32, #tpu.memory_space<vmem>>
      %dma_start3A_280 = arith.constant 0 : i32
      %dma_start3A_281 = tpu.memref_slice %arg7[%dma_start3A_280] : memref<204800xf32, #tpu.memory_space<vmem_shared>> -> memref<204800xf32, #tpu.memory_space<vmem_shared>>
      tpu.enqueue_indirect_dma source(%dma_start3A_281 : memref<204800xf32, #tpu.memory_space<vmem_shared>>) target(%dma_start3A_276 : memref<128xf32, #tpu.memory_space<vmem>>) offsets(%dma_start3A_279 : memref<128xi32, #tpu.memory_space<vmem>>) semaphore(%arg17 : memref<!tpu.dma_semaphore, #tpu.memory_space<semaphore_mem>>)
      %dma_start3A_282 = arith.constant 10 : i32
      %dma_start3A_283 = arith.constant 26 : i32
      %dma_start3A_284 = arith.constant 0 : i32
      %dma_start3A_285 = tpu.memref_slice %arg16[%dma_start3A_283, %dma_start3A_284] : memref<48x128xf32, #tpu.memory_space<vmem>> -> memref<1x128xf32, #tpu.memory_space<vmem>>
      %dma_start3A_286 = tpu.memref_squeeze %dma_start3A_285 : memref<1x128xf32, #tpu.memory_space<vmem>> -> memref<128xf32, #tpu.memory_space<vmem>>
      %dma_start3A_287 = arith.constant 0 : i32
      %dma_start3A_288 = tpu.memref_slice %arg15[%dma_start3A_282, %dma_start3A_287] : memref<16x128xi32, #tpu.memory_space<vmem>> -> memref<1x128xi32, #tpu.memory_space<vmem>>
      %dma_start3A_289 = tpu.memref_squeeze %dma_start3A_288 : memref<1x128xi32, #tpu.memory_space<vmem>> -> memref<128xi32, #tpu.memory_space<vmem>>
      %dma_start3A_290 = arith.constant 0 : i32
      %dma_start3A_291 = tpu.memref_slice %arg7[%dma_start3A_290] : memref<204800xf32, #tpu.memory_space<vmem_shared>> -> memref<204800xf32, #tpu.memory_space<vmem_shared>>
      tpu.enqueue_indirect_dma source(%dma_start3A_291 : memref<204800xf32, #tpu.memory_space<vmem_shared>>) target(%dma_start3A_286 : memref<128xf32, #tpu.memory_space<vmem>>) offsets(%dma_start3A_289 : memref<128xi32, #tpu.memory_space<vmem>>) semaphore(%arg17 : memref<!tpu.dma_semaphore, #tpu.memory_space<semaphore_mem>>)
      %dma_start3A_292 = arith.constant 11 : i32
      %dma_start3A_293 = arith.constant 27 : i32
      %dma_start3A_294 = arith.constant 0 : i32
      %dma_start3A_295 = tpu.memref_slice %arg16[%dma_start3A_293, %dma_start3A_294] : memref<48x128xf32, #tpu.memory_space<vmem>> -> memref<1x128xf32, #tpu.memory_space<vmem>>
      %dma_start3A_296 = tpu.memref_squeeze %dma_start3A_295 : memref<1x128xf32, #tpu.memory_space<vmem>> -> memref<128xf32, #tpu.memory_space<vmem>>
      %dma_start3A_297 = arith.constant 0 : i32
      %dma_start3A_298 = tpu.memref_slice %arg15[%dma_start3A_292, %dma_start3A_297] : memref<16x128xi32, #tpu.memory_space<vmem>> -> memref<1x128xi32, #tpu.memory_space<vmem>>
      %dma_start3A_299 = tpu.memref_squeeze %dma_start3A_298 : memref<1x128xi32, #tpu.memory_space<vmem>> -> memref<128xi32, #tpu.memory_space<vmem>>
      %dma_start3A_300 = arith.constant 0 : i32
      %dma_start3A_301 = tpu.memref_slice %arg7[%dma_start3A_300] : memref<204800xf32, #tpu.memory_space<vmem_shared>> -> memref<204800xf32, #tpu.memory_space<vmem_shared>>
      tpu.enqueue_indirect_dma source(%dma_start3A_301 : memref<204800xf32, #tpu.memory_space<vmem_shared>>) target(%dma_start3A_296 : memref<128xf32, #tpu.memory_space<vmem>>) offsets(%dma_start3A_299 : memref<128xi32, #tpu.memory_space<vmem>>) semaphore(%arg17 : memref<!tpu.dma_semaphore, #tpu.memory_space<semaphore_mem>>)
      %dma_start3A_302 = arith.constant 12 : i32
      %dma_start3A_303 = arith.constant 28 : i32
      %dma_start3A_304 = arith.constant 0 : i32
      %dma_start3A_305 = tpu.memref_slice %arg16[%dma_start3A_303, %dma_start3A_304] : memref<48x128xf32, #tpu.memory_space<vmem>> -> memref<1x128xf32, #tpu.memory_space<vmem>>
      %dma_start3A_306 = tpu.memref_squeeze %dma_start3A_305 : memref<1x128xf32, #tpu.memory_space<vmem>> -> memref<128xf32, #tpu.memory_space<vmem>>
      %dma_start3A_307 = arith.constant 0 : i32
      %dma_start3A_308 = tpu.memref_slice %arg15[%dma_start3A_302, %dma_start3A_307] : memref<16x128xi32, #tpu.memory_space<vmem>> -> memref<1x128xi32, #tpu.memory_space<vmem>>
      %dma_start3A_309 = tpu.memref_squeeze %dma_start3A_308 : memref<1x128xi32, #tpu.memory_space<vmem>> -> memref<128xi32, #tpu.memory_space<vmem>>
      %dma_start3A_310 = arith.constant 0 : i32
      %dma_start3A_311 = tpu.memref_slice %arg7[%dma_start3A_310] : memref<204800xf32, #tpu.memory_space<vmem_shared>> -> memref<204800xf32, #tpu.memory_space<vmem_shared>>
      tpu.enqueue_indirect_dma source(%dma_start3A_311 : memref<204800xf32, #tpu.memory_space<vmem_shared>>) target(%dma_start3A_306 : memref<128xf32, #tpu.memory_space<vmem>>) offsets(%dma_start3A_309 : memref<128xi32, #tpu.memory_space<vmem>>) semaphore(%arg17 : memref<!tpu.dma_semaphore, #tpu.memory_space<semaphore_mem>>)
      %dma_start3A_312 = arith.constant 13 : i32
      %dma_start3A_313 = arith.constant 29 : i32
      %dma_start3A_314 = arith.constant 0 : i32
      %dma_start3A_315 = tpu.memref_slice %arg16[%dma_start3A_313, %dma_start3A_314] : memref<48x128xf32, #tpu.memory_space<vmem>> -> memref<1x128xf32, #tpu.memory_space<vmem>>
      %dma_start3A_316 = tpu.memref_squeeze %dma_start3A_315 : memref<1x128xf32, #tpu.memory_space<vmem>> -> memref<128xf32, #tpu.memory_space<vmem>>
      %dma_start3A_317 = arith.constant 0 : i32
      %dma_start3A_318 = tpu.memref_slice %arg15[%dma_start3A_312, %dma_start3A_317] : memref<16x128xi32, #tpu.memory_space<vmem>> -> memref<1x128xi32, #tpu.memory_space<vmem>>
      %dma_start3A_319 = tpu.memref_squeeze %dma_start3A_318 : memref<1x128xi32, #tpu.memory_space<vmem>> -> memref<128xi32, #tpu.memory_space<vmem>>
      %dma_start3A_320 = arith.constant 0 : i32
      %dma_start3A_321 = tpu.memref_slice %arg7[%dma_start3A_320] : memref<204800xf32, #tpu.memory_space<vmem_shared>> -> memref<204800xf32, #tpu.memory_space<vmem_shared>>
      tpu.enqueue_indirect_dma source(%dma_start3A_321 : memref<204800xf32, #tpu.memory_space<vmem_shared>>) target(%dma_start3A_316 : memref<128xf32, #tpu.memory_space<vmem>>) offsets(%dma_start3A_319 : memref<128xi32, #tpu.memory_space<vmem>>) semaphore(%arg17 : memref<!tpu.dma_semaphore, #tpu.memory_space<semaphore_mem>>)
      %dma_start3A_322 = arith.constant 14 : i32
      %dma_start3A_323 = arith.constant 30 : i32
      %dma_start3A_324 = arith.constant 0 : i32
      %dma_start3A_325 = tpu.memref_slice %arg16[%dma_start3A_323, %dma_start3A_324] : memref<48x128xf32, #tpu.memory_space<vmem>> -> memref<1x128xf32, #tpu.memory_space<vmem>>
      %dma_start3A_326 = tpu.memref_squeeze %dma_start3A_325 : memref<1x128xf32, #tpu.memory_space<vmem>> -> memref<128xf32, #tpu.memory_space<vmem>>
      %dma_start3A_327 = arith.constant 0 : i32
      %dma_start3A_328 = tpu.memref_slice %arg15[%dma_start3A_322, %dma_start3A_327] : memref<16x128xi32, #tpu.memory_space<vmem>> -> memref<1x128xi32, #tpu.memory_space<vmem>>
      %dma_start3A_329 = tpu.memref_squeeze %dma_start3A_328 : memref<1x128xi32, #tpu.memory_space<vmem>> -> memref<128xi32, #tpu.memory_space<vmem>>
      %dma_start3A_330 = arith.constant 0 : i32
      %dma_start3A_331 = tpu.memref_slice %arg7[%dma_start3A_330] : memref<204800xf32, #tpu.memory_space<vmem_shared>> -> memref<204800xf32, #tpu.memory_space<vmem_shared>>
      tpu.enqueue_indirect_dma source(%dma_start3A_331 : memref<204800xf32, #tpu.memory_space<vmem_shared>>) target(%dma_start3A_326 : memref<128xf32, #tpu.memory_space<vmem>>) offsets(%dma_start3A_329 : memref<128xi32, #tpu.memory_space<vmem>>) semaphore(%arg17 : memref<!tpu.dma_semaphore, #tpu.memory_space<semaphore_mem>>)
      %dma_start3A_332 = arith.constant 15 : i32
      %dma_start3A_333 = arith.constant 31 : i32
      %dma_start3A_334 = arith.constant 0 : i32
      %dma_start3A_335 = tpu.memref_slice %arg16[%dma_start3A_333, %dma_start3A_334] : memref<48x128xf32, #tpu.memory_space<vmem>> -> memref<1x128xf32, #tpu.memory_space<vmem>>
      %dma_start3A_336 = tpu.memref_squeeze %dma_start3A_335 : memref<1x128xf32, #tpu.memory_space<vmem>> -> memref<128xf32, #tpu.memory_space<vmem>>
      %dma_start3A_337 = arith.constant 0 : i32
      %dma_start3A_338 = tpu.memref_slice %arg15[%dma_start3A_332, %dma_start3A_337] : memref<16x128xi32, #tpu.memory_space<vmem>> -> memref<1x128xi32, #tpu.memory_space<vmem>>
      %dma_start3A_339 = tpu.memref_squeeze %dma_start3A_338 : memref<1x128xi32, #tpu.memory_space<vmem>> -> memref<128xi32, #tpu.memory_space<vmem>>
      %dma_start3A_340 = arith.constant 0 : i32
      %dma_start3A_341 = tpu.memref_slice %arg7[%dma_start3A_340] : memref<204800xf32, #tpu.memory_space<vmem_shared>> -> memref<204800xf32, #tpu.memory_space<vmem_shared>>
      tpu.enqueue_indirect_dma source(%dma_start3A_341 : memref<204800xf32, #tpu.memory_space<vmem_shared>>) target(%dma_start3A_336 : memref<128xf32, #tpu.memory_space<vmem>>) offsets(%dma_start3A_339 : memref<128xi32, #tpu.memory_space<vmem>>) semaphore(%arg17 : memref<!tpu.dma_semaphore, #tpu.memory_space<semaphore_mem>>)
      %dma_start3A_342 = arith.constant 0 : i32
      %dma_start3A_343 = arith.constant 32 : i32
      %dma_start3A_344 = arith.constant 0 : i32
      %dma_start3A_345 = tpu.memref_slice %arg16[%dma_start3A_343, %dma_start3A_344] : memref<48x128xf32, #tpu.memory_space<vmem>> -> memref<1x128xf32, #tpu.memory_space<vmem>>
      %dma_start3A_346 = tpu.memref_squeeze %dma_start3A_345 : memref<1x128xf32, #tpu.memory_space<vmem>> -> memref<128xf32, #tpu.memory_space<vmem>>
      %dma_start3A_347 = arith.constant 0 : i32
      %dma_start3A_348 = tpu.memref_slice %arg15[%dma_start3A_342, %dma_start3A_347] : memref<16x128xi32, #tpu.memory_space<vmem>> -> memref<1x128xi32, #tpu.memory_space<vmem>>
      %dma_start3A_349 = tpu.memref_squeeze %dma_start3A_348 : memref<1x128xi32, #tpu.memory_space<vmem>> -> memref<128xi32, #tpu.memory_space<vmem>>
      %dma_start3A_350 = arith.constant 0 : i32
      %dma_start3A_351 = tpu.memref_slice %arg8[%dma_start3A_350] : memref<204800xf32, #tpu.memory_space<vmem_shared>> -> memref<204800xf32, #tpu.memory_space<vmem_shared>>
      tpu.enqueue_indirect_dma source(%dma_start3A_351 : memref<204800xf32, #tpu.memory_space<vmem_shared>>) target(%dma_start3A_346 : memref<128xf32, #tpu.memory_space<vmem>>) offsets(%dma_start3A_349 : memref<128xi32, #tpu.memory_space<vmem>>) semaphore(%arg17 : memref<!tpu.dma_semaphore, #tpu.memory_space<semaphore_mem>>)
      %dma_start3A_352 = arith.constant 1 : i32
      %dma_start3A_353 = arith.constant 33 : i32
      %dma_start3A_354 = arith.constant 0 : i32
      %dma_start3A_355 = tpu.memref_slice %arg16[%dma_start3A_353, %dma_start3A_354] : memref<48x128xf32, #tpu.memory_space<vmem>> -> memref<1x128xf32, #tpu.memory_space<vmem>>
      %dma_start3A_356 = tpu.memref_squeeze %dma_start3A_355 : memref<1x128xf32, #tpu.memory_space<vmem>> -> memref<128xf32, #tpu.memory_space<vmem>>
      %dma_start3A_357 = arith.constant 0 : i32
      %dma_start3A_358 = tpu.memref_slice %arg15[%dma_start3A_352, %dma_start3A_357] : memref<16x128xi32, #tpu.memory_space<vmem>> -> memref<1x128xi32, #tpu.memory_space<vmem>>
      %dma_start3A_359 = tpu.memref_squeeze %dma_start3A_358 : memref<1x128xi32, #tpu.memory_space<vmem>> -> memref<128xi32, #tpu.memory_space<vmem>>
      %dma_start3A_360 = arith.constant 0 : i32
      %dma_start3A_361 = tpu.memref_slice %arg8[%dma_start3A_360] : memref<204800xf32, #tpu.memory_space<vmem_shared>> -> memref<204800xf32, #tpu.memory_space<vmem_shared>>
      tpu.enqueue_indirect_dma source(%dma_start3A_361 : memref<204800xf32, #tpu.memory_space<vmem_shared>>) target(%dma_start3A_356 : memref<128xf32, #tpu.memory_space<vmem>>) offsets(%dma_start3A_359 : memref<128xi32, #tpu.memory_space<vmem>>) semaphore(%arg17 : memref<!tpu.dma_semaphore, #tpu.memory_space<semaphore_mem>>)
      %dma_start3A_362 = arith.constant 2 : i32
      %dma_start3A_363 = arith.constant 34 : i32
      %dma_start3A_364 = arith.constant 0 : i32
      %dma_start3A_365 = tpu.memref_slice %arg16[%dma_start3A_363, %dma_start3A_364] : memref<48x128xf32, #tpu.memory_space<vmem>> -> memref<1x128xf32, #tpu.memory_space<vmem>>
      %dma_start3A_366 = tpu.memref_squeeze %dma_start3A_365 : memref<1x128xf32, #tpu.memory_space<vmem>> -> memref<128xf32, #tpu.memory_space<vmem>>
      %dma_start3A_367 = arith.constant 0 : i32
      %dma_start3A_368 = tpu.memref_slice %arg15[%dma_start3A_362, %dma_start3A_367] : memref<16x128xi32, #tpu.memory_space<vmem>> -> memref<1x128xi32, #tpu.memory_space<vmem>>
      %dma_start3A_369 = tpu.memref_squeeze %dma_start3A_368 : memref<1x128xi32, #tpu.memory_space<vmem>> -> memref<128xi32, #tpu.memory_space<vmem>>
      %dma_start3A_370 = arith.constant 0 : i32
      %dma_start3A_371 = tpu.memref_slice %arg8[%dma_start3A_370] : memref<204800xf32, #tpu.memory_space<vmem_shared>> -> memref<204800xf32, #tpu.memory_space<vmem_shared>>
      tpu.enqueue_indirect_dma source(%dma_start3A_371 : memref<204800xf32, #tpu.memory_space<vmem_shared>>) target(%dma_start3A_366 : memref<128xf32, #tpu.memory_space<vmem>>) offsets(%dma_start3A_369 : memref<128xi32, #tpu.memory_space<vmem>>) semaphore(%arg17 : memref<!tpu.dma_semaphore, #tpu.memory_space<semaphore_mem>>)
      %dma_start3A_372 = arith.constant 3 : i32
      %dma_start3A_373 = arith.constant 35 : i32
      %dma_start3A_374 = arith.constant 0 : i32
      %dma_start3A_375 = tpu.memref_slice %arg16[%dma_start3A_373, %dma_start3A_374] : memref<48x128xf32, #tpu.memory_space<vmem>> -> memref<1x128xf32, #tpu.memory_space<vmem>>
      %dma_start3A_376 = tpu.memref_squeeze %dma_start3A_375 : memref<1x128xf32, #tpu.memory_space<vmem>> -> memref<128xf32, #tpu.memory_space<vmem>>
      %dma_start3A_377 = arith.constant 0 : i32
      %dma_start3A_378 = tpu.memref_slice %arg15[%dma_start3A_372, %dma_start3A_377] : memref<16x128xi32, #tpu.memory_space<vmem>> -> memref<1x128xi32, #tpu.memory_space<vmem>>
      %dma_start3A_379 = tpu.memref_squeeze %dma_start3A_378 : memref<1x128xi32, #tpu.memory_space<vmem>> -> memref<128xi32, #tpu.memory_space<vmem>>
      %dma_start3A_380 = arith.constant 0 : i32
      %dma_start3A_381 = tpu.memref_slice %arg8[%dma_start3A_380] : memref<204800xf32, #tpu.memory_space<vmem_shared>> -> memref<204800xf32, #tpu.memory_space<vmem_shared>>
      tpu.enqueue_indirect_dma source(%dma_start3A_381 : memref<204800xf32, #tpu.memory_space<vmem_shared>>) target(%dma_start3A_376 : memref<128xf32, #tpu.memory_space<vmem>>) offsets(%dma_start3A_379 : memref<128xi32, #tpu.memory_space<vmem>>) semaphore(%arg17 : memref<!tpu.dma_semaphore, #tpu.memory_space<semaphore_mem>>)
      %dma_start3A_382 = arith.constant 4 : i32
      %dma_start3A_383 = arith.constant 36 : i32
      %dma_start3A_384 = arith.constant 0 : i32
      %dma_start3A_385 = tpu.memref_slice %arg16[%dma_start3A_383, %dma_start3A_384] : memref<48x128xf32, #tpu.memory_space<vmem>> -> memref<1x128xf32, #tpu.memory_space<vmem>>
      %dma_start3A_386 = tpu.memref_squeeze %dma_start3A_385 : memref<1x128xf32, #tpu.memory_space<vmem>> -> memref<128xf32, #tpu.memory_space<vmem>>
      %dma_start3A_387 = arith.constant 0 : i32
      %dma_start3A_388 = tpu.memref_slice %arg15[%dma_start3A_382, %dma_start3A_387] : memref<16x128xi32, #tpu.memory_space<vmem>> -> memref<1x128xi32, #tpu.memory_space<vmem>>
      %dma_start3A_389 = tpu.memref_squeeze %dma_start3A_388 : memref<1x128xi32, #tpu.memory_space<vmem>> -> memref<128xi32, #tpu.memory_space<vmem>>
      %dma_start3A_390 = arith.constant 0 : i32
      %dma_start3A_391 = tpu.memref_slice %arg8[%dma_start3A_390] : memref<204800xf32, #tpu.memory_space<vmem_shared>> -> memref<204800xf32, #tpu.memory_space<vmem_shared>>
      tpu.enqueue_indirect_dma source(%dma_start3A_391 : memref<204800xf32, #tpu.memory_space<vmem_shared>>) target(%dma_start3A_386 : memref<128xf32, #tpu.memory_space<vmem>>) offsets(%dma_start3A_389 : memref<128xi32, #tpu.memory_space<vmem>>) semaphore(%arg17 : memref<!tpu.dma_semaphore, #tpu.memory_space<semaphore_mem>>)
      %dma_start3A_392 = arith.constant 5 : i32
      %dma_start3A_393 = arith.constant 37 : i32
      %dma_start3A_394 = arith.constant 0 : i32
      %dma_start3A_395 = tpu.memref_slice %arg16[%dma_start3A_393, %dma_start3A_394] : memref<48x128xf32, #tpu.memory_space<vmem>> -> memref<1x128xf32, #tpu.memory_space<vmem>>
      %dma_start3A_396 = tpu.memref_squeeze %dma_start3A_395 : memref<1x128xf32, #tpu.memory_space<vmem>> -> memref<128xf32, #tpu.memory_space<vmem>>
      %dma_start3A_397 = arith.constant 0 : i32
      %dma_start3A_398 = tpu.memref_slice %arg15[%dma_start3A_392, %dma_start3A_397] : memref<16x128xi32, #tpu.memory_space<vmem>> -> memref<1x128xi32, #tpu.memory_space<vmem>>
      %dma_start3A_399 = tpu.memref_squeeze %dma_start3A_398 : memref<1x128xi32, #tpu.memory_space<vmem>> -> memref<128xi32, #tpu.memory_space<vmem>>
      %dma_start3A_400 = arith.constant 0 : i32
      %dma_start3A_401 = tpu.memref_slice %arg8[%dma_start3A_400] : memref<204800xf32, #tpu.memory_space<vmem_shared>> -> memref<204800xf32, #tpu.memory_space<vmem_shared>>
      tpu.enqueue_indirect_dma source(%dma_start3A_401 : memref<204800xf32, #tpu.memory_space<vmem_shared>>) target(%dma_start3A_396 : memref<128xf32, #tpu.memory_space<vmem>>) offsets(%dma_start3A_399 : memref<128xi32, #tpu.memory_space<vmem>>) semaphore(%arg17 : memref<!tpu.dma_semaphore, #tpu.memory_space<semaphore_mem>>)
      %dma_start3A_402 = arith.constant 6 : i32
      %dma_start3A_403 = arith.constant 38 : i32
      %dma_start3A_404 = arith.constant 0 : i32
      %dma_start3A_405 = tpu.memref_slice %arg16[%dma_start3A_403, %dma_start3A_404] : memref<48x128xf32, #tpu.memory_space<vmem>> -> memref<1x128xf32, #tpu.memory_space<vmem>>
      %dma_start3A_406 = tpu.memref_squeeze %dma_start3A_405 : memref<1x128xf32, #tpu.memory_space<vmem>> -> memref<128xf32, #tpu.memory_space<vmem>>
      %dma_start3A_407 = arith.constant 0 : i32
      %dma_start3A_408 = tpu.memref_slice %arg15[%dma_start3A_402, %dma_start3A_407] : memref<16x128xi32, #tpu.memory_space<vmem>> -> memref<1x128xi32, #tpu.memory_space<vmem>>
      %dma_start3A_409 = tpu.memref_squeeze %dma_start3A_408 : memref<1x128xi32, #tpu.memory_space<vmem>> -> memref<128xi32, #tpu.memory_space<vmem>>
      %dma_start3A_410 = arith.constant 0 : i32
      %dma_start3A_411 = tpu.memref_slice %arg8[%dma_start3A_410] : memref<204800xf32, #tpu.memory_space<vmem_shared>> -> memref<204800xf32, #tpu.memory_space<vmem_shared>>
      tpu.enqueue_indirect_dma source(%dma_start3A_411 : memref<204800xf32, #tpu.memory_space<vmem_shared>>) target(%dma_start3A_406 : memref<128xf32, #tpu.memory_space<vmem>>) offsets(%dma_start3A_409 : memref<128xi32, #tpu.memory_space<vmem>>) semaphore(%arg17 : memref<!tpu.dma_semaphore, #tpu.memory_space<semaphore_mem>>)
      %dma_start3A_412 = arith.constant 7 : i32
      %dma_start3A_413 = arith.constant 39 : i32
      %dma_start3A_414 = arith.constant 0 : i32
      %dma_start3A_415 = tpu.memref_slice %arg16[%dma_start3A_413, %dma_start3A_414] : memref<48x128xf32, #tpu.memory_space<vmem>> -> memref<1x128xf32, #tpu.memory_space<vmem>>
      %dma_start3A_416 = tpu.memref_squeeze %dma_start3A_415 : memref<1x128xf32, #tpu.memory_space<vmem>> -> memref<128xf32, #tpu.memory_space<vmem>>
      %dma_start3A_417 = arith.constant 0 : i32
      %dma_start3A_418 = tpu.memref_slice %arg15[%dma_start3A_412, %dma_start3A_417] : memref<16x128xi32, #tpu.memory_space<vmem>> -> memref<1x128xi32, #tpu.memory_space<vmem>>
      %dma_start3A_419 = tpu.memref_squeeze %dma_start3A_418 : memref<1x128xi32, #tpu.memory_space<vmem>> -> memref<128xi32, #tpu.memory_space<vmem>>
      %dma_start3A_420 = arith.constant 0 : i32
      %dma_start3A_421 = tpu.memref_slice %arg8[%dma_start3A_420] : memref<204800xf32, #tpu.memory_space<vmem_shared>> -> memref<204800xf32, #tpu.memory_space<vmem_shared>>
      tpu.enqueue_indirect_dma source(%dma_start3A_421 : memref<204800xf32, #tpu.memory_space<vmem_shared>>) target(%dma_start3A_416 : memref<128xf32, #tpu.memory_space<vmem>>) offsets(%dma_start3A_419 : memref<128xi32, #tpu.memory_space<vmem>>) semaphore(%arg17 : memref<!tpu.dma_semaphore, #tpu.memory_space<semaphore_mem>>)
      %dma_start3A_422 = arith.constant 8 : i32
      %dma_start3A_423 = arith.constant 40 : i32
      %dma_start3A_424 = arith.constant 0 : i32
      %dma_start3A_425 = tpu.memref_slice %arg16[%dma_start3A_423, %dma_start3A_424] : memref<48x128xf32, #tpu.memory_space<vmem>> -> memref<1x128xf32, #tpu.memory_space<vmem>>
      %dma_start3A_426 = tpu.memref_squeeze %dma_start3A_425 : memref<1x128xf32, #tpu.memory_space<vmem>> -> memref<128xf32, #tpu.memory_space<vmem>>
      %dma_start3A_427 = arith.constant 0 : i32
      %dma_start3A_428 = tpu.memref_slice %arg15[%dma_start3A_422, %dma_start3A_427] : memref<16x128xi32, #tpu.memory_space<vmem>> -> memref<1x128xi32, #tpu.memory_space<vmem>>
      %dma_start3A_429 = tpu.memref_squeeze %dma_start3A_428 : memref<1x128xi32, #tpu.memory_space<vmem>> -> memref<128xi32, #tpu.memory_space<vmem>>
      %dma_start3A_430 = arith.constant 0 : i32
      %dma_start3A_431 = tpu.memref_slice %arg8[%dma_start3A_430] : memref<204800xf32, #tpu.memory_space<vmem_shared>> -> memref<204800xf32, #tpu.memory_space<vmem_shared>>
      tpu.enqueue_indirect_dma source(%dma_start3A_431 : memref<204800xf32, #tpu.memory_space<vmem_shared>>) target(%dma_start3A_426 : memref<128xf32, #tpu.memory_space<vmem>>) offsets(%dma_start3A_429 : memref<128xi32, #tpu.memory_space<vmem>>) semaphore(%arg17 : memref<!tpu.dma_semaphore, #tpu.memory_space<semaphore_mem>>)
      %dma_start3A_432 = arith.constant 9 : i32
      %dma_start3A_433 = arith.constant 41 : i32
      %dma_start3A_434 = arith.constant 0 : i32
      %dma_start3A_435 = tpu.memref_slice %arg16[%dma_start3A_433, %dma_start3A_434] : memref<48x128xf32, #tpu.memory_space<vmem>> -> memref<1x128xf32, #tpu.memory_space<vmem>>
      %dma_start3A_436 = tpu.memref_squeeze %dma_start3A_435 : memref<1x128xf32, #tpu.memory_space<vmem>> -> memref<128xf32, #tpu.memory_space<vmem>>
      %dma_start3A_437 = arith.constant 0 : i32
      %dma_start3A_438 = tpu.memref_slice %arg15[%dma_start3A_432, %dma_start3A_437] : memref<16x128xi32, #tpu.memory_space<vmem>> -> memref<1x128xi32, #tpu.memory_space<vmem>>
      %dma_start3A_439 = tpu.memref_squeeze %dma_start3A_438 : memref<1x128xi32, #tpu.memory_space<vmem>> -> memref<128xi32, #tpu.memory_space<vmem>>
      %dma_start3A_440 = arith.constant 0 : i32
      %dma_start3A_441 = tpu.memref_slice %arg8[%dma_start3A_440] : memref<204800xf32, #tpu.memory_space<vmem_shared>> -> memref<204800xf32, #tpu.memory_space<vmem_shared>>
      tpu.enqueue_indirect_dma source(%dma_start3A_441 : memref<204800xf32, #tpu.memory_space<vmem_shared>>) target(%dma_start3A_436 : memref<128xf32, #tpu.memory_space<vmem>>) offsets(%dma_start3A_439 : memref<128xi32, #tpu.memory_space<vmem>>) semaphore(%arg17 : memref<!tpu.dma_semaphore, #tpu.memory_space<semaphore_mem>>)
      %dma_start3A_442 = arith.constant 10 : i32
      %dma_start3A_443 = arith.constant 42 : i32
      %dma_start3A_444 = arith.constant 0 : i32
      %dma_start3A_445 = tpu.memref_slice %arg16[%dma_start3A_443, %dma_start3A_444] : memref<48x128xf32, #tpu.memory_space<vmem>> -> memref<1x128xf32, #tpu.memory_space<vmem>>
      %dma_start3A_446 = tpu.memref_squeeze %dma_start3A_445 : memref<1x128xf32, #tpu.memory_space<vmem>> -> memref<128xf32, #tpu.memory_space<vmem>>
      %dma_start3A_447 = arith.constant 0 : i32
      %dma_start3A_448 = tpu.memref_slice %arg15[%dma_start3A_442, %dma_start3A_447] : memref<16x128xi32, #tpu.memory_space<vmem>> -> memref<1x128xi32, #tpu.memory_space<vmem>>
      %dma_start3A_449 = tpu.memref_squeeze %dma_start3A_448 : memref<1x128xi32, #tpu.memory_space<vmem>> -> memref<128xi32, #tpu.memory_space<vmem>>
      %dma_start3A_450 = arith.constant 0 : i32
      %dma_start3A_451 = tpu.memref_slice %arg8[%dma_start3A_450] : memref<204800xf32, #tpu.memory_space<vmem_shared>> -> memref<204800xf32, #tpu.memory_space<vmem_shared>>
      tpu.enqueue_indirect_dma source(%dma_start3A_451 : memref<204800xf32, #tpu.memory_space<vmem_shared>>) target(%dma_start3A_446 : memref<128xf32, #tpu.memory_space<vmem>>) offsets(%dma_start3A_449 : memref<128xi32, #tpu.memory_space<vmem>>) semaphore(%arg17 : memref<!tpu.dma_semaphore, #tpu.memory_space<semaphore_mem>>)
      %dma_start3A_452 = arith.constant 11 : i32
      %dma_start3A_453 = arith.constant 43 : i32
      %dma_start3A_454 = arith.constant 0 : i32
      %dma_start3A_455 = tpu.memref_slice %arg16[%dma_start3A_453, %dma_start3A_454] : memref<48x128xf32, #tpu.memory_space<vmem>> -> memref<1x128xf32, #tpu.memory_space<vmem>>
      %dma_start3A_456 = tpu.memref_squeeze %dma_start3A_455 : memref<1x128xf32, #tpu.memory_space<vmem>> -> memref<128xf32, #tpu.memory_space<vmem>>
      %dma_start3A_457 = arith.constant 0 : i32
      %dma_start3A_458 = tpu.memref_slice %arg15[%dma_start3A_452, %dma_start3A_457] : memref<16x128xi32, #tpu.memory_space<vmem>> -> memref<1x128xi32, #tpu.memory_space<vmem>>
      %dma_start3A_459 = tpu.memref_squeeze %dma_start3A_458 : memref<1x128xi32, #tpu.memory_space<vmem>> -> memref<128xi32, #tpu.memory_space<vmem>>
      %dma_start3A_460 = arith.constant 0 : i32
      %dma_start3A_461 = tpu.memref_slice %arg8[%dma_start3A_460] : memref<204800xf32, #tpu.memory_space<vmem_shared>> -> memref<204800xf32, #tpu.memory_space<vmem_shared>>
      tpu.enqueue_indirect_dma source(%dma_start3A_461 : memref<204800xf32, #tpu.memory_space<vmem_shared>>) target(%dma_start3A_456 : memref<128xf32, #tpu.memory_space<vmem>>) offsets(%dma_start3A_459 : memref<128xi32, #tpu.memory_space<vmem>>) semaphore(%arg17 : memref<!tpu.dma_semaphore, #tpu.memory_space<semaphore_mem>>)
      %dma_start3A_462 = arith.constant 12 : i32
      %dma_start3A_463 = arith.constant 44 : i32
      %dma_start3A_464 = arith.constant 0 : i32
      %dma_start3A_465 = tpu.memref_slice %arg16[%dma_start3A_463, %dma_start3A_464] : memref<48x128xf32, #tpu.memory_space<vmem>> -> memref<1x128xf32, #tpu.memory_space<vmem>>
      %dma_start3A_466 = tpu.memref_squeeze %dma_start3A_465 : memref<1x128xf32, #tpu.memory_space<vmem>> -> memref<128xf32, #tpu.memory_space<vmem>>
      %dma_start3A_467 = arith.constant 0 : i32
      %dma_start3A_468 = tpu.memref_slice %arg15[%dma_start3A_462, %dma_start3A_467] : memref<16x128xi32, #tpu.memory_space<vmem>> -> memref<1x128xi32, #tpu.memory_space<vmem>>
      %dma_start3A_469 = tpu.memref_squeeze %dma_start3A_468 : memref<1x128xi32, #tpu.memory_space<vmem>> -> memref<128xi32, #tpu.memory_space<vmem>>
      %dma_start3A_470 = arith.constant 0 : i32
      %dma_start3A_471 = tpu.memref_slice %arg8[%dma_start3A_470] : memref<204800xf32, #tpu.memory_space<vmem_shared>> -> memref<204800xf32, #tpu.memory_space<vmem_shared>>
      tpu.enqueue_indirect_dma source(%dma_start3A_471 : memref<204800xf32, #tpu.memory_space<vmem_shared>>) target(%dma_start3A_466 : memref<128xf32, #tpu.memory_space<vmem>>) offsets(%dma_start3A_469 : memref<128xi32, #tpu.memory_space<vmem>>) semaphore(%arg17 : memref<!tpu.dma_semaphore, #tpu.memory_space<semaphore_mem>>)
      %dma_start3A_472 = arith.constant 13 : i32
      %dma_start3A_473 = arith.constant 45 : i32
      %dma_start3A_474 = arith.constant 0 : i32
      %dma_start3A_475 = tpu.memref_slice %arg16[%dma_start3A_473, %dma_start3A_474] : memref<48x128xf32, #tpu.memory_space<vmem>> -> memref<1x128xf32, #tpu.memory_space<vmem>>
      %dma_start3A_476 = tpu.memref_squeeze %dma_start3A_475 : memref<1x128xf32, #tpu.memory_space<vmem>> -> memref<128xf32, #tpu.memory_space<vmem>>
      %dma_start3A_477 = arith.constant 0 : i32
      %dma_start3A_478 = tpu.memref_slice %arg15[%dma_start3A_472, %dma_start3A_477] : memref<16x128xi32, #tpu.memory_space<vmem>> -> memref<1x128xi32, #tpu.memory_space<vmem>>
      %dma_start3A_479 = tpu.memref_squeeze %dma_start3A_478 : memref<1x128xi32, #tpu.memory_space<vmem>> -> memref<128xi32, #tpu.memory_space<vmem>>
      %dma_start3A_480 = arith.constant 0 : i32
      %dma_start3A_481 = tpu.memref_slice %arg8[%dma_start3A_480] : memref<204800xf32, #tpu.memory_space<vmem_shared>> -> memref<204800xf32, #tpu.memory_space<vmem_shared>>
      tpu.enqueue_indirect_dma source(%dma_start3A_481 : memref<204800xf32, #tpu.memory_space<vmem_shared>>) target(%dma_start3A_476 : memref<128xf32, #tpu.memory_space<vmem>>) offsets(%dma_start3A_479 : memref<128xi32, #tpu.memory_space<vmem>>) semaphore(%arg17 : memref<!tpu.dma_semaphore, #tpu.memory_space<semaphore_mem>>)
      %dma_start3A_482 = arith.constant 14 : i32
      %dma_start3A_483 = arith.constant 46 : i32
      %dma_start3A_484 = arith.constant 0 : i32
      %dma_start3A_485 = tpu.memref_slice %arg16[%dma_start3A_483, %dma_start3A_484] : memref<48x128xf32, #tpu.memory_space<vmem>> -> memref<1x128xf32, #tpu.memory_space<vmem>>
      %dma_start3A_486 = tpu.memref_squeeze %dma_start3A_485 : memref<1x128xf32, #tpu.memory_space<vmem>> -> memref<128xf32, #tpu.memory_space<vmem>>
      %dma_start3A_487 = arith.constant 0 : i32
      %dma_start3A_488 = tpu.memref_slice %arg15[%dma_start3A_482, %dma_start3A_487] : memref<16x128xi32, #tpu.memory_space<vmem>> -> memref<1x128xi32, #tpu.memory_space<vmem>>
      %dma_start3A_489 = tpu.memref_squeeze %dma_start3A_488 : memref<1x128xi32, #tpu.memory_space<vmem>> -> memref<128xi32, #tpu.memory_space<vmem>>
      %dma_start3A_490 = arith.constant 0 : i32
      %dma_start3A_491 = tpu.memref_slice %arg8[%dma_start3A_490] : memref<204800xf32, #tpu.memory_space<vmem_shared>> -> memref<204800xf32, #tpu.memory_space<vmem_shared>>
      tpu.enqueue_indirect_dma source(%dma_start3A_491 : memref<204800xf32, #tpu.memory_space<vmem_shared>>) target(%dma_start3A_486 : memref<128xf32, #tpu.memory_space<vmem>>) offsets(%dma_start3A_489 : memref<128xi32, #tpu.memory_space<vmem>>) semaphore(%arg17 : memref<!tpu.dma_semaphore, #tpu.memory_space<semaphore_mem>>)
      %dma_start3A_492 = arith.constant 15 : i32
      %dma_start3A_493 = arith.constant 47 : i32
      %dma_start3A_494 = arith.constant 0 : i32
      %dma_start3A_495 = tpu.memref_slice %arg16[%dma_start3A_493, %dma_start3A_494] : memref<48x128xf32, #tpu.memory_space<vmem>> -> memref<1x128xf32, #tpu.memory_space<vmem>>
      %dma_start3A_496 = tpu.memref_squeeze %dma_start3A_495 : memref<1x128xf32, #tpu.memory_space<vmem>> -> memref<128xf32, #tpu.memory_space<vmem>>
      %dma_start3A_497 = arith.constant 0 : i32
      %dma_start3A_498 = tpu.memref_slice %arg15[%dma_start3A_492, %dma_start3A_497] : memref<16x128xi32, #tpu.memory_space<vmem>> -> memref<1x128xi32, #tpu.memory_space<vmem>>
      %dma_start3A_499 = tpu.memref_squeeze %dma_start3A_498 : memref<1x128xi32, #tpu.memory_space<vmem>> -> memref<128xi32, #tpu.memory_space<vmem>>
      %dma_start3A_500 = arith.constant 0 : i32
      %dma_start3A_501 = tpu.memref_slice %arg8[%dma_start3A_500] : memref<204800xf32, #tpu.memory_space<vmem_shared>> -> memref<204800xf32, #tpu.memory_space<vmem_shared>>
      tpu.enqueue_indirect_dma source(%dma_start3A_501 : memref<204800xf32, #tpu.memory_space<vmem_shared>>) target(%dma_start3A_496 : memref<128xf32, #tpu.memory_space<vmem>>) offsets(%dma_start3A_499 : memref<128xi32, #tpu.memory_space<vmem>>) semaphore(%arg17 : memref<!tpu.dma_semaphore, #tpu.memory_space<semaphore_mem>>)
      %dma_wait3A = arith.constant 0 : i32
      %dma_wait3A_502 = arith.constant 0 : i32
      %dma_wait3A_503 = arith.constant 0 : i32
      %dma_wait3A_504 = tpu.memref_slice %arg16[%dma_wait3A_502, %dma_wait3A_503] : memref<48x128xf32, #tpu.memory_space<vmem>> -> memref<1x128xf32, #tpu.memory_space<vmem>>
      %dma_wait3A_505 = tpu.memref_squeeze %dma_wait3A_504 : memref<1x128xf32, #tpu.memory_space<vmem>> -> memref<128xf32, #tpu.memory_space<vmem>>
      %dma_wait3A_506 = arith.constant 0 : i32
      %dma_wait3A_507 = tpu.memref_slice %arg15[%dma_wait3A, %dma_wait3A_506] : memref<16x128xi32, #tpu.memory_space<vmem>> -> memref<1x128xi32, #tpu.memory_space<vmem>>
      %dma_wait3A_508 = tpu.memref_squeeze %dma_wait3A_507 : memref<1x128xi32, #tpu.memory_space<vmem>> -> memref<128xi32, #tpu.memory_space<vmem>>
      %dma_wait3A_509 = arith.constant 0 : i32
      %dma_wait3A_510 = tpu.memref_slice %arg6[%dma_wait3A_509] : memref<204800xf32, #tpu.memory_space<vmem_shared>> -> memref<204800xf32, #tpu.memory_space<vmem_shared>>
      tpu.wait_indirect_dma semaphore(%arg17 : memref<!tpu.dma_semaphore, #tpu.memory_space<semaphore_mem>>) src(%dma_wait3A_510 : memref<204800xf32, #tpu.memory_space<vmem_shared>>) dst(%dma_wait3A_505 : memref<128xf32, #tpu.memory_space<vmem>>)
      %dma_wait3A_511 = arith.constant 1 : i32
      %dma_wait3A_512 = arith.constant 1 : i32
      %dma_wait3A_513 = arith.constant 0 : i32
      %dma_wait3A_514 = tpu.memref_slice %arg16[%dma_wait3A_512, %dma_wait3A_513] : memref<48x128xf32, #tpu.memory_space<vmem>> -> memref<1x128xf32, #tpu.memory_space<vmem>>
      %dma_wait3A_515 = tpu.memref_squeeze %dma_wait3A_514 : memref<1x128xf32, #tpu.memory_space<vmem>> -> memref<128xf32, #tpu.memory_space<vmem>>
      %dma_wait3A_516 = arith.constant 0 : i32
      %dma_wait3A_517 = tpu.memref_slice %arg15[%dma_wait3A_511, %dma_wait3A_516] : memref<16x128xi32, #tpu.memory_space<vmem>> -> memref<1x128xi32, #tpu.memory_space<vmem>>
      %dma_wait3A_518 = tpu.memref_squeeze %dma_wait3A_517 : memref<1x128xi32, #tpu.memory_space<vmem>> -> memref<128xi32, #tpu.memory_space<vmem>>
      %dma_wait3A_519 = arith.constant 0 : i32
      %dma_wait3A_520 = tpu.memref_slice %arg6[%dma_wait3A_519] : memref<204800xf32, #tpu.memory_space<vmem_shared>> -> memref<204800xf32, #tpu.memory_space<vmem_shared>>
      tpu.wait_indirect_dma semaphore(%arg17 : memref<!tpu.dma_semaphore, #tpu.memory_space<semaphore_mem>>) src(%dma_wait3A_520 : memref<204800xf32, #tpu.memory_space<vmem_shared>>) dst(%dma_wait3A_515 : memref<128xf32, #tpu.memory_space<vmem>>)
      %dma_wait3A_521 = arith.constant 2 : i32
      %dma_wait3A_522 = arith.constant 2 : i32
      %dma_wait3A_523 = arith.constant 0 : i32
      %dma_wait3A_524 = tpu.memref_slice %arg16[%dma_wait3A_522, %dma_wait3A_523] : memref<48x128xf32, #tpu.memory_space<vmem>> -> memref<1x128xf32, #tpu.memory_space<vmem>>
      %dma_wait3A_525 = tpu.memref_squeeze %dma_wait3A_524 : memref<1x128xf32, #tpu.memory_space<vmem>> -> memref<128xf32, #tpu.memory_space<vmem>>
      %dma_wait3A_526 = arith.constant 0 : i32
      %dma_wait3A_527 = tpu.memref_slice %arg15[%dma_wait3A_521, %dma_wait3A_526] : memref<16x128xi32, #tpu.memory_space<vmem>> -> memref<1x128xi32, #tpu.memory_space<vmem>>
      %dma_wait3A_528 = tpu.memref_squeeze %dma_wait3A_527 : memref<1x128xi32, #tpu.memory_space<vmem>> -> memref<128xi32, #tpu.memory_space<vmem>>
      %dma_wait3A_529 = arith.constant 0 : i32
      %dma_wait3A_530 = tpu.memref_slice %arg6[%dma_wait3A_529] : memref<204800xf32, #tpu.memory_space<vmem_shared>> -> memref<204800xf32, #tpu.memory_space<vmem_shared>>
      tpu.wait_indirect_dma semaphore(%arg17 : memref<!tpu.dma_semaphore, #tpu.memory_space<semaphore_mem>>) src(%dma_wait3A_530 : memref<204800xf32, #tpu.memory_space<vmem_shared>>) dst(%dma_wait3A_525 : memref<128xf32, #tpu.memory_space<vmem>>)
      %dma_wait3A_531 = arith.constant 3 : i32
      %dma_wait3A_532 = arith.constant 3 : i32
      %dma_wait3A_533 = arith.constant 0 : i32
      %dma_wait3A_534 = tpu.memref_slice %arg16[%dma_wait3A_532, %dma_wait3A_533] : memref<48x128xf32, #tpu.memory_space<vmem>> -> memref<1x128xf32, #tpu.memory_space<vmem>>
      %dma_wait3A_535 = tpu.memref_squeeze %dma_wait3A_534 : memref<1x128xf32, #tpu.memory_space<vmem>> -> memref<128xf32, #tpu.memory_space<vmem>>
      %dma_wait3A_536 = arith.constant 0 : i32
      %dma_wait3A_537 = tpu.memref_slice %arg15[%dma_wait3A_531, %dma_wait3A_536] : memref<16x128xi32, #tpu.memory_space<vmem>> -> memref<1x128xi32, #tpu.memory_space<vmem>>
      %dma_wait3A_538 = tpu.memref_squeeze %dma_wait3A_537 : memref<1x128xi32, #tpu.memory_space<vmem>> -> memref<128xi32, #tpu.memory_space<vmem>>
      %dma_wait3A_539 = arith.constant 0 : i32
      %dma_wait3A_540 = tpu.memref_slice %arg6[%dma_wait3A_539] : memref<204800xf32, #tpu.memory_space<vmem_shared>> -> memref<204800xf32, #tpu.memory_space<vmem_shared>>
      tpu.wait_indirect_dma semaphore(%arg17 : memref<!tpu.dma_semaphore, #tpu.memory_space<semaphore_mem>>) src(%dma_wait3A_540 : memref<204800xf32, #tpu.memory_space<vmem_shared>>) dst(%dma_wait3A_535 : memref<128xf32, #tpu.memory_space<vmem>>)
      %dma_wait3A_541 = arith.constant 4 : i32
      %dma_wait3A_542 = arith.constant 4 : i32
      %dma_wait3A_543 = arith.constant 0 : i32
      %dma_wait3A_544 = tpu.memref_slice %arg16[%dma_wait3A_542, %dma_wait3A_543] : memref<48x128xf32, #tpu.memory_space<vmem>> -> memref<1x128xf32, #tpu.memory_space<vmem>>
      %dma_wait3A_545 = tpu.memref_squeeze %dma_wait3A_544 : memref<1x128xf32, #tpu.memory_space<vmem>> -> memref<128xf32, #tpu.memory_space<vmem>>
      %dma_wait3A_546 = arith.constant 0 : i32
      %dma_wait3A_547 = tpu.memref_slice %arg15[%dma_wait3A_541, %dma_wait3A_546] : memref<16x128xi32, #tpu.memory_space<vmem>> -> memref<1x128xi32, #tpu.memory_space<vmem>>
      %dma_wait3A_548 = tpu.memref_squeeze %dma_wait3A_547 : memref<1x128xi32, #tpu.memory_space<vmem>> -> memref<128xi32, #tpu.memory_space<vmem>>
      %dma_wait3A_549 = arith.constant 0 : i32
      %dma_wait3A_550 = tpu.memref_slice %arg6[%dma_wait3A_549] : memref<204800xf32, #tpu.memory_space<vmem_shared>> -> memref<204800xf32, #tpu.memory_space<vmem_shared>>
      tpu.wait_indirect_dma semaphore(%arg17 : memref<!tpu.dma_semaphore, #tpu.memory_space<semaphore_mem>>) src(%dma_wait3A_550 : memref<204800xf32, #tpu.memory_space<vmem_shared>>) dst(%dma_wait3A_545 : memref<128xf32, #tpu.memory_space<vmem>>)
      %dma_wait3A_551 = arith.constant 5 : i32
      %dma_wait3A_552 = arith.constant 5 : i32
      %dma_wait3A_553 = arith.constant 0 : i32
      %dma_wait3A_554 = tpu.memref_slice %arg16[%dma_wait3A_552, %dma_wait3A_553] : memref<48x128xf32, #tpu.memory_space<vmem>> -> memref<1x128xf32, #tpu.memory_space<vmem>>
      %dma_wait3A_555 = tpu.memref_squeeze %dma_wait3A_554 : memref<1x128xf32, #tpu.memory_space<vmem>> -> memref<128xf32, #tpu.memory_space<vmem>>
      %dma_wait3A_556 = arith.constant 0 : i32
      %dma_wait3A_557 = tpu.memref_slice %arg15[%dma_wait3A_551, %dma_wait3A_556] : memref<16x128xi32, #tpu.memory_space<vmem>> -> memref<1x128xi32, #tpu.memory_space<vmem>>
      %dma_wait3A_558 = tpu.memref_squeeze %dma_wait3A_557 : memref<1x128xi32, #tpu.memory_space<vmem>> -> memref<128xi32, #tpu.memory_space<vmem>>
      %dma_wait3A_559 = arith.constant 0 : i32
      %dma_wait3A_560 = tpu.memref_slice %arg6[%dma_wait3A_559] : memref<204800xf32, #tpu.memory_space<vmem_shared>> -> memref<204800xf32, #tpu.memory_space<vmem_shared>>
      tpu.wait_indirect_dma semaphore(%arg17 : memref<!tpu.dma_semaphore, #tpu.memory_space<semaphore_mem>>) src(%dma_wait3A_560 : memref<204800xf32, #tpu.memory_space<vmem_shared>>) dst(%dma_wait3A_555 : memref<128xf32, #tpu.memory_space<vmem>>)
      %dma_wait3A_561 = arith.constant 6 : i32
      %dma_wait3A_562 = arith.constant 6 : i32
      %dma_wait3A_563 = arith.constant 0 : i32
      %dma_wait3A_564 = tpu.memref_slice %arg16[%dma_wait3A_562, %dma_wait3A_563] : memref<48x128xf32, #tpu.memory_space<vmem>> -> memref<1x128xf32, #tpu.memory_space<vmem>>
      %dma_wait3A_565 = tpu.memref_squeeze %dma_wait3A_564 : memref<1x128xf32, #tpu.memory_space<vmem>> -> memref<128xf32, #tpu.memory_space<vmem>>
      %dma_wait3A_566 = arith.constant 0 : i32
      %dma_wait3A_567 = tpu.memref_slice %arg15[%dma_wait3A_561, %dma_wait3A_566] : memref<16x128xi32, #tpu.memory_space<vmem>> -> memref<1x128xi32, #tpu.memory_space<vmem>>
      %dma_wait3A_568 = tpu.memref_squeeze %dma_wait3A_567 : memref<1x128xi32, #tpu.memory_space<vmem>> -> memref<128xi32, #tpu.memory_space<vmem>>
      %dma_wait3A_569 = arith.constant 0 : i32
      %dma_wait3A_570 = tpu.memref_slice %arg6[%dma_wait3A_569] : memref<204800xf32, #tpu.memory_space<vmem_shared>> -> memref<204800xf32, #tpu.memory_space<vmem_shared>>
      tpu.wait_indirect_dma semaphore(%arg17 : memref<!tpu.dma_semaphore, #tpu.memory_space<semaphore_mem>>) src(%dma_wait3A_570 : memref<204800xf32, #tpu.memory_space<vmem_shared>>) dst(%dma_wait3A_565 : memref<128xf32, #tpu.memory_space<vmem>>)
      %dma_wait3A_571 = arith.constant 7 : i32
      %dma_wait3A_572 = arith.constant 7 : i32
      %dma_wait3A_573 = arith.constant 0 : i32
      %dma_wait3A_574 = tpu.memref_slice %arg16[%dma_wait3A_572, %dma_wait3A_573] : memref<48x128xf32, #tpu.memory_space<vmem>> -> memref<1x128xf32, #tpu.memory_space<vmem>>
      %dma_wait3A_575 = tpu.memref_squeeze %dma_wait3A_574 : memref<1x128xf32, #tpu.memory_space<vmem>> -> memref<128xf32, #tpu.memory_space<vmem>>
      %dma_wait3A_576 = arith.constant 0 : i32
      %dma_wait3A_577 = tpu.memref_slice %arg15[%dma_wait3A_571, %dma_wait3A_576] : memref<16x128xi32, #tpu.memory_space<vmem>> -> memref<1x128xi32, #tpu.memory_space<vmem>>
      %dma_wait3A_578 = tpu.memref_squeeze %dma_wait3A_577 : memref<1x128xi32, #tpu.memory_space<vmem>> -> memref<128xi32, #tpu.memory_space<vmem>>
      %dma_wait3A_579 = arith.constant 0 : i32
      %dma_wait3A_580 = tpu.memref_slice %arg6[%dma_wait3A_579] : memref<204800xf32, #tpu.memory_space<vmem_shared>> -> memref<204800xf32, #tpu.memory_space<vmem_shared>>
      tpu.wait_indirect_dma semaphore(%arg17 : memref<!tpu.dma_semaphore, #tpu.memory_space<semaphore_mem>>) src(%dma_wait3A_580 : memref<204800xf32, #tpu.memory_space<vmem_shared>>) dst(%dma_wait3A_575 : memref<128xf32, #tpu.memory_space<vmem>>)
      %dma_wait3A_581 = arith.constant 8 : i32
      %dma_wait3A_582 = arith.constant 8 : i32
      %dma_wait3A_583 = arith.constant 0 : i32
      %dma_wait3A_584 = tpu.memref_slice %arg16[%dma_wait3A_582, %dma_wait3A_583] : memref<48x128xf32, #tpu.memory_space<vmem>> -> memref<1x128xf32, #tpu.memory_space<vmem>>
      %dma_wait3A_585 = tpu.memref_squeeze %dma_wait3A_584 : memref<1x128xf32, #tpu.memory_space<vmem>> -> memref<128xf32, #tpu.memory_space<vmem>>
      %dma_wait3A_586 = arith.constant 0 : i32
      %dma_wait3A_587 = tpu.memref_slice %arg15[%dma_wait3A_581, %dma_wait3A_586] : memref<16x128xi32, #tpu.memory_space<vmem>> -> memref<1x128xi32, #tpu.memory_space<vmem>>
      %dma_wait3A_588 = tpu.memref_squeeze %dma_wait3A_587 : memref<1x128xi32, #tpu.memory_space<vmem>> -> memref<128xi32, #tpu.memory_space<vmem>>
      %dma_wait3A_589 = arith.constant 0 : i32
      %dma_wait3A_590 = tpu.memref_slice %arg6[%dma_wait3A_589] : memref<204800xf32, #tpu.memory_space<vmem_shared>> -> memref<204800xf32, #tpu.memory_space<vmem_shared>>
      tpu.wait_indirect_dma semaphore(%arg17 : memref<!tpu.dma_semaphore, #tpu.memory_space<semaphore_mem>>) src(%dma_wait3A_590 : memref<204800xf32, #tpu.memory_space<vmem_shared>>) dst(%dma_wait3A_585 : memref<128xf32, #tpu.memory_space<vmem>>)
      %dma_wait3A_591 = arith.constant 9 : i32
      %dma_wait3A_592 = arith.constant 9 : i32
      %dma_wait3A_593 = arith.constant 0 : i32
      %dma_wait3A_594 = tpu.memref_slice %arg16[%dma_wait3A_592, %dma_wait3A_593] : memref<48x128xf32, #tpu.memory_space<vmem>> -> memref<1x128xf32, #tpu.memory_space<vmem>>
      %dma_wait3A_595 = tpu.memref_squeeze %dma_wait3A_594 : memref<1x128xf32, #tpu.memory_space<vmem>> -> memref<128xf32, #tpu.memory_space<vmem>>
      %dma_wait3A_596 = arith.constant 0 : i32
      %dma_wait3A_597 = tpu.memref_slice %arg15[%dma_wait3A_591, %dma_wait3A_596] : memref<16x128xi32, #tpu.memory_space<vmem>> -> memref<1x128xi32, #tpu.memory_space<vmem>>
      %dma_wait3A_598 = tpu.memref_squeeze %dma_wait3A_597 : memref<1x128xi32, #tpu.memory_space<vmem>> -> memref<128xi32, #tpu.memory_space<vmem>>
      %dma_wait3A_599 = arith.constant 0 : i32
      %dma_wait3A_600 = tpu.memref_slice %arg6[%dma_wait3A_599] : memref<204800xf32, #tpu.memory_space<vmem_shared>> -> memref<204800xf32, #tpu.memory_space<vmem_shared>>
      tpu.wait_indirect_dma semaphore(%arg17 : memref<!tpu.dma_semaphore, #tpu.memory_space<semaphore_mem>>) src(%dma_wait3A_600 : memref<204800xf32, #tpu.memory_space<vmem_shared>>) dst(%dma_wait3A_595 : memref<128xf32, #tpu.memory_space<vmem>>)
      %dma_wait3A_601 = arith.constant 10 : i32
      %dma_wait3A_602 = arith.constant 10 : i32
      %dma_wait3A_603 = arith.constant 0 : i32
      %dma_wait3A_604 = tpu.memref_slice %arg16[%dma_wait3A_602, %dma_wait3A_603] : memref<48x128xf32, #tpu.memory_space<vmem>> -> memref<1x128xf32, #tpu.memory_space<vmem>>
      %dma_wait3A_605 = tpu.memref_squeeze %dma_wait3A_604 : memref<1x128xf32, #tpu.memory_space<vmem>> -> memref<128xf32, #tpu.memory_space<vmem>>
      %dma_wait3A_606 = arith.constant 0 : i32
      %dma_wait3A_607 = tpu.memref_slice %arg15[%dma_wait3A_601, %dma_wait3A_606] : memref<16x128xi32, #tpu.memory_space<vmem>> -> memref<1x128xi32, #tpu.memory_space<vmem>>
      %dma_wait3A_608 = tpu.memref_squeeze %dma_wait3A_607 : memref<1x128xi32, #tpu.memory_space<vmem>> -> memref<128xi32, #tpu.memory_space<vmem>>
      %dma_wait3A_609 = arith.constant 0 : i32
      %dma_wait3A_610 = tpu.memref_slice %arg6[%dma_wait3A_609] : memref<204800xf32, #tpu.memory_space<vmem_shared>> -> memref<204800xf32, #tpu.memory_space<vmem_shared>>
      tpu.wait_indirect_dma semaphore(%arg17 : memref<!tpu.dma_semaphore, #tpu.memory_space<semaphore_mem>>) src(%dma_wait3A_610 : memref<204800xf32, #tpu.memory_space<vmem_shared>>) dst(%dma_wait3A_605 : memref<128xf32, #tpu.memory_space<vmem>>)
      %dma_wait3A_611 = arith.constant 11 : i32
      %dma_wait3A_612 = arith.constant 11 : i32
      %dma_wait3A_613 = arith.constant 0 : i32
      %dma_wait3A_614 = tpu.memref_slice %arg16[%dma_wait3A_612, %dma_wait3A_613] : memref<48x128xf32, #tpu.memory_space<vmem>> -> memref<1x128xf32, #tpu.memory_space<vmem>>
      %dma_wait3A_615 = tpu.memref_squeeze %dma_wait3A_614 : memref<1x128xf32, #tpu.memory_space<vmem>> -> memref<128xf32, #tpu.memory_space<vmem>>
      %dma_wait3A_616 = arith.constant 0 : i32
      %dma_wait3A_617 = tpu.memref_slice %arg15[%dma_wait3A_611, %dma_wait3A_616] : memref<16x128xi32, #tpu.memory_space<vmem>> -> memref<1x128xi32, #tpu.memory_space<vmem>>
      %dma_wait3A_618 = tpu.memref_squeeze %dma_wait3A_617 : memref<1x128xi32, #tpu.memory_space<vmem>> -> memref<128xi32, #tpu.memory_space<vmem>>
      %dma_wait3A_619 = arith.constant 0 : i32
      %dma_wait3A_620 = tpu.memref_slice %arg6[%dma_wait3A_619] : memref<204800xf32, #tpu.memory_space<vmem_shared>> -> memref<204800xf32, #tpu.memory_space<vmem_shared>>
      tpu.wait_indirect_dma semaphore(%arg17 : memref<!tpu.dma_semaphore, #tpu.memory_space<semaphore_mem>>) src(%dma_wait3A_620 : memref<204800xf32, #tpu.memory_space<vmem_shared>>) dst(%dma_wait3A_615 : memref<128xf32, #tpu.memory_space<vmem>>)
      %dma_wait3A_621 = arith.constant 12 : i32
      %dma_wait3A_622 = arith.constant 12 : i32
      %dma_wait3A_623 = arith.constant 0 : i32
      %dma_wait3A_624 = tpu.memref_slice %arg16[%dma_wait3A_622, %dma_wait3A_623] : memref<48x128xf32, #tpu.memory_space<vmem>> -> memref<1x128xf32, #tpu.memory_space<vmem>>
      %dma_wait3A_625 = tpu.memref_squeeze %dma_wait3A_624 : memref<1x128xf32, #tpu.memory_space<vmem>> -> memref<128xf32, #tpu.memory_space<vmem>>
      %dma_wait3A_626 = arith.constant 0 : i32
      %dma_wait3A_627 = tpu.memref_slice %arg15[%dma_wait3A_621, %dma_wait3A_626] : memref<16x128xi32, #tpu.memory_space<vmem>> -> memref<1x128xi32, #tpu.memory_space<vmem>>
      %dma_wait3A_628 = tpu.memref_squeeze %dma_wait3A_627 : memref<1x128xi32, #tpu.memory_space<vmem>> -> memref<128xi32, #tpu.memory_space<vmem>>
      %dma_wait3A_629 = arith.constant 0 : i32
      %dma_wait3A_630 = tpu.memref_slice %arg6[%dma_wait3A_629] : memref<204800xf32, #tpu.memory_space<vmem_shared>> -> memref<204800xf32, #tpu.memory_space<vmem_shared>>
      tpu.wait_indirect_dma semaphore(%arg17 : memref<!tpu.dma_semaphore, #tpu.memory_space<semaphore_mem>>) src(%dma_wait3A_630 : memref<204800xf32, #tpu.memory_space<vmem_shared>>) dst(%dma_wait3A_625 : memref<128xf32, #tpu.memory_space<vmem>>)
      %dma_wait3A_631 = arith.constant 13 : i32
      %dma_wait3A_632 = arith.constant 13 : i32
      %dma_wait3A_633 = arith.constant 0 : i32
      %dma_wait3A_634 = tpu.memref_slice %arg16[%dma_wait3A_632, %dma_wait3A_633] : memref<48x128xf32, #tpu.memory_space<vmem>> -> memref<1x128xf32, #tpu.memory_space<vmem>>
      %dma_wait3A_635 = tpu.memref_squeeze %dma_wait3A_634 : memref<1x128xf32, #tpu.memory_space<vmem>> -> memref<128xf32, #tpu.memory_space<vmem>>
      %dma_wait3A_636 = arith.constant 0 : i32
      %dma_wait3A_637 = tpu.memref_slice %arg15[%dma_wait3A_631, %dma_wait3A_636] : memref<16x128xi32, #tpu.memory_space<vmem>> -> memref<1x128xi32, #tpu.memory_space<vmem>>
      %dma_wait3A_638 = tpu.memref_squeeze %dma_wait3A_637 : memref<1x128xi32, #tpu.memory_space<vmem>> -> memref<128xi32, #tpu.memory_space<vmem>>
      %dma_wait3A_639 = arith.constant 0 : i32
      %dma_wait3A_640 = tpu.memref_slice %arg6[%dma_wait3A_639] : memref<204800xf32, #tpu.memory_space<vmem_shared>> -> memref<204800xf32, #tpu.memory_space<vmem_shared>>
      tpu.wait_indirect_dma semaphore(%arg17 : memref<!tpu.dma_semaphore, #tpu.memory_space<semaphore_mem>>) src(%dma_wait3A_640 : memref<204800xf32, #tpu.memory_space<vmem_shared>>) dst(%dma_wait3A_635 : memref<128xf32, #tpu.memory_space<vmem>>)
      %dma_wait3A_641 = arith.constant 14 : i32
      %dma_wait3A_642 = arith.constant 14 : i32
      %dma_wait3A_643 = arith.constant 0 : i32
      %dma_wait3A_644 = tpu.memref_slice %arg16[%dma_wait3A_642, %dma_wait3A_643] : memref<48x128xf32, #tpu.memory_space<vmem>> -> memref<1x128xf32, #tpu.memory_space<vmem>>
      %dma_wait3A_645 = tpu.memref_squeeze %dma_wait3A_644 : memref<1x128xf32, #tpu.memory_space<vmem>> -> memref<128xf32, #tpu.memory_space<vmem>>
      %dma_wait3A_646 = arith.constant 0 : i32
      %dma_wait3A_647 = tpu.memref_slice %arg15[%dma_wait3A_641, %dma_wait3A_646] : memref<16x128xi32, #tpu.memory_space<vmem>> -> memref<1x128xi32, #tpu.memory_space<vmem>>
      %dma_wait3A_648 = tpu.memref_squeeze %dma_wait3A_647 : memref<1x128xi32, #tpu.memory_space<vmem>> -> memref<128xi32, #tpu.memory_space<vmem>>
      %dma_wait3A_649 = arith.constant 0 : i32
      %dma_wait3A_650 = tpu.memref_slice %arg6[%dma_wait3A_649] : memref<204800xf32, #tpu.memory_space<vmem_shared>> -> memref<204800xf32, #tpu.memory_space<vmem_shared>>
      tpu.wait_indirect_dma semaphore(%arg17 : memref<!tpu.dma_semaphore, #tpu.memory_space<semaphore_mem>>) src(%dma_wait3A_650 : memref<204800xf32, #tpu.memory_space<vmem_shared>>) dst(%dma_wait3A_645 : memref<128xf32, #tpu.memory_space<vmem>>)
      %dma_wait3A_651 = arith.constant 15 : i32
      %dma_wait3A_652 = arith.constant 15 : i32
      %dma_wait3A_653 = arith.constant 0 : i32
      %dma_wait3A_654 = tpu.memref_slice %arg16[%dma_wait3A_652, %dma_wait3A_653] : memref<48x128xf32, #tpu.memory_space<vmem>> -> memref<1x128xf32, #tpu.memory_space<vmem>>
      %dma_wait3A_655 = tpu.memref_squeeze %dma_wait3A_654 : memref<1x128xf32, #tpu.memory_space<vmem>> -> memref<128xf32, #tpu.memory_space<vmem>>
      %dma_wait3A_656 = arith.constant 0 : i32
      %dma_wait3A_657 = tpu.memref_slice %arg15[%dma_wait3A_651, %dma_wait3A_656] : memref<16x128xi32, #tpu.memory_space<vmem>> -> memref<1x128xi32, #tpu.memory_space<vmem>>
      %dma_wait3A_658 = tpu.memref_squeeze %dma_wait3A_657 : memref<1x128xi32, #tpu.memory_space<vmem>> -> memref<128xi32, #tpu.memory_space<vmem>>
      %dma_wait3A_659 = arith.constant 0 : i32
      %dma_wait3A_660 = tpu.memref_slice %arg6[%dma_wait3A_659] : memref<204800xf32, #tpu.memory_space<vmem_shared>> -> memref<204800xf32, #tpu.memory_space<vmem_shared>>
      tpu.wait_indirect_dma semaphore(%arg17 : memref<!tpu.dma_semaphore, #tpu.memory_space<semaphore_mem>>) src(%dma_wait3A_660 : memref<204800xf32, #tpu.memory_space<vmem_shared>>) dst(%dma_wait3A_655 : memref<128xf32, #tpu.memory_space<vmem>>)
      %dma_wait3A_661 = arith.constant 0 : i32
      %dma_wait3A_662 = arith.constant 16 : i32
      %dma_wait3A_663 = arith.constant 0 : i32
      %dma_wait3A_664 = tpu.memref_slice %arg16[%dma_wait3A_662, %dma_wait3A_663] : memref<48x128xf32, #tpu.memory_space<vmem>> -> memref<1x128xf32, #tpu.memory_space<vmem>>
      %dma_wait3A_665 = tpu.memref_squeeze %dma_wait3A_664 : memref<1x128xf32, #tpu.memory_space<vmem>> -> memref<128xf32, #tpu.memory_space<vmem>>
      %dma_wait3A_666 = arith.constant 0 : i32
      %dma_wait3A_667 = tpu.memref_slice %arg15[%dma_wait3A_661, %dma_wait3A_666] : memref<16x128xi32, #tpu.memory_space<vmem>> -> memref<1x128xi32, #tpu.memory_space<vmem>>
      %dma_wait3A_668 = tpu.memref_squeeze %dma_wait3A_667 : memref<1x128xi32, #tpu.memory_space<vmem>> -> memref<128xi32, #tpu.memory_space<vmem>>
      %dma_wait3A_669 = arith.constant 0 : i32
      %dma_wait3A_670 = tpu.memref_slice %arg7[%dma_wait3A_669] : memref<204800xf32, #tpu.memory_space<vmem_shared>> -> memref<204800xf32, #tpu.memory_space<vmem_shared>>
      tpu.wait_indirect_dma semaphore(%arg17 : memref<!tpu.dma_semaphore, #tpu.memory_space<semaphore_mem>>) src(%dma_wait3A_670 : memref<204800xf32, #tpu.memory_space<vmem_shared>>) dst(%dma_wait3A_665 : memref<128xf32, #tpu.memory_space<vmem>>)
      %dma_wait3A_671 = arith.constant 1 : i32
      %dma_wait3A_672 = arith.constant 17 : i32
      %dma_wait3A_673 = arith.constant 0 : i32
      %dma_wait3A_674 = tpu.memref_slice %arg16[%dma_wait3A_672, %dma_wait3A_673] : memref<48x128xf32, #tpu.memory_space<vmem>> -> memref<1x128xf32, #tpu.memory_space<vmem>>
      %dma_wait3A_675 = tpu.memref_squeeze %dma_wait3A_674 : memref<1x128xf32, #tpu.memory_space<vmem>> -> memref<128xf32, #tpu.memory_space<vmem>>
      %dma_wait3A_676 = arith.constant 0 : i32
      %dma_wait3A_677 = tpu.memref_slice %arg15[%dma_wait3A_671, %dma_wait3A_676] : memref<16x128xi32, #tpu.memory_space<vmem>> -> memref<1x128xi32, #tpu.memory_space<vmem>>
      %dma_wait3A_678 = tpu.memref_squeeze %dma_wait3A_677 : memref<1x128xi32, #tpu.memory_space<vmem>> -> memref<128xi32, #tpu.memory_space<vmem>>
      %dma_wait3A_679 = arith.constant 0 : i32
      %dma_wait3A_680 = tpu.memref_slice %arg7[%dma_wait3A_679] : memref<204800xf32, #tpu.memory_space<vmem_shared>> -> memref<204800xf32, #tpu.memory_space<vmem_shared>>
      tpu.wait_indirect_dma semaphore(%arg17 : memref<!tpu.dma_semaphore, #tpu.memory_space<semaphore_mem>>) src(%dma_wait3A_680 : memref<204800xf32, #tpu.memory_space<vmem_shared>>) dst(%dma_wait3A_675 : memref<128xf32, #tpu.memory_space<vmem>>)
      %dma_wait3A_681 = arith.constant 2 : i32
      %dma_wait3A_682 = arith.constant 18 : i32
      %dma_wait3A_683 = arith.constant 0 : i32
      %dma_wait3A_684 = tpu.memref_slice %arg16[%dma_wait3A_682, %dma_wait3A_683] : memref<48x128xf32, #tpu.memory_space<vmem>> -> memref<1x128xf32, #tpu.memory_space<vmem>>
      %dma_wait3A_685 = tpu.memref_squeeze %dma_wait3A_684 : memref<1x128xf32, #tpu.memory_space<vmem>> -> memref<128xf32, #tpu.memory_space<vmem>>
      %dma_wait3A_686 = arith.constant 0 : i32
      %dma_wait3A_687 = tpu.memref_slice %arg15[%dma_wait3A_681, %dma_wait3A_686] : memref<16x128xi32, #tpu.memory_space<vmem>> -> memref<1x128xi32, #tpu.memory_space<vmem>>
      %dma_wait3A_688 = tpu.memref_squeeze %dma_wait3A_687 : memref<1x128xi32, #tpu.memory_space<vmem>> -> memref<128xi32, #tpu.memory_space<vmem>>
      %dma_wait3A_689 = arith.constant 0 : i32
      %dma_wait3A_690 = tpu.memref_slice %arg7[%dma_wait3A_689] : memref<204800xf32, #tpu.memory_space<vmem_shared>> -> memref<204800xf32, #tpu.memory_space<vmem_shared>>
      tpu.wait_indirect_dma semaphore(%arg17 : memref<!tpu.dma_semaphore, #tpu.memory_space<semaphore_mem>>) src(%dma_wait3A_690 : memref<204800xf32, #tpu.memory_space<vmem_shared>>) dst(%dma_wait3A_685 : memref<128xf32, #tpu.memory_space<vmem>>)
      %dma_wait3A_691 = arith.constant 3 : i32
      %dma_wait3A_692 = arith.constant 19 : i32
      %dma_wait3A_693 = arith.constant 0 : i32
      %dma_wait3A_694 = tpu.memref_slice %arg16[%dma_wait3A_692, %dma_wait3A_693] : memref<48x128xf32, #tpu.memory_space<vmem>> -> memref<1x128xf32, #tpu.memory_space<vmem>>
      %dma_wait3A_695 = tpu.memref_squeeze %dma_wait3A_694 : memref<1x128xf32, #tpu.memory_space<vmem>> -> memref<128xf32, #tpu.memory_space<vmem>>
      %dma_wait3A_696 = arith.constant 0 : i32
      %dma_wait3A_697 = tpu.memref_slice %arg15[%dma_wait3A_691, %dma_wait3A_696] : memref<16x128xi32, #tpu.memory_space<vmem>> -> memref<1x128xi32, #tpu.memory_space<vmem>>
      %dma_wait3A_698 = tpu.memref_squeeze %dma_wait3A_697 : memref<1x128xi32, #tpu.memory_space<vmem>> -> memref<128xi32, #tpu.memory_space<vmem>>
      %dma_wait3A_699 = arith.constant 0 : i32
      %dma_wait3A_700 = tpu.memref_slice %arg7[%dma_wait3A_699] : memref<204800xf32, #tpu.memory_space<vmem_shared>> -> memref<204800xf32, #tpu.memory_space<vmem_shared>>
      tpu.wait_indirect_dma semaphore(%arg17 : memref<!tpu.dma_semaphore, #tpu.memory_space<semaphore_mem>>) src(%dma_wait3A_700 : memref<204800xf32, #tpu.memory_space<vmem_shared>>) dst(%dma_wait3A_695 : memref<128xf32, #tpu.memory_space<vmem>>)
      %dma_wait3A_701 = arith.constant 4 : i32
      %dma_wait3A_702 = arith.constant 20 : i32
      %dma_wait3A_703 = arith.constant 0 : i32
      %dma_wait3A_704 = tpu.memref_slice %arg16[%dma_wait3A_702, %dma_wait3A_703] : memref<48x128xf32, #tpu.memory_space<vmem>> -> memref<1x128xf32, #tpu.memory_space<vmem>>
      %dma_wait3A_705 = tpu.memref_squeeze %dma_wait3A_704 : memref<1x128xf32, #tpu.memory_space<vmem>> -> memref<128xf32, #tpu.memory_space<vmem>>
      %dma_wait3A_706 = arith.constant 0 : i32
      %dma_wait3A_707 = tpu.memref_slice %arg15[%dma_wait3A_701, %dma_wait3A_706] : memref<16x128xi32, #tpu.memory_space<vmem>> -> memref<1x128xi32, #tpu.memory_space<vmem>>
      %dma_wait3A_708 = tpu.memref_squeeze %dma_wait3A_707 : memref<1x128xi32, #tpu.memory_space<vmem>> -> memref<128xi32, #tpu.memory_space<vmem>>
      %dma_wait3A_709 = arith.constant 0 : i32
      %dma_wait3A_710 = tpu.memref_slice %arg7[%dma_wait3A_709] : memref<204800xf32, #tpu.memory_space<vmem_shared>> -> memref<204800xf32, #tpu.memory_space<vmem_shared>>
      tpu.wait_indirect_dma semaphore(%arg17 : memref<!tpu.dma_semaphore, #tpu.memory_space<semaphore_mem>>) src(%dma_wait3A_710 : memref<204800xf32, #tpu.memory_space<vmem_shared>>) dst(%dma_wait3A_705 : memref<128xf32, #tpu.memory_space<vmem>>)
      %dma_wait3A_711 = arith.constant 5 : i32
      %dma_wait3A_712 = arith.constant 21 : i32
      %dma_wait3A_713 = arith.constant 0 : i32
      %dma_wait3A_714 = tpu.memref_slice %arg16[%dma_wait3A_712, %dma_wait3A_713] : memref<48x128xf32, #tpu.memory_space<vmem>> -> memref<1x128xf32, #tpu.memory_space<vmem>>
      %dma_wait3A_715 = tpu.memref_squeeze %dma_wait3A_714 : memref<1x128xf32, #tpu.memory_space<vmem>> -> memref<128xf32, #tpu.memory_space<vmem>>
      %dma_wait3A_716 = arith.constant 0 : i32
      %dma_wait3A_717 = tpu.memref_slice %arg15[%dma_wait3A_711, %dma_wait3A_716] : memref<16x128xi32, #tpu.memory_space<vmem>> -> memref<1x128xi32, #tpu.memory_space<vmem>>
      %dma_wait3A_718 = tpu.memref_squeeze %dma_wait3A_717 : memref<1x128xi32, #tpu.memory_space<vmem>> -> memref<128xi32, #tpu.memory_space<vmem>>
      %dma_wait3A_719 = arith.constant 0 : i32
      %dma_wait3A_720 = tpu.memref_slice %arg7[%dma_wait3A_719] : memref<204800xf32, #tpu.memory_space<vmem_shared>> -> memref<204800xf32, #tpu.memory_space<vmem_shared>>
      tpu.wait_indirect_dma semaphore(%arg17 : memref<!tpu.dma_semaphore, #tpu.memory_space<semaphore_mem>>) src(%dma_wait3A_720 : memref<204800xf32, #tpu.memory_space<vmem_shared>>) dst(%dma_wait3A_715 : memref<128xf32, #tpu.memory_space<vmem>>)
      %dma_wait3A_721 = arith.constant 6 : i32
      %dma_wait3A_722 = arith.constant 22 : i32
      %dma_wait3A_723 = arith.constant 0 : i32
      %dma_wait3A_724 = tpu.memref_slice %arg16[%dma_wait3A_722, %dma_wait3A_723] : memref<48x128xf32, #tpu.memory_space<vmem>> -> memref<1x128xf32, #tpu.memory_space<vmem>>
      %dma_wait3A_725 = tpu.memref_squeeze %dma_wait3A_724 : memref<1x128xf32, #tpu.memory_space<vmem>> -> memref<128xf32, #tpu.memory_space<vmem>>
      %dma_wait3A_726 = arith.constant 0 : i32
      %dma_wait3A_727 = tpu.memref_slice %arg15[%dma_wait3A_721, %dma_wait3A_726] : memref<16x128xi32, #tpu.memory_space<vmem>> -> memref<1x128xi32, #tpu.memory_space<vmem>>
      %dma_wait3A_728 = tpu.memref_squeeze %dma_wait3A_727 : memref<1x128xi32, #tpu.memory_space<vmem>> -> memref<128xi32, #tpu.memory_space<vmem>>
      %dma_wait3A_729 = arith.constant 0 : i32
      %dma_wait3A_730 = tpu.memref_slice %arg7[%dma_wait3A_729] : memref<204800xf32, #tpu.memory_space<vmem_shared>> -> memref<204800xf32, #tpu.memory_space<vmem_shared>>
      tpu.wait_indirect_dma semaphore(%arg17 : memref<!tpu.dma_semaphore, #tpu.memory_space<semaphore_mem>>) src(%dma_wait3A_730 : memref<204800xf32, #tpu.memory_space<vmem_shared>>) dst(%dma_wait3A_725 : memref<128xf32, #tpu.memory_space<vmem>>)
      %dma_wait3A_731 = arith.constant 7 : i32
      %dma_wait3A_732 = arith.constant 23 : i32
      %dma_wait3A_733 = arith.constant 0 : i32
      %dma_wait3A_734 = tpu.memref_slice %arg16[%dma_wait3A_732, %dma_wait3A_733] : memref<48x128xf32, #tpu.memory_space<vmem>> -> memref<1x128xf32, #tpu.memory_space<vmem>>
      %dma_wait3A_735 = tpu.memref_squeeze %dma_wait3A_734 : memref<1x128xf32, #tpu.memory_space<vmem>> -> memref<128xf32, #tpu.memory_space<vmem>>
      %dma_wait3A_736 = arith.constant 0 : i32
      %dma_wait3A_737 = tpu.memref_slice %arg15[%dma_wait3A_731, %dma_wait3A_736] : memref<16x128xi32, #tpu.memory_space<vmem>> -> memref<1x128xi32, #tpu.memory_space<vmem>>
      %dma_wait3A_738 = tpu.memref_squeeze %dma_wait3A_737 : memref<1x128xi32, #tpu.memory_space<vmem>> -> memref<128xi32, #tpu.memory_space<vmem>>
      %dma_wait3A_739 = arith.constant 0 : i32
      %dma_wait3A_740 = tpu.memref_slice %arg7[%dma_wait3A_739] : memref<204800xf32, #tpu.memory_space<vmem_shared>> -> memref<204800xf32, #tpu.memory_space<vmem_shared>>
      tpu.wait_indirect_dma semaphore(%arg17 : memref<!tpu.dma_semaphore, #tpu.memory_space<semaphore_mem>>) src(%dma_wait3A_740 : memref<204800xf32, #tpu.memory_space<vmem_shared>>) dst(%dma_wait3A_735 : memref<128xf32, #tpu.memory_space<vmem>>)
      %dma_wait3A_741 = arith.constant 8 : i32
      %dma_wait3A_742 = arith.constant 24 : i32
      %dma_wait3A_743 = arith.constant 0 : i32
      %dma_wait3A_744 = tpu.memref_slice %arg16[%dma_wait3A_742, %dma_wait3A_743] : memref<48x128xf32, #tpu.memory_space<vmem>> -> memref<1x128xf32, #tpu.memory_space<vmem>>
      %dma_wait3A_745 = tpu.memref_squeeze %dma_wait3A_744 : memref<1x128xf32, #tpu.memory_space<vmem>> -> memref<128xf32, #tpu.memory_space<vmem>>
      %dma_wait3A_746 = arith.constant 0 : i32
      %dma_wait3A_747 = tpu.memref_slice %arg15[%dma_wait3A_741, %dma_wait3A_746] : memref<16x128xi32, #tpu.memory_space<vmem>> -> memref<1x128xi32, #tpu.memory_space<vmem>>
      %dma_wait3A_748 = tpu.memref_squeeze %dma_wait3A_747 : memref<1x128xi32, #tpu.memory_space<vmem>> -> memref<128xi32, #tpu.memory_space<vmem>>
      %dma_wait3A_749 = arith.constant 0 : i32
      %dma_wait3A_750 = tpu.memref_slice %arg7[%dma_wait3A_749] : memref<204800xf32, #tpu.memory_space<vmem_shared>> -> memref<204800xf32, #tpu.memory_space<vmem_shared>>
      tpu.wait_indirect_dma semaphore(%arg17 : memref<!tpu.dma_semaphore, #tpu.memory_space<semaphore_mem>>) src(%dma_wait3A_750 : memref<204800xf32, #tpu.memory_space<vmem_shared>>) dst(%dma_wait3A_745 : memref<128xf32, #tpu.memory_space<vmem>>)
      %dma_wait3A_751 = arith.constant 9 : i32
      %dma_wait3A_752 = arith.constant 25 : i32
      %dma_wait3A_753 = arith.constant 0 : i32
      %dma_wait3A_754 = tpu.memref_slice %arg16[%dma_wait3A_752, %dma_wait3A_753] : memref<48x128xf32, #tpu.memory_space<vmem>> -> memref<1x128xf32, #tpu.memory_space<vmem>>
      %dma_wait3A_755 = tpu.memref_squeeze %dma_wait3A_754 : memref<1x128xf32, #tpu.memory_space<vmem>> -> memref<128xf32, #tpu.memory_space<vmem>>
      %dma_wait3A_756 = arith.constant 0 : i32
      %dma_wait3A_757 = tpu.memref_slice %arg15[%dma_wait3A_751, %dma_wait3A_756] : memref<16x128xi32, #tpu.memory_space<vmem>> -> memref<1x128xi32, #tpu.memory_space<vmem>>
      %dma_wait3A_758 = tpu.memref_squeeze %dma_wait3A_757 : memref<1x128xi32, #tpu.memory_space<vmem>> -> memref<128xi32, #tpu.memory_space<vmem>>
      %dma_wait3A_759 = arith.constant 0 : i32
      %dma_wait3A_760 = tpu.memref_slice %arg7[%dma_wait3A_759] : memref<204800xf32, #tpu.memory_space<vmem_shared>> -> memref<204800xf32, #tpu.memory_space<vmem_shared>>
      tpu.wait_indirect_dma semaphore(%arg17 : memref<!tpu.dma_semaphore, #tpu.memory_space<semaphore_mem>>) src(%dma_wait3A_760 : memref<204800xf32, #tpu.memory_space<vmem_shared>>) dst(%dma_wait3A_755 : memref<128xf32, #tpu.memory_space<vmem>>)
      %dma_wait3A_761 = arith.constant 10 : i32
      %dma_wait3A_762 = arith.constant 26 : i32
      %dma_wait3A_763 = arith.constant 0 : i32
      %dma_wait3A_764 = tpu.memref_slice %arg16[%dma_wait3A_762, %dma_wait3A_763] : memref<48x128xf32, #tpu.memory_space<vmem>> -> memref<1x128xf32, #tpu.memory_space<vmem>>
      %dma_wait3A_765 = tpu.memref_squeeze %dma_wait3A_764 : memref<1x128xf32, #tpu.memory_space<vmem>> -> memref<128xf32, #tpu.memory_space<vmem>>
      %dma_wait3A_766 = arith.constant 0 : i32
      %dma_wait3A_767 = tpu.memref_slice %arg15[%dma_wait3A_761, %dma_wait3A_766] : memref<16x128xi32, #tpu.memory_space<vmem>> -> memref<1x128xi32, #tpu.memory_space<vmem>>
      %dma_wait3A_768 = tpu.memref_squeeze %dma_wait3A_767 : memref<1x128xi32, #tpu.memory_space<vmem>> -> memref<128xi32, #tpu.memory_space<vmem>>
      %dma_wait3A_769 = arith.constant 0 : i32
      %dma_wait3A_770 = tpu.memref_slice %arg7[%dma_wait3A_769] : memref<204800xf32, #tpu.memory_space<vmem_shared>> -> memref<204800xf32, #tpu.memory_space<vmem_shared>>
      tpu.wait_indirect_dma semaphore(%arg17 : memref<!tpu.dma_semaphore, #tpu.memory_space<semaphore_mem>>) src(%dma_wait3A_770 : memref<204800xf32, #tpu.memory_space<vmem_shared>>) dst(%dma_wait3A_765 : memref<128xf32, #tpu.memory_space<vmem>>)
      %dma_wait3A_771 = arith.constant 11 : i32
      %dma_wait3A_772 = arith.constant 27 : i32
      %dma_wait3A_773 = arith.constant 0 : i32
      %dma_wait3A_774 = tpu.memref_slice %arg16[%dma_wait3A_772, %dma_wait3A_773] : memref<48x128xf32, #tpu.memory_space<vmem>> -> memref<1x128xf32, #tpu.memory_space<vmem>>
      %dma_wait3A_775 = tpu.memref_squeeze %dma_wait3A_774 : memref<1x128xf32, #tpu.memory_space<vmem>> -> memref<128xf32, #tpu.memory_space<vmem>>
      %dma_wait3A_776 = arith.constant 0 : i32
      %dma_wait3A_777 = tpu.memref_slice %arg15[%dma_wait3A_771, %dma_wait3A_776] : memref<16x128xi32, #tpu.memory_space<vmem>> -> memref<1x128xi32, #tpu.memory_space<vmem>>
      %dma_wait3A_778 = tpu.memref_squeeze %dma_wait3A_777 : memref<1x128xi32, #tpu.memory_space<vmem>> -> memref<128xi32, #tpu.memory_space<vmem>>
      %dma_wait3A_779 = arith.constant 0 : i32
      %dma_wait3A_780 = tpu.memref_slice %arg7[%dma_wait3A_779] : memref<204800xf32, #tpu.memory_space<vmem_shared>> -> memref<204800xf32, #tpu.memory_space<vmem_shared>>
      tpu.wait_indirect_dma semaphore(%arg17 : memref<!tpu.dma_semaphore, #tpu.memory_space<semaphore_mem>>) src(%dma_wait3A_780 : memref<204800xf32, #tpu.memory_space<vmem_shared>>) dst(%dma_wait3A_775 : memref<128xf32, #tpu.memory_space<vmem>>)
      %dma_wait3A_781 = arith.constant 12 : i32
      %dma_wait3A_782 = arith.constant 28 : i32
      %dma_wait3A_783 = arith.constant 0 : i32
      %dma_wait3A_784 = tpu.memref_slice %arg16[%dma_wait3A_782, %dma_wait3A_783] : memref<48x128xf32, #tpu.memory_space<vmem>> -> memref<1x128xf32, #tpu.memory_space<vmem>>
      %dma_wait3A_785 = tpu.memref_squeeze %dma_wait3A_784 : memref<1x128xf32, #tpu.memory_space<vmem>> -> memref<128xf32, #tpu.memory_space<vmem>>
      %dma_wait3A_786 = arith.constant 0 : i32
      %dma_wait3A_787 = tpu.memref_slice %arg15[%dma_wait3A_781, %dma_wait3A_786] : memref<16x128xi32, #tpu.memory_space<vmem>> -> memref<1x128xi32, #tpu.memory_space<vmem>>
      %dma_wait3A_788 = tpu.memref_squeeze %dma_wait3A_787 : memref<1x128xi32, #tpu.memory_space<vmem>> -> memref<128xi32, #tpu.memory_space<vmem>>
      %dma_wait3A_789 = arith.constant 0 : i32
      %dma_wait3A_790 = tpu.memref_slice %arg7[%dma_wait3A_789] : memref<204800xf32, #tpu.memory_space<vmem_shared>> -> memref<204800xf32, #tpu.memory_space<vmem_shared>>
      tpu.wait_indirect_dma semaphore(%arg17 : memref<!tpu.dma_semaphore, #tpu.memory_space<semaphore_mem>>) src(%dma_wait3A_790 : memref<204800xf32, #tpu.memory_space<vmem_shared>>) dst(%dma_wait3A_785 : memref<128xf32, #tpu.memory_space<vmem>>)
      %dma_wait3A_791 = arith.constant 13 : i32
      %dma_wait3A_792 = arith.constant 29 : i32
      %dma_wait3A_793 = arith.constant 0 : i32
      %dma_wait3A_794 = tpu.memref_slice %arg16[%dma_wait3A_792, %dma_wait3A_793] : memref<48x128xf32, #tpu.memory_space<vmem>> -> memref<1x128xf32, #tpu.memory_space<vmem>>
      %dma_wait3A_795 = tpu.memref_squeeze %dma_wait3A_794 : memref<1x128xf32, #tpu.memory_space<vmem>> -> memref<128xf32, #tpu.memory_space<vmem>>
      %dma_wait3A_796 = arith.constant 0 : i32
      %dma_wait3A_797 = tpu.memref_slice %arg15[%dma_wait3A_791, %dma_wait3A_796] : memref<16x128xi32, #tpu.memory_space<vmem>> -> memref<1x128xi32, #tpu.memory_space<vmem>>
      %dma_wait3A_798 = tpu.memref_squeeze %dma_wait3A_797 : memref<1x128xi32, #tpu.memory_space<vmem>> -> memref<128xi32, #tpu.memory_space<vmem>>
      %dma_wait3A_799 = arith.constant 0 : i32
      %dma_wait3A_800 = tpu.memref_slice %arg7[%dma_wait3A_799] : memref<204800xf32, #tpu.memory_space<vmem_shared>> -> memref<204800xf32, #tpu.memory_space<vmem_shared>>
      tpu.wait_indirect_dma semaphore(%arg17 : memref<!tpu.dma_semaphore, #tpu.memory_space<semaphore_mem>>) src(%dma_wait3A_800 : memref<204800xf32, #tpu.memory_space<vmem_shared>>) dst(%dma_wait3A_795 : memref<128xf32, #tpu.memory_space<vmem>>)
      %dma_wait3A_801 = arith.constant 14 : i32
      %dma_wait3A_802 = arith.constant 30 : i32
      %dma_wait3A_803 = arith.constant 0 : i32
      %dma_wait3A_804 = tpu.memref_slice %arg16[%dma_wait3A_802, %dma_wait3A_803] : memref<48x128xf32, #tpu.memory_space<vmem>> -> memref<1x128xf32, #tpu.memory_space<vmem>>
      %dma_wait3A_805 = tpu.memref_squeeze %dma_wait3A_804 : memref<1x128xf32, #tpu.memory_space<vmem>> -> memref<128xf32, #tpu.memory_space<vmem>>
      %dma_wait3A_806 = arith.constant 0 : i32
      %dma_wait3A_807 = tpu.memref_slice %arg15[%dma_wait3A_801, %dma_wait3A_806] : memref<16x128xi32, #tpu.memory_space<vmem>> -> memref<1x128xi32, #tpu.memory_space<vmem>>
      %dma_wait3A_808 = tpu.memref_squeeze %dma_wait3A_807 : memref<1x128xi32, #tpu.memory_space<vmem>> -> memref<128xi32, #tpu.memory_space<vmem>>
      %dma_wait3A_809 = arith.constant 0 : i32
      %dma_wait3A_810 = tpu.memref_slice %arg7[%dma_wait3A_809] : memref<204800xf32, #tpu.memory_space<vmem_shared>> -> memref<204800xf32, #tpu.memory_space<vmem_shared>>
      tpu.wait_indirect_dma semaphore(%arg17 : memref<!tpu.dma_semaphore, #tpu.memory_space<semaphore_mem>>) src(%dma_wait3A_810 : memref<204800xf32, #tpu.memory_space<vmem_shared>>) dst(%dma_wait3A_805 : memref<128xf32, #tpu.memory_space<vmem>>)
      %dma_wait3A_811 = arith.constant 15 : i32
      %dma_wait3A_812 = arith.constant 31 : i32
      %dma_wait3A_813 = arith.constant 0 : i32
      %dma_wait3A_814 = tpu.memref_slice %arg16[%dma_wait3A_812, %dma_wait3A_813] : memref<48x128xf32, #tpu.memory_space<vmem>> -> memref<1x128xf32, #tpu.memory_space<vmem>>
      %dma_wait3A_815 = tpu.memref_squeeze %dma_wait3A_814 : memref<1x128xf32, #tpu.memory_space<vmem>> -> memref<128xf32, #tpu.memory_space<vmem>>
      %dma_wait3A_816 = arith.constant 0 : i32
      %dma_wait3A_817 = tpu.memref_slice %arg15[%dma_wait3A_811, %dma_wait3A_816] : memref<16x128xi32, #tpu.memory_space<vmem>> -> memref<1x128xi32, #tpu.memory_space<vmem>>
      %dma_wait3A_818 = tpu.memref_squeeze %dma_wait3A_817 : memref<1x128xi32, #tpu.memory_space<vmem>> -> memref<128xi32, #tpu.memory_space<vmem>>
      %dma_wait3A_819 = arith.constant 0 : i32
      %dma_wait3A_820 = tpu.memref_slice %arg7[%dma_wait3A_819] : memref<204800xf32, #tpu.memory_space<vmem_shared>> -> memref<204800xf32, #tpu.memory_space<vmem_shared>>
      tpu.wait_indirect_dma semaphore(%arg17 : memref<!tpu.dma_semaphore, #tpu.memory_space<semaphore_mem>>) src(%dma_wait3A_820 : memref<204800xf32, #tpu.memory_space<vmem_shared>>) dst(%dma_wait3A_815 : memref<128xf32, #tpu.memory_space<vmem>>)
      %dma_wait3A_821 = arith.constant 0 : i32
      %dma_wait3A_822 = arith.constant 32 : i32
      %dma_wait3A_823 = arith.constant 0 : i32
      %dma_wait3A_824 = tpu.memref_slice %arg16[%dma_wait3A_822, %dma_wait3A_823] : memref<48x128xf32, #tpu.memory_space<vmem>> -> memref<1x128xf32, #tpu.memory_space<vmem>>
      %dma_wait3A_825 = tpu.memref_squeeze %dma_wait3A_824 : memref<1x128xf32, #tpu.memory_space<vmem>> -> memref<128xf32, #tpu.memory_space<vmem>>
      %dma_wait3A_826 = arith.constant 0 : i32
      %dma_wait3A_827 = tpu.memref_slice %arg15[%dma_wait3A_821, %dma_wait3A_826] : memref<16x128xi32, #tpu.memory_space<vmem>> -> memref<1x128xi32, #tpu.memory_space<vmem>>
      %dma_wait3A_828 = tpu.memref_squeeze %dma_wait3A_827 : memref<1x128xi32, #tpu.memory_space<vmem>> -> memref<128xi32, #tpu.memory_space<vmem>>
      %dma_wait3A_829 = arith.constant 0 : i32
      %dma_wait3A_830 = tpu.memref_slice %arg8[%dma_wait3A_829] : memref<204800xf32, #tpu.memory_space<vmem_shared>> -> memref<204800xf32, #tpu.memory_space<vmem_shared>>
      tpu.wait_indirect_dma semaphore(%arg17 : memref<!tpu.dma_semaphore, #tpu.memory_space<semaphore_mem>>) src(%dma_wait3A_830 : memref<204800xf32, #tpu.memory_space<vmem_shared>>) dst(%dma_wait3A_825 : memref<128xf32, #tpu.memory_space<vmem>>)
      %dma_wait3A_831 = arith.constant 1 : i32
      %dma_wait3A_832 = arith.constant 33 : i32
      %dma_wait3A_833 = arith.constant 0 : i32
      %dma_wait3A_834 = tpu.memref_slice %arg16[%dma_wait3A_832, %dma_wait3A_833] : memref<48x128xf32, #tpu.memory_space<vmem>> -> memref<1x128xf32, #tpu.memory_space<vmem>>
      %dma_wait3A_835 = tpu.memref_squeeze %dma_wait3A_834 : memref<1x128xf32, #tpu.memory_space<vmem>> -> memref<128xf32, #tpu.memory_space<vmem>>
      %dma_wait3A_836 = arith.constant 0 : i32
      %dma_wait3A_837 = tpu.memref_slice %arg15[%dma_wait3A_831, %dma_wait3A_836] : memref<16x128xi32, #tpu.memory_space<vmem>> -> memref<1x128xi32, #tpu.memory_space<vmem>>
      %dma_wait3A_838 = tpu.memref_squeeze %dma_wait3A_837 : memref<1x128xi32, #tpu.memory_space<vmem>> -> memref<128xi32, #tpu.memory_space<vmem>>
      %dma_wait3A_839 = arith.constant 0 : i32
      %dma_wait3A_840 = tpu.memref_slice %arg8[%dma_wait3A_839] : memref<204800xf32, #tpu.memory_space<vmem_shared>> -> memref<204800xf32, #tpu.memory_space<vmem_shared>>
      tpu.wait_indirect_dma semaphore(%arg17 : memref<!tpu.dma_semaphore, #tpu.memory_space<semaphore_mem>>) src(%dma_wait3A_840 : memref<204800xf32, #tpu.memory_space<vmem_shared>>) dst(%dma_wait3A_835 : memref<128xf32, #tpu.memory_space<vmem>>)
      %dma_wait3A_841 = arith.constant 2 : i32
      %dma_wait3A_842 = arith.constant 34 : i32
      %dma_wait3A_843 = arith.constant 0 : i32
      %dma_wait3A_844 = tpu.memref_slice %arg16[%dma_wait3A_842, %dma_wait3A_843] : memref<48x128xf32, #tpu.memory_space<vmem>> -> memref<1x128xf32, #tpu.memory_space<vmem>>
      %dma_wait3A_845 = tpu.memref_squeeze %dma_wait3A_844 : memref<1x128xf32, #tpu.memory_space<vmem>> -> memref<128xf32, #tpu.memory_space<vmem>>
      %dma_wait3A_846 = arith.constant 0 : i32
      %dma_wait3A_847 = tpu.memref_slice %arg15[%dma_wait3A_841, %dma_wait3A_846] : memref<16x128xi32, #tpu.memory_space<vmem>> -> memref<1x128xi32, #tpu.memory_space<vmem>>
      %dma_wait3A_848 = tpu.memref_squeeze %dma_wait3A_847 : memref<1x128xi32, #tpu.memory_space<vmem>> -> memref<128xi32, #tpu.memory_space<vmem>>
      %dma_wait3A_849 = arith.constant 0 : i32
      %dma_wait3A_850 = tpu.memref_slice %arg8[%dma_wait3A_849] : memref<204800xf32, #tpu.memory_space<vmem_shared>> -> memref<204800xf32, #tpu.memory_space<vmem_shared>>
      tpu.wait_indirect_dma semaphore(%arg17 : memref<!tpu.dma_semaphore, #tpu.memory_space<semaphore_mem>>) src(%dma_wait3A_850 : memref<204800xf32, #tpu.memory_space<vmem_shared>>) dst(%dma_wait3A_845 : memref<128xf32, #tpu.memory_space<vmem>>)
      %dma_wait3A_851 = arith.constant 3 : i32
      %dma_wait3A_852 = arith.constant 35 : i32
      %dma_wait3A_853 = arith.constant 0 : i32
      %dma_wait3A_854 = tpu.memref_slice %arg16[%dma_wait3A_852, %dma_wait3A_853] : memref<48x128xf32, #tpu.memory_space<vmem>> -> memref<1x128xf32, #tpu.memory_space<vmem>>
      %dma_wait3A_855 = tpu.memref_squeeze %dma_wait3A_854 : memref<1x128xf32, #tpu.memory_space<vmem>> -> memref<128xf32, #tpu.memory_space<vmem>>
      %dma_wait3A_856 = arith.constant 0 : i32
      %dma_wait3A_857 = tpu.memref_slice %arg15[%dma_wait3A_851, %dma_wait3A_856] : memref<16x128xi32, #tpu.memory_space<vmem>> -> memref<1x128xi32, #tpu.memory_space<vmem>>
      %dma_wait3A_858 = tpu.memref_squeeze %dma_wait3A_857 : memref<1x128xi32, #tpu.memory_space<vmem>> -> memref<128xi32, #tpu.memory_space<vmem>>
      %dma_wait3A_859 = arith.constant 0 : i32
      %dma_wait3A_860 = tpu.memref_slice %arg8[%dma_wait3A_859] : memref<204800xf32, #tpu.memory_space<vmem_shared>> -> memref<204800xf32, #tpu.memory_space<vmem_shared>>
      tpu.wait_indirect_dma semaphore(%arg17 : memref<!tpu.dma_semaphore, #tpu.memory_space<semaphore_mem>>) src(%dma_wait3A_860 : memref<204800xf32, #tpu.memory_space<vmem_shared>>) dst(%dma_wait3A_855 : memref<128xf32, #tpu.memory_space<vmem>>)
      %dma_wait3A_861 = arith.constant 4 : i32
      %dma_wait3A_862 = arith.constant 36 : i32
      %dma_wait3A_863 = arith.constant 0 : i32
      %dma_wait3A_864 = tpu.memref_slice %arg16[%dma_wait3A_862, %dma_wait3A_863] : memref<48x128xf32, #tpu.memory_space<vmem>> -> memref<1x128xf32, #tpu.memory_space<vmem>>
      %dma_wait3A_865 = tpu.memref_squeeze %dma_wait3A_864 : memref<1x128xf32, #tpu.memory_space<vmem>> -> memref<128xf32, #tpu.memory_space<vmem>>
      %dma_wait3A_866 = arith.constant 0 : i32
      %dma_wait3A_867 = tpu.memref_slice %arg15[%dma_wait3A_861, %dma_wait3A_866] : memref<16x128xi32, #tpu.memory_space<vmem>> -> memref<1x128xi32, #tpu.memory_space<vmem>>
      %dma_wait3A_868 = tpu.memref_squeeze %dma_wait3A_867 : memref<1x128xi32, #tpu.memory_space<vmem>> -> memref<128xi32, #tpu.memory_space<vmem>>
      %dma_wait3A_869 = arith.constant 0 : i32
      %dma_wait3A_870 = tpu.memref_slice %arg8[%dma_wait3A_869] : memref<204800xf32, #tpu.memory_space<vmem_shared>> -> memref<204800xf32, #tpu.memory_space<vmem_shared>>
      tpu.wait_indirect_dma semaphore(%arg17 : memref<!tpu.dma_semaphore, #tpu.memory_space<semaphore_mem>>) src(%dma_wait3A_870 : memref<204800xf32, #tpu.memory_space<vmem_shared>>) dst(%dma_wait3A_865 : memref<128xf32, #tpu.memory_space<vmem>>)
      %dma_wait3A_871 = arith.constant 5 : i32
      %dma_wait3A_872 = arith.constant 37 : i32
      %dma_wait3A_873 = arith.constant 0 : i32
      %dma_wait3A_874 = tpu.memref_slice %arg16[%dma_wait3A_872, %dma_wait3A_873] : memref<48x128xf32, #tpu.memory_space<vmem>> -> memref<1x128xf32, #tpu.memory_space<vmem>>
      %dma_wait3A_875 = tpu.memref_squeeze %dma_wait3A_874 : memref<1x128xf32, #tpu.memory_space<vmem>> -> memref<128xf32, #tpu.memory_space<vmem>>
      %dma_wait3A_876 = arith.constant 0 : i32
      %dma_wait3A_877 = tpu.memref_slice %arg15[%dma_wait3A_871, %dma_wait3A_876] : memref<16x128xi32, #tpu.memory_space<vmem>> -> memref<1x128xi32, #tpu.memory_space<vmem>>
      %dma_wait3A_878 = tpu.memref_squeeze %dma_wait3A_877 : memref<1x128xi32, #tpu.memory_space<vmem>> -> memref<128xi32, #tpu.memory_space<vmem>>
      %dma_wait3A_879 = arith.constant 0 : i32
      %dma_wait3A_880 = tpu.memref_slice %arg8[%dma_wait3A_879] : memref<204800xf32, #tpu.memory_space<vmem_shared>> -> memref<204800xf32, #tpu.memory_space<vmem_shared>>
      tpu.wait_indirect_dma semaphore(%arg17 : memref<!tpu.dma_semaphore, #tpu.memory_space<semaphore_mem>>) src(%dma_wait3A_880 : memref<204800xf32, #tpu.memory_space<vmem_shared>>) dst(%dma_wait3A_875 : memref<128xf32, #tpu.memory_space<vmem>>)
      %dma_wait3A_881 = arith.constant 6 : i32
      %dma_wait3A_882 = arith.constant 38 : i32
      %dma_wait3A_883 = arith.constant 0 : i32
      %dma_wait3A_884 = tpu.memref_slice %arg16[%dma_wait3A_882, %dma_wait3A_883] : memref<48x128xf32, #tpu.memory_space<vmem>> -> memref<1x128xf32, #tpu.memory_space<vmem>>
      %dma_wait3A_885 = tpu.memref_squeeze %dma_wait3A_884 : memref<1x128xf32, #tpu.memory_space<vmem>> -> memref<128xf32, #tpu.memory_space<vmem>>
      %dma_wait3A_886 = arith.constant 0 : i32
      %dma_wait3A_887 = tpu.memref_slice %arg15[%dma_wait3A_881, %dma_wait3A_886] : memref<16x128xi32, #tpu.memory_space<vmem>> -> memref<1x128xi32, #tpu.memory_space<vmem>>
      %dma_wait3A_888 = tpu.memref_squeeze %dma_wait3A_887 : memref<1x128xi32, #tpu.memory_space<vmem>> -> memref<128xi32, #tpu.memory_space<vmem>>
      %dma_wait3A_889 = arith.constant 0 : i32
      %dma_wait3A_890 = tpu.memref_slice %arg8[%dma_wait3A_889] : memref<204800xf32, #tpu.memory_space<vmem_shared>> -> memref<204800xf32, #tpu.memory_space<vmem_shared>>
      tpu.wait_indirect_dma semaphore(%arg17 : memref<!tpu.dma_semaphore, #tpu.memory_space<semaphore_mem>>) src(%dma_wait3A_890 : memref<204800xf32, #tpu.memory_space<vmem_shared>>) dst(%dma_wait3A_885 : memref<128xf32, #tpu.memory_space<vmem>>)
      %dma_wait3A_891 = arith.constant 7 : i32
      %dma_wait3A_892 = arith.constant 39 : i32
      %dma_wait3A_893 = arith.constant 0 : i32
      %dma_wait3A_894 = tpu.memref_slice %arg16[%dma_wait3A_892, %dma_wait3A_893] : memref<48x128xf32, #tpu.memory_space<vmem>> -> memref<1x128xf32, #tpu.memory_space<vmem>>
      %dma_wait3A_895 = tpu.memref_squeeze %dma_wait3A_894 : memref<1x128xf32, #tpu.memory_space<vmem>> -> memref<128xf32, #tpu.memory_space<vmem>>
      %dma_wait3A_896 = arith.constant 0 : i32
      %dma_wait3A_897 = tpu.memref_slice %arg15[%dma_wait3A_891, %dma_wait3A_896] : memref<16x128xi32, #tpu.memory_space<vmem>> -> memref<1x128xi32, #tpu.memory_space<vmem>>
      %dma_wait3A_898 = tpu.memref_squeeze %dma_wait3A_897 : memref<1x128xi32, #tpu.memory_space<vmem>> -> memref<128xi32, #tpu.memory_space<vmem>>
      %dma_wait3A_899 = arith.constant 0 : i32
      %dma_wait3A_900 = tpu.memref_slice %arg8[%dma_wait3A_899] : memref<204800xf32, #tpu.memory_space<vmem_shared>> -> memref<204800xf32, #tpu.memory_space<vmem_shared>>
      tpu.wait_indirect_dma semaphore(%arg17 : memref<!tpu.dma_semaphore, #tpu.memory_space<semaphore_mem>>) src(%dma_wait3A_900 : memref<204800xf32, #tpu.memory_space<vmem_shared>>) dst(%dma_wait3A_895 : memref<128xf32, #tpu.memory_space<vmem>>)
      %dma_wait3A_901 = arith.constant 8 : i32
      %dma_wait3A_902 = arith.constant 40 : i32
      %dma_wait3A_903 = arith.constant 0 : i32
      %dma_wait3A_904 = tpu.memref_slice %arg16[%dma_wait3A_902, %dma_wait3A_903] : memref<48x128xf32, #tpu.memory_space<vmem>> -> memref<1x128xf32, #tpu.memory_space<vmem>>
      %dma_wait3A_905 = tpu.memref_squeeze %dma_wait3A_904 : memref<1x128xf32, #tpu.memory_space<vmem>> -> memref<128xf32, #tpu.memory_space<vmem>>
      %dma_wait3A_906 = arith.constant 0 : i32
      %dma_wait3A_907 = tpu.memref_slice %arg15[%dma_wait3A_901, %dma_wait3A_906] : memref<16x128xi32, #tpu.memory_space<vmem>> -> memref<1x128xi32, #tpu.memory_space<vmem>>
      %dma_wait3A_908 = tpu.memref_squeeze %dma_wait3A_907 : memref<1x128xi32, #tpu.memory_space<vmem>> -> memref<128xi32, #tpu.memory_space<vmem>>
      %dma_wait3A_909 = arith.constant 0 : i32
      %dma_wait3A_910 = tpu.memref_slice %arg8[%dma_wait3A_909] : memref<204800xf32, #tpu.memory_space<vmem_shared>> -> memref<204800xf32, #tpu.memory_space<vmem_shared>>
      tpu.wait_indirect_dma semaphore(%arg17 : memref<!tpu.dma_semaphore, #tpu.memory_space<semaphore_mem>>) src(%dma_wait3A_910 : memref<204800xf32, #tpu.memory_space<vmem_shared>>) dst(%dma_wait3A_905 : memref<128xf32, #tpu.memory_space<vmem>>)
      %dma_wait3A_911 = arith.constant 9 : i32
      %dma_wait3A_912 = arith.constant 41 : i32
      %dma_wait3A_913 = arith.constant 0 : i32
      %dma_wait3A_914 = tpu.memref_slice %arg16[%dma_wait3A_912, %dma_wait3A_913] : memref<48x128xf32, #tpu.memory_space<vmem>> -> memref<1x128xf32, #tpu.memory_space<vmem>>
      %dma_wait3A_915 = tpu.memref_squeeze %dma_wait3A_914 : memref<1x128xf32, #tpu.memory_space<vmem>> -> memref<128xf32, #tpu.memory_space<vmem>>
      %dma_wait3A_916 = arith.constant 0 : i32
      %dma_wait3A_917 = tpu.memref_slice %arg15[%dma_wait3A_911, %dma_wait3A_916] : memref<16x128xi32, #tpu.memory_space<vmem>> -> memref<1x128xi32, #tpu.memory_space<vmem>>
      %dma_wait3A_918 = tpu.memref_squeeze %dma_wait3A_917 : memref<1x128xi32, #tpu.memory_space<vmem>> -> memref<128xi32, #tpu.memory_space<vmem>>
      %dma_wait3A_919 = arith.constant 0 : i32
      %dma_wait3A_920 = tpu.memref_slice %arg8[%dma_wait3A_919] : memref<204800xf32, #tpu.memory_space<vmem_shared>> -> memref<204800xf32, #tpu.memory_space<vmem_shared>>
      tpu.wait_indirect_dma semaphore(%arg17 : memref<!tpu.dma_semaphore, #tpu.memory_space<semaphore_mem>>) src(%dma_wait3A_920 : memref<204800xf32, #tpu.memory_space<vmem_shared>>) dst(%dma_wait3A_915 : memref<128xf32, #tpu.memory_space<vmem>>)
      %dma_wait3A_921 = arith.constant 10 : i32
      %dma_wait3A_922 = arith.constant 42 : i32
      %dma_wait3A_923 = arith.constant 0 : i32
      %dma_wait3A_924 = tpu.memref_slice %arg16[%dma_wait3A_922, %dma_wait3A_923] : memref<48x128xf32, #tpu.memory_space<vmem>> -> memref<1x128xf32, #tpu.memory_space<vmem>>
      %dma_wait3A_925 = tpu.memref_squeeze %dma_wait3A_924 : memref<1x128xf32, #tpu.memory_space<vmem>> -> memref<128xf32, #tpu.memory_space<vmem>>
      %dma_wait3A_926 = arith.constant 0 : i32
      %dma_wait3A_927 = tpu.memref_slice %arg15[%dma_wait3A_921, %dma_wait3A_926] : memref<16x128xi32, #tpu.memory_space<vmem>> -> memref<1x128xi32, #tpu.memory_space<vmem>>
      %dma_wait3A_928 = tpu.memref_squeeze %dma_wait3A_927 : memref<1x128xi32, #tpu.memory_space<vmem>> -> memref<128xi32, #tpu.memory_space<vmem>>
      %dma_wait3A_929 = arith.constant 0 : i32
      %dma_wait3A_930 = tpu.memref_slice %arg8[%dma_wait3A_929] : memref<204800xf32, #tpu.memory_space<vmem_shared>> -> memref<204800xf32, #tpu.memory_space<vmem_shared>>
      tpu.wait_indirect_dma semaphore(%arg17 : memref<!tpu.dma_semaphore, #tpu.memory_space<semaphore_mem>>) src(%dma_wait3A_930 : memref<204800xf32, #tpu.memory_space<vmem_shared>>) dst(%dma_wait3A_925 : memref<128xf32, #tpu.memory_space<vmem>>)
      %dma_wait3A_931 = arith.constant 11 : i32
      %dma_wait3A_932 = arith.constant 43 : i32
      %dma_wait3A_933 = arith.constant 0 : i32
      %dma_wait3A_934 = tpu.memref_slice %arg16[%dma_wait3A_932, %dma_wait3A_933] : memref<48x128xf32, #tpu.memory_space<vmem>> -> memref<1x128xf32, #tpu.memory_space<vmem>>
      %dma_wait3A_935 = tpu.memref_squeeze %dma_wait3A_934 : memref<1x128xf32, #tpu.memory_space<vmem>> -> memref<128xf32, #tpu.memory_space<vmem>>
      %dma_wait3A_936 = arith.constant 0 : i32
      %dma_wait3A_937 = tpu.memref_slice %arg15[%dma_wait3A_931, %dma_wait3A_936] : memref<16x128xi32, #tpu.memory_space<vmem>> -> memref<1x128xi32, #tpu.memory_space<vmem>>
      %dma_wait3A_938 = tpu.memref_squeeze %dma_wait3A_937 : memref<1x128xi32, #tpu.memory_space<vmem>> -> memref<128xi32, #tpu.memory_space<vmem>>
      %dma_wait3A_939 = arith.constant 0 : i32
      %dma_wait3A_940 = tpu.memref_slice %arg8[%dma_wait3A_939] : memref<204800xf32, #tpu.memory_space<vmem_shared>> -> memref<204800xf32, #tpu.memory_space<vmem_shared>>
      tpu.wait_indirect_dma semaphore(%arg17 : memref<!tpu.dma_semaphore, #tpu.memory_space<semaphore_mem>>) src(%dma_wait3A_940 : memref<204800xf32, #tpu.memory_space<vmem_shared>>) dst(%dma_wait3A_935 : memref<128xf32, #tpu.memory_space<vmem>>)
      %dma_wait3A_941 = arith.constant 12 : i32
      %dma_wait3A_942 = arith.constant 44 : i32
      %dma_wait3A_943 = arith.constant 0 : i32
      %dma_wait3A_944 = tpu.memref_slice %arg16[%dma_wait3A_942, %dma_wait3A_943] : memref<48x128xf32, #tpu.memory_space<vmem>> -> memref<1x128xf32, #tpu.memory_space<vmem>>
      %dma_wait3A_945 = tpu.memref_squeeze %dma_wait3A_944 : memref<1x128xf32, #tpu.memory_space<vmem>> -> memref<128xf32, #tpu.memory_space<vmem>>
      %dma_wait3A_946 = arith.constant 0 : i32
      %dma_wait3A_947 = tpu.memref_slice %arg15[%dma_wait3A_941, %dma_wait3A_946] : memref<16x128xi32, #tpu.memory_space<vmem>> -> memref<1x128xi32, #tpu.memory_space<vmem>>
      %dma_wait3A_948 = tpu.memref_squeeze %dma_wait3A_947 : memref<1x128xi32, #tpu.memory_space<vmem>> -> memref<128xi32, #tpu.memory_space<vmem>>
      %dma_wait3A_949 = arith.constant 0 : i32
      %dma_wait3A_950 = tpu.memref_slice %arg8[%dma_wait3A_949] : memref<204800xf32, #tpu.memory_space<vmem_shared>> -> memref<204800xf32, #tpu.memory_space<vmem_shared>>
      tpu.wait_indirect_dma semaphore(%arg17 : memref<!tpu.dma_semaphore, #tpu.memory_space<semaphore_mem>>) src(%dma_wait3A_950 : memref<204800xf32, #tpu.memory_space<vmem_shared>>) dst(%dma_wait3A_945 : memref<128xf32, #tpu.memory_space<vmem>>)
      %dma_wait3A_951 = arith.constant 13 : i32
      %dma_wait3A_952 = arith.constant 45 : i32
      %dma_wait3A_953 = arith.constant 0 : i32
      %dma_wait3A_954 = tpu.memref_slice %arg16[%dma_wait3A_952, %dma_wait3A_953] : memref<48x128xf32, #tpu.memory_space<vmem>> -> memref<1x128xf32, #tpu.memory_space<vmem>>
      %dma_wait3A_955 = tpu.memref_squeeze %dma_wait3A_954 : memref<1x128xf32, #tpu.memory_space<vmem>> -> memref<128xf32, #tpu.memory_space<vmem>>
      %dma_wait3A_956 = arith.constant 0 : i32
      %dma_wait3A_957 = tpu.memref_slice %arg15[%dma_wait3A_951, %dma_wait3A_956] : memref<16x128xi32, #tpu.memory_space<vmem>> -> memref<1x128xi32, #tpu.memory_space<vmem>>
      %dma_wait3A_958 = tpu.memref_squeeze %dma_wait3A_957 : memref<1x128xi32, #tpu.memory_space<vmem>> -> memref<128xi32, #tpu.memory_space<vmem>>
      %dma_wait3A_959 = arith.constant 0 : i32
      %dma_wait3A_960 = tpu.memref_slice %arg8[%dma_wait3A_959] : memref<204800xf32, #tpu.memory_space<vmem_shared>> -> memref<204800xf32, #tpu.memory_space<vmem_shared>>
      tpu.wait_indirect_dma semaphore(%arg17 : memref<!tpu.dma_semaphore, #tpu.memory_space<semaphore_mem>>) src(%dma_wait3A_960 : memref<204800xf32, #tpu.memory_space<vmem_shared>>) dst(%dma_wait3A_955 : memref<128xf32, #tpu.memory_space<vmem>>)
      %dma_wait3A_961 = arith.constant 14 : i32
      %dma_wait3A_962 = arith.constant 46 : i32
      %dma_wait3A_963 = arith.constant 0 : i32
      %dma_wait3A_964 = tpu.memref_slice %arg16[%dma_wait3A_962, %dma_wait3A_963] : memref<48x128xf32, #tpu.memory_space<vmem>> -> memref<1x128xf32, #tpu.memory_space<vmem>>
      %dma_wait3A_965 = tpu.memref_squeeze %dma_wait3A_964 : memref<1x128xf32, #tpu.memory_space<vmem>> -> memref<128xf32, #tpu.memory_space<vmem>>
      %dma_wait3A_966 = arith.constant 0 : i32
      %dma_wait3A_967 = tpu.memref_slice %arg15[%dma_wait3A_961, %dma_wait3A_966] : memref<16x128xi32, #tpu.memory_space<vmem>> -> memref<1x128xi32, #tpu.memory_space<vmem>>
      %dma_wait3A_968 = tpu.memref_squeeze %dma_wait3A_967 : memref<1x128xi32, #tpu.memory_space<vmem>> -> memref<128xi32, #tpu.memory_space<vmem>>
      %dma_wait3A_969 = arith.constant 0 : i32
      %dma_wait3A_970 = tpu.memref_slice %arg8[%dma_wait3A_969] : memref<204800xf32, #tpu.memory_space<vmem_shared>> -> memref<204800xf32, #tpu.memory_space<vmem_shared>>
      tpu.wait_indirect_dma semaphore(%arg17 : memref<!tpu.dma_semaphore, #tpu.memory_space<semaphore_mem>>) src(%dma_wait3A_970 : memref<204800xf32, #tpu.memory_space<vmem_shared>>) dst(%dma_wait3A_965 : memref<128xf32, #tpu.memory_space<vmem>>)
      %dma_wait3A_971 = arith.constant 15 : i32
      %dma_wait3A_972 = arith.constant 47 : i32
      %dma_wait3A_973 = arith.constant 0 : i32
      %dma_wait3A_974 = tpu.memref_slice %arg16[%dma_wait3A_972, %dma_wait3A_973] : memref<48x128xf32, #tpu.memory_space<vmem>> -> memref<1x128xf32, #tpu.memory_space<vmem>>
      %dma_wait3A_975 = tpu.memref_squeeze %dma_wait3A_974 : memref<1x128xf32, #tpu.memory_space<vmem>> -> memref<128xf32, #tpu.memory_space<vmem>>
      %dma_wait3A_976 = arith.constant 0 : i32
      %dma_wait3A_977 = tpu.memref_slice %arg15[%dma_wait3A_971, %dma_wait3A_976] : memref<16x128xi32, #tpu.memory_space<vmem>> -> memref<1x128xi32, #tpu.memory_space<vmem>>
      %dma_wait3A_978 = tpu.memref_squeeze %dma_wait3A_977 : memref<1x128xi32, #tpu.memory_space<vmem>> -> memref<128xi32, #tpu.memory_space<vmem>>
      %dma_wait3A_979 = arith.constant 0 : i32
      %dma_wait3A_980 = tpu.memref_slice %arg8[%dma_wait3A_979] : memref<204800xf32, #tpu.memory_space<vmem_shared>> -> memref<204800xf32, #tpu.memory_space<vmem_shared>>
      tpu.wait_indirect_dma semaphore(%arg17 : memref<!tpu.dma_semaphore, #tpu.memory_space<semaphore_mem>>) src(%dma_wait3A_980 : memref<204800xf32, #tpu.memory_space<vmem_shared>>) dst(%dma_wait3A_975 : memref<128xf32, #tpu.memory_space<vmem>>)
      %mul3A_981 = arith.constant 48 : i32
      %mul3A_982 = arith.muli %add3A_20, %mul3A_981 : i32
      "tpu.region"() ({
        %run_scoped3A = tpu.sem_alloc : memref<!tpu.dma_semaphore, #tpu.memory_space<semaphore_mem>>
        %dma_start3A_983 = arith.constant 0 : i32
        %dma_start3A_984 = tpu.memref_slice %arg5[%mul3A_982, %dma_start3A_983] : memref<98304x128xf32, #tpu.memory_space<hbm>> -> memref<48x128xf32, #tpu.memory_space<hbm>>
        %dma_start3A_985 = arith.constant 0 : i32
        %dma_start3A_986 = tpu.memref_slice %arg5[%mul3A_982, %dma_start3A_985] : memref<98304x128xf32, #tpu.memory_space<hbm>> -> memref<48x128xf32, #tpu.memory_space<hbm>>
        tpu.enqueue_dma source(%arg16 : memref<48x128xf32, #tpu.memory_space<vmem>>) target(%dma_start3A_986 : memref<48x128xf32, #tpu.memory_space<hbm>>) target_semaphore(%run_scoped3A : memref<!tpu.dma_semaphore, #tpu.memory_space<semaphore_mem>>)
        %dma_wait3A_987 = arith.constant 0 : i32
        %dma_wait3A_988 = tpu.memref_slice %arg5[%mul3A_982, %dma_wait3A_987] : memref<98304x128xf32, #tpu.memory_space<hbm>> -> memref<48x128xf32, #tpu.memory_space<hbm>>
        %dma_wait3A_989 = arith.constant 0 : i32
        %dma_wait3A_990 = tpu.memref_slice %arg5[%mul3A_982, %dma_wait3A_989] : memref<98304x128xf32, #tpu.memory_space<hbm>> -> memref<48x128xf32, #tpu.memory_space<hbm>>
        tpu.wait_dma2 semaphore(%run_scoped3A : memref<!tpu.dma_semaphore, #tpu.memory_space<semaphore_mem>>) src(%arg16 : memref<48x128xf32, #tpu.memory_space<vmem>>) dst(%dma_wait3A_990 : memref<48x128xf32, #tpu.memory_space<hbm>>)
        tpu.yield
      }) : () -> ()
    }
    %scan3A_16 = arith.constant 64 : i32
    return
  }
}

</mosaic_0001>

<sc_bundles>
// kernel: kernel.3.cloned.1.call-start
scs
__scs_entry_jumppad:
0x0: {  	(pc) =	sbr.rel $0x88, $3  }
0x1: {  	(tag) =	ssettag $0x0;
	lr =	simm.s32 $0x1  }
0x2: {  	[smem:$0x3F9E] =	sst lr;
	_ =	strace $0xD0000000  }
0x3: {  	_ = 	snop  }
0x4: {  	_ = 	snop  }
0x5: {  	_ = 	snop  }
0x6: {  	_ = 	snop  }
0x7: {  	_ = 	snop  }
__scs_overlays_trampoline_lowered:
0x8: {  	[smem:$0x3FAD] =	sst s0  }
0x9: {  	[smem:$0x3FAE] =	sst s1  }
0xa: {  	[smem:$0x3FAF] =	sst s2  }
0xb: {  	[smem:$0x3FB0] =	sst s3  }
0xc: {  	[smem:$0x3FB1] =	sst s4  }
0xd: {  	[smem:$0x3FB2] =	sst s5  }
0xe: {  	[smem:$0x3FB3] =	sst s6  }
0xf: {  	[smem:$0x3FB4] =	sst s7  }
0x10: {  	[smem:$0x3FB5] =	sst s8  }
0x11: {  	[smem:$0x3FB6] =	sst s9;
	s0 =	simm.s32 @!p0 $0x0  }
0x12: {  	s1 =	sld [smem:$0x3F9C];
	s0 =	simm.s32 @p0 $0x1  }
0x13: {  	[smem:$0x3FB7] =	sst s0;
	s0 =	simm.s32 @!p1 $0x0  }
0x14: {  	s2 =	sld [smem:$0x3F9B];
	s0 =	simm.s32 @p1 $0x1  }
0x15: {  	[smem:$0x3FB8] =	sst s0;
	s0 =	simm.s32 @!p2 $0x0  }
0x16: {  	s3 =	sld [smem:$0x3FDB];
	s0 =	simm.s32 @p2 $0x1  }
0x17: {  	s4 =	simm.s32 $0x1BF5;
	[smem:$0x3FBA] =	sst s0  }
0x18: {  	s0 =	sld [smem:$0x3F9D];
	_ =	swait.ge [sflag:s4], $0x0  }
0x19: {  	s7 =	sld [smem:$0x3F9E]  }
0x1a: {  	s8 =	sadd.s32 $0xFFFFE003, lr  }
0x1b: {  	s9 =	sadd.s32 $0xFFFFFEF7, lr;
	s5 =	simm.s32 $0xFFFFFFFF;
	p2 =	slt.u32 s8, $0xFFFFF086  }
0x1c: {  	p1 =	slt.u32 s9, $0xF7A;
	s5 =	simm.s32 @!p2 $0x0  }
0x1d: {  	s5 =	simm.s32 @p1 $0x1;
	p0 =	seq.s32 s7, s2  }
0x1e: {  	s7 =	smul.u32 @!p0 $0xF7A, s2;
	p2 =	seq.s32 @!p0 s5, $0x0  }
0x1f: {  	s9 =	smul.u32 $0xF7A, s1;
	s8 =	simm.s32 @!p0 $0x1BF5;
	p2 =	por !p2, p0  }
0x20: {  	[sflag:s8] =	ssyncset.s32 @!p0 $0xFFFFF086;
	s6 =	sadd.s32 @!p0 s3, s7;
	s7 =	simm.s32 @!p0 $0x108  }
0x21: {  	s3 =	sadd.s32 s3, s9;
	s6 =	sadd.s32 @!p0 $0x88, s6;
	s7 =	simm.s32 @p2 $0x1082  }
0x22: {  	[simem:s7], [sflag:s8] =	dma.local @!p0 [hbm:s6], $0xF7A  }
0x23: {  	s9 =	sor.u32 $0xD0000000, s2;
	s6 =	simm.s32 $0x108;
	_ =	swait.ge @!p0 [sflag:s8], $0x0  }
0x24: {  	s3 =	sadd.s32 $0x88, s3;
	s6 =	simm.s32 @!p1 $0x1082;
	[sflag:s4] =	ssyncset.s32 $0xFFFFF086  }
0x25: {  	[simem:s6], [sflag:s4] =	dma.local [hbm:s3], $0xF7A  }
0x26: {  	[smem:$0x3F9E] =	sst s1;
	(tag) =	ssettag s2;
	_ =	strace s9  }
0x27: {  	s1 =	sld [smem:$0x3FAE]  }
0x28: {  	s2 =	sld [smem:$0x3FAF]  }
0x29: {  	s4 =	sld [smem:$0x3FB1]  }
0x2a: {  	p0 =	seq.s32 s5, $0x0;
	s5 =	sld [smem:$0x3FB2]  }
0x2b: {  	s6 =	sld [smem:$0x3FB3]  }
0x2c: {  	s7 =	sld [smem:$0x3FB4]  }
0x2d: {  	s3 =	simm.s32 $0x108;
	s8 =	sld [smem:$0x3FB5]  }
0x2e: {  	s3 =	simm.s32 @!p0 $0x1082;
	s9 =	sld [smem:$0x3FB6]  }
0x2f: {  	lr =	sadd.s32 s0, s3;
	s0 =	sld [smem:$0x3FAD]  }
0x30: {  	s3 =	sld [smem:$0x3FB0]  }
0x31: {  	[smem:$0x3FB9] =	sst s10  }
0x32: {  	s10 =	sld [smem:$0x3FB7];
	_ =	sdelay $0x3  }
0x33: {  	p0 =	seq.s32 s10, $0x1;
	s10 =	sld [smem:$0x3FB9];
	_ =	sdelay $0x3  }
0x34: {  	[smem:$0x3FB9] =	sst s10  }
0x35: {  	s10 =	sld [smem:$0x3FB8];
	_ =	sdelay $0x3  }
0x36: {  	p1 =	seq.s32 s10, $0x1;
	s10 =	sld [smem:$0x3FB9];
	_ =	sdelay $0x3  }
0x37: {  	[smem:$0x3FB9] =	sst s10  }
0x38: {  	s10 =	sld [smem:$0x3FBA]  }
0x39: {  	_ = 	snop;
	(pc) =	sbr.ind lr, $3  }
0x3a: {  	_ = 	snop  }
0x3b: {  	_ = 	snop  }
0x3c: {  	p2 =	seq.s32 s10, $0x1;
	s10 =	sld [smem:$0x3FB9]  }
0x3d: {  	_ =	shalt  }
0x3e: {  	_ =	shalt  }
0x3f: {  	_ =	shalt  }
0x40: {  	_ =	shalt  }
0x41: {  	_ =	shalt  }
0x42: {  	_ =	shalt  }
0x43: {  	_ =	shalt  }
0x44: {  	_ =	shalt  }
0x45: {  	_ =	shalt  }
0x46: {  	_ =	shalt  }
0x47: {  	_ =	shalt  }
0x48: {  	_ =	shalt  }
0x49: {  	_ =	shalt  }
0x4a: {  	_ =	shalt  }
0x4b: {  	_ =	shalt  }
0x4c: {  	_ =	shalt  }
0x4d: {  	_ =	shalt  }
0x4e: {  	_ =	shalt  }
0x4f: {  	_ =	shalt  }
0x50: {  	_ =	shalt  }
0x51: {  	_ =	shalt  }
0x52: {  	_ =	shalt  }
0x53: {  	_ =	shalt  }
0x54: {  	_ =	shalt  }
0x55: {  	_ =	shalt  }
0x56: {  	_ =	shalt  }
0x57: {  	_ =	shalt  }
0x58: {  	_ =	shalt  }
0x59: {  	_ =	shalt  }
0x5a: {  	_ =	shalt  }
0x5b: {  	_ =	shalt  }
0x5c: {  	_ =	shalt  }
0x5d: {  	_ =	shalt  }
0x5e: {  	_ =	shalt  }
0x5f: {  	_ =	shalt  }
0x60: {  	_ =	shalt  }
0x61: {  	_ =	shalt  }
0x62: {  	_ =	shalt  }
0x63: {  	_ =	shalt  }
0x64: {  	_ =	shalt  }
0x65: {  	_ =	shalt  }
0x66: {  	_ =	shalt  }
0x67: {  	_ =	shalt  }
0x68: {  	_ =	shalt  }
0x69: {  	_ =	shalt  }
0x6a: {  	_ =	shalt  }
0x6b: {  	_ =	shalt  }
0x6c: {  	_ =	shalt  }
0x6d: {  	_ =	shalt  }
0x6e: {  	_ =	shalt  }
0x6f: {  	_ =	shalt  }
0x70: {  	_ =	shalt  }
0x71: {  	_ =	shalt  }
0x72: {  	_ =	shalt  }
0x73: {  	_ =	shalt  }
0x74: {  	_ =	shalt  }
0x75: {  	_ =	shalt  }
0x76: {  	_ =	shalt  }
0x77: {  	_ =	shalt  }
0x78: {  	_ =	shalt  }
0x79: {  	_ =	shalt  }
0x7a: {  	_ =	shalt  }
0x7b: {  	_ =	shalt  }
0x7c: {  	_ =	shalt  }
0x7d: {  	_ =	shalt  }
0x7e: {  	_ =	shalt  }
0x7f: {  	_ =	shalt  }
0x80: {  	_ =	shalt  }
0x81: {  	_ =	shalt  }
0x82: {  	_ =	shalt  }
0x83: {  	_ =	shalt  }
0x84: {  	_ =	shalt  }
0x85: {  	_ =	shalt  }
0x86: {  	_ =	shalt  }
0x87: {  	_ =	shalt  }
.Lfunc_end0:
.L_simem_size_0:
called_computation_lowered:
.L_overlay_start_0:
0x88: {  	s2 =	sld [smem:$0x3FD9]  }
0x89: {  	s3 =	sld [smem:$0x3FFE];
	_ =	sdelay $0x1  }
0x8a: {  	s1 =	srdreg.scid  }
0x8b: {  	s0 =	sand.u32 $0x1, s1  }
0x8c: {  	s17 =	sshll.u32 s0, $0xA;
	s2 =	sadd.s32 s3, s2  }
0x8d: {  	s2 =	sadd.s32 s2, s17  }
0x8e: {  	[smem:$0x3FC5] =	sst s2  }
0x8f: {  	_ = 	snop  }
0x90: {  	s2 =	sld [smem:$0x3FC9]  }
0x91: {  	s18 =	sld [smem:$0x3FD0];
	(tm) =	ssettm $0x1  }
0x92: {  	s4 =	sld [smem:$0x3FFB];
	_ =	sdelay $0x3  }
0x93: {  	_ =	strace s4  }
0x94: {  	s4 =	sld [smem:$0x3FFC];
	_ =	sdelay $0x3  }
0x95: {  	_ =	strace s4  }
0x96: {  	s4 =	sld [smem:$0x3FFD];
	_ =	sdelay $0x3  }
0x97: {  	_ =	strace s4  }
0x98: {  	_ =	strace $0x8FFFFFFF  }
0x99: {  	s19 =	sld [smem:$0x3FDB];
	_ =	sdelay $0x1  }
0x9a: {  	s5 =	simm.s32 $_scs_section_size  }
0x9b: {  	s6 =	simm.s32 $_size__tile_overlayer_lowered;
	s7 =	simm.s32 $_tile_overlayer_lowered  }
0x9c: {  	s22 =	simm.s32 $0x1BFF;
	s21 =	sshll.u32 s7, $0x1;
	s4 =	sadd.s32 s5, s19  }
0x9d: {  	s8 =	simm.s32 $0x0;
	s20 =	sshll.u32 s6, $0x1;
	s6 =	sadd.s32 s21, s4  }
0x9e: {  	[timem:s8], [sflag:s22] =	dma.local [hbm:s6], s20  }
0x9f: {  	_ =	swait.ge [sflag:s22], s20  }
0xa0: {  	s5 =	ssub.s32 $0x0, s20;
	[sflag:s22] =	ssyncset.done $0x0  }
0xa1: {  	[sflag:s22] =	ssyncadd.s32 s5;
	_ =	sdelay $0x1  }
0xa2: {  	s23 =	simm.s32 $0x1B8B  }
0xa3: {  	_ =	swait.ge [sflag:s23], $0x1  }
0xa4: {  	[sflag:s23] =	ssyncset.done $0x0  }
0xa5: {  	s25 =	simm.s32 $0x1B8E;
	s24 =	sld [smem:$0x3FFE];
	[sflag:s23] =	ssyncadd.s32 $0xFFFFFFFF  }
0xa6: {  	s26 =	simm.s32 $execute0_lowered;
	[smem:$0x3FD2] =	sst s25  }
0xa7: {  	s6 =	sshll.u32 s26, $0x1;
	_ =	strace $0x80000046;
	[dreg:$0x1] =	wrdreg $0xFFFFFFFF  }
0xa8: {  	s28 =	simm.s32 $_size_execute0_lowered;
	s4 =	sadd.s32 s4, s6;
	[dreg:$0x0] =	wrdreg $0x0  }
0xa9: {  	s6 =	sshll.u32 s28, $0x1;
	[dreg:$0x2] =	wrdreg s4  }
0xaa: {  	[dreg:$0x3] =	wrdreg s6  }
0xab: {  	[dreg:$0x4] =	wrdreg $0xC0  }
0xac: {  	_ =	task [dreg:s8], $0x5FFFF  }
0xad: {  	[dreg:$0x1] =	wrdreg $0xFFFFFFFF  }
0xae: {  	[dreg:$0x0] =	wrdreg $0x60  }
0xaf: {  	[dreg:$0x2] =	wrdreg s2  }
0xb0: {  	[dreg:$0x3] =	wrdreg s24  }
0xb1: {  	[dreg:$0x4] =	wrdreg s18  }
0xb2: {  	[dreg:$0x5] =	wrdreg $0x96000  }
0xb3: {  	[dreg:$0x6] =	wrdreg $0x0  }
0xb4: {  	[dreg:$0x7] =	wrdreg $0x32000  }
0xb5: {  	[dreg:$0x8] =	wrdreg $0x64000  }
0xb6: {  	[dreg:$0x9] =	wrdreg $0x9  }
0xb7: {  	_ =	task.clear_ibuf [dreg:s8], $0xAFFFF;
	_ =	strace $0x90000046  }
0xb8: {  	s29 =	simm.s32 $0x9;
	_ =	strace $0x80000048  }
0xb9: {  	_ =	swait.ge [sflag:s29], $0x1  }
0xba: {  	[sflag:s29] =	ssyncadd.s32 $0xFFFFFFFF  }
0xbb: {  	_ =	strace $0x90000048  }
0xbc: {  	_ =	sfence  }
0xbd: {  	s30 =	sld [smem:$0x0];
	_ =	sdelay $0x2  }
0xbe: {  	s31 =	sshll.u32 s1, $0xD;
	s1 =	sshrl.u32 s1, $0x2  }
0xbf: {  	s3 =	sand.u32 $0x4000, s31;
	s1 =	sadd.s32 s1, s30  }
0xc0: {  	s0 =	sor.u32 s3, s0;
	s1 =	sshll.u32 s1, $0x11  }
0xc1: {  	s0 =	sor.u32 s1, s0  }
0xc2: {  	s0 =	sadd.s32 $0x8F2B, s0  }
0xc3: {  	[sflag:s0] =	ssyncadd.remote.s32 $0x1  }
0xc4: {  	_ =	sfence.sel $0xFFFF  }
0xc5: {  	[dreg:$0x0] =	wrdreg $0xFFFFFFFF;
	(pc) =	sbr.abs _section_cstart, $3  }
0xc6: {  	[dreg:$0x1] =	wrdreg $0xFFFFFFFF  }
0xc7: {  	_ =	task.clear_ibuf [dreg:s8], $0x2FFFF;
	_ =	strace $0x9FFFFFFF  }
0xc8: {  	(tm) =	ssettm $0x7FFFFFFF  }
0xc9: {  	_ =	shalt  }
tec
execute0_lowered:
.L_overlay_start_1:
0x0: {  	(tag) =	ssettag $0x1  }
0x1: {  	s2 =	rddreg [dreg:$0x0]  }
0x2: {  	s6 =	rddreg [dreg:$0x1]  }
0x3: {  	s0 =	rddreg [dreg:$0x2]  }
0x4: {  	s10 =	rddreg [dreg:$0x3]  }
0x5: {  	s3 =	rddreg [dreg:$0x4]  }
0x6: {  	s4 =	rddreg [dreg:$0x5]  }
0x7: {  	s5 =	rddreg [dreg:$0x6];
	s8 =	simm.s32 $0x0  }
0x8: {  	s28 =	simm.s32 $0x19DD0;
	[smem:$0x7FF] =	sst s8  }
0x9: {  	s8 =	simm.s32 $0x19ED0;
	_ =	strace $0x80000047;
	[dreg:$0x9] =	wrdreg s28  }
0xa: {  	s9 =	simm.s32 $0x19F50;
	[dreg:$0xb] =	wrdreg s8  }
0xb: {  	s12 =	simm.s32 $0x19FD0;
	[dreg:$0xc] =	wrdreg s9  }
0xc: {  	s13 =	simm.s32 $0x1A050;
	[dreg:$0xd] =	wrdreg s12  }
0xd: {  	s14 =	simm.s32 $0x1A0D0;
	[dreg:$0xe] =	wrdreg s13  }
0xe: {  	s15 =	simm.s32 $0x1A150;
	[dreg:$0xf] =	wrdreg s14  }
0xf: {  	s16 =	simm.s32 $0x1A1D0;
	[dreg:$0x10] =	wrdreg s15  }
0x10: {  	s17 =	simm.s32 $0x1A250;
	[dreg:$0x11] =	wrdreg s16  }
0x11: {  	s18 =	simm.s32 $0x1A2D0;
	[dreg:$0x12] =	wrdreg s17  }
0x12: {  	s19 =	simm.s32 $0x1A350;
	[dreg:$0x13] =	wrdreg s18  }
0x13: {  	s20 =	simm.s32 $0x1A3D0;
	[dreg:$0x14] =	wrdreg s19  }
0x14: {  	s21 =	simm.s32 $0x1A450;
	[dreg:$0x15] =	wrdreg s20  }
0x15: {  	s22 =	simm.s32 $0x1A4D0;
	[dreg:$0x16] =	wrdreg s21  }
0x16: {  	s11 =	stileid.u32;
	s23 =	simm.s32 $0x1A550;
	[dreg:$0x17] =	wrdreg s22  }
0x17: {  	s24 =	simm.s32 $0x1A5D0;
	s7 =	sshll.u32 s11, $0xF;
	[dreg:$0x18] =	wrdreg s23  }
0x18: {  	s2 =	sadd.s32 s7, s2;
	s7 =	simm.s32 $0x19E50;
	[dreg:$0x19] =	wrdreg s24  }
0x19: {  	s28 =	sadd.s32 $0x600, s6;
	[dreg:$0xa] =	wrdreg s7  }
0x1a: {  	s9 =	simm.s32 $0x1A6D0;
	[smem:$0x7E0] =	sst s28  }
0x1b: {  	s13 =	simm.s32 $0x1A750;
	[dreg:$0x1b] =	wrdreg s9  }
0x1c: {  	s14 =	simm.s32 $0x1A7D0;
	[dreg:$0x1c] =	wrdreg s13  }
0x1d: {  	s16 =	simm.s32 $0x1A850;
	[dreg:$0x1d] =	wrdreg s14  }
0x1e: {  	s17 =	simm.s32 $0x1A8D0;
	[dreg:$0x1e] =	wrdreg s16  }
0x1f: {  	s18 =	simm.s32 $0x1A950;
	[dreg:$0x1f] =	wrdreg s17  }
0x20: {  	s1 =	srdreg.scid;
	s19 =	simm.s32 $0x1A9D0;
	[smem:$0x7E1] =	sst s18  }
0x21: {  	s29 =	simm.s32 $0x195D0;
	s20 =	simm.s32 $0x1AA50;
	[smem:$0x7E3] =	sst s19  }
0x22: {  	s1 =	sand.u32 $0x1, s1;
	s22 =	simm.s32 $0x1AAD0;
	[smem:$0x7E4] =	sst s20  }
0x23: {  	s26 =	sshll.u32 s1, $0xE;
	s23 =	simm.s32 $0x1AB50;
	[smem:$0x7E6] =	sst s22  }
0x24: {  	s25 =	smul.u32 $0xC350, s11;
	s2 =	sadd.s32 s26, s2;
	[smem:$0x7E8] =	sst s23  }
0x25: {  	s24 =	smul.u32 $0x3200, s11;
	s26 =	simm.s32 $0x1A650;
	[dreg:$0x8] =	wrdreg s2  }
0x26: {  	s30 =	simm.s32 $0x19650;
	s12 =	sshrl.u32 s25, $0x3;
	[dreg:$0x1a] =	wrdreg s26  }
0x27: {  	s7 =	sadd.s32 s25, s10;
	s25 =	simm.s32 $0x1ABD0;
	[smem:$0x7E7] =	sst s24  }
0x28: {  	s31 =	simm.s32 $0x196D0;
	s28 =	simm.s32 $0x1AC50;
	[smem:$0x7EA] =	sst s25  }
0x29: {  	s15 =	ssub.s32 $0x2, s1;
	s10 =	simm.s32 $0x1ACD0;
	[smem:$0x7EC] =	sst s28  }
0x2a: {  	s21 =	sshll.u32 s11, $0x6;
	s13 =	simm.s32 $0x1AD50;
	[smem:$0x7ED] =	sst s10  }
0x2b: {  	s1 =	smul.u32 $0xC000, s1;
	s14 =	simm.s32 $0x1ADD0;
	[smem:$0x7EE] =	sst s13  }
0x2c: {  	s9 =	sshrl.u32 s15, $0x1;
	s16 =	simm.s32 $0x1AED0;
	[smem:$0x7EF] =	sst s14  }
0x2d: {  	s18 =	simm.s32 $0x1AF50;
	s19 =	simm.s32 $0x1AFD0;
	[smem:$0x7F3] =	sst s16  }
0x2e: {  	s20 =	simm.s32 $0x1B050;
	s22 =	simm.s32 $0x1B150;
	[smem:$0x7F4] =	sst s18  }
0x2f: {  	s23 =	simm.s32 $0x1B1D0;
	s6 =	sadd.s32 s12, s6;
	[smem:$0x7F5] =	sst s19  }
0x30: {  	s8 =	ssub.s32 s15, s9;
	s26 =	smul.u32 $0x12C, s11;
	[smem:$0x7F6] =	sst s20  }
0x31: {  	s12 =	smul.u32 $0x18000, s11;
	s15 =	simm.s32 $0x1AE50;
	[smem:$0x7F8] =	sst s22  }
0x32: {  	s17 =	sshrl.u32 s7, $0x3;
	s18 =	simm.s32 $0x15F50;
	[smem:$0x7F9] =	sst s23  }
0x33: {  	s24 =	simm.s32 $0x1B250;
	s25 =	simm.s32 $0x1B2D0;
	s28 =	simm.s32 $0x1B3D0  }
0x34: {  	s22 =	simm.s32 $0x1;
	s2 =	simm.s32 $0x197D0;
	[smem:$0x7F1] =	sst s15  }
0x35: {  	s14 =	simm.s32 $0x199D0;
	s13 =	simm.s32 $0x19A50;
	[smem:$0x7F2] =	sst s17  }
0x36: {  	s19 =	simm.s32 $0x19AD0;
	s20 =	simm.s32 $0x19B50;
	[smem:$0x7FA] =	sst s24  }
0x37: {  	s23 =	simm.s32 $0x19C50;
	s6 =	sadd.s32 $0x13200, s6;
	[smem:$0x7FB] =	sst s25  }
0x38: {  	s9 =	smax.u32 s8, $0x1;
	s15 =	simm.s32 $0x2;
	[smem:$0x7FD] =	sst s28  }
0x39: {  	s17 =	simm.s32 $0x80;
	s8 =	simm.s32 $0x19850;
	[smem:$0x7E2] =	sst s6  }
0x3a: {  	s24 =	simm.s32 $0x19CD0;
	s6 =	sor.u32 $0x1C02, s21;
	[smem:$0x7E9] =	sst s26  }
0x3b: {  	[smem:$0x7EB] =	sst s9;
	s0 =	sadd.s32 s12, s0;
	s21 =	simm.s32 $0x1B0D0  }
0x3c: {  	v0 =	vlaneseq.u32;
	s26 =	simm.s32 $0x1B350;
	s9 =	simm.s32 $0x198D0;
	[smem:$0x7E5] =	sst s6  }
0x3d: {  	v0 =	vmul.u32 $0x18, v0;
	s12 =	simm.s32 $0x19950;
	s0 =	sadd.s32 s1, s0;
	[smem:$0x7F7] =	sst s21  }
0x3e: {  	[smem:$0x7FC] =	sst s26;
	s26 =	simm.s32 $0x19550;
	s21 =	simm.s32 $0x19BD0  }
0x3f: {  	v1 =	vadd.s32 $0x10, v0;
	v2 =	vadd.s32 $0x8, v0;
	s6 =	simm.s32 $0x0;
	[smem:$0x7F0] =	sst s0;
	s0 =	simm.s32 $0x19750  }
.LBB2_1:
0x40: {  	s1 =	sld [smem:$0x7E2]  }
0x41: {  	s28 =	sld [smem:$0x7E5]  }
0x42: {  	s7 =	sld [smem:$0x7F2];
	_ =	sdelay $0x1  }
0x43: {  	[smem:$0x7DF] =	sst s6  }
0x44: {  	[spmem:s7], [sflag:s28] =	dma.local [hbm:s1], $0x186A  }
0x45: {  	_ =	swait.ge [sflag:s15], $0x186A  }
0x46: {  	[sflag:s15] =	ssyncset.done $0x0  }
0x47: {  	[sflag:s15] =	ssyncadd.s32 $0xFFFFE796  }
0x48: {  	s10 =	simm.s32 $0x0;
	[bflag:$0x0] =	sbarrier.arrive $0xFFFF  }
.LBB2_2:
0x49: {  	s6 =	sld [smem:$0x7E9]  }
0x4a: {  	s1 =	smul.u32 $0xC, s10  }
0x4b: {  	s11 =	sld [smem:$0x7E0]  }
0x4c: {  	s1 =	sadd.s32 s6, s1  }
0x4d: {  	s1 =	sshll.u32 s1, $0x4  }
0x4e: {  	s7 =	simm.s32 $0x15950;
	s6 =	simm.s32 $0x0;
	s1 =	sadd.s32 s11, s1  }
0x4f: {  	[tilespmem:s7], [sflag:$0x2] =	stream.linear.gather [hbm4b:s1+s6], $0x600, $0x38;
	[tilespmem:$0x1B550] =	vst v63  }
0x50: {  	_ =	swait.ge [sflag:s15], $0x600  }
0x51: {  	[sflag:s15] =	ssyncset.done $0x0  }
0x52: {  	[sflag:s15] =	ssyncadd.s32 $0xFFFFFA00  }
0x53: {  	s1 =	rddreg [dreg:$0x3]  }
0x54: {  	[tilespmem:s18], [sflag:$0x1] =	stream.indirect.gather [spmem:s1], $0x8, s7, s17, $0xb8;
	[tilespmem:$0x1B550] =	vst v63  }
0x55: {  	s16 =	simm.s32 $0x159D0;
	s11 =	simm.s32 $0x16350  }
0x56: {  	[tilespmem:s11], [sflag:$0x1] =	stream.indirect.gather [spmem:s1], $0x8, s16, s17, $0xb8;
	[tilespmem:$0x1B550] =	vst v63  }
0x57: {  	s25 =	simm.s32 $0x15A50;
	s28 =	simm.s32 $0x16750  }
0x58: {  	[tilespmem:s28], [sflag:$0x1] =	stream.indirect.gather [spmem:s1], $0x8, s25, s17, $0xb8;
	[tilespmem:$0x1B550] =	vst v63  }
0x59: {  	s11 =	simm.s32 $0x15AD0;
	s16 =	simm.s32 $0x16B50  }
0x5a: {  	[tilespmem:s16], [sflag:$0x1] =	stream.indirect.gather [spmem:s1], $0x8, s11, s17, $0xb8;
	[tilespmem:$0x1B550] =	vst v63  }
0x5b: {  	s25 =	simm.s32 $0x15B50;
	s28 =	simm.s32 $0x16F50  }
0x5c: {  	[tilespmem:s28], [sflag:$0x1] =	stream.indirect.gather [spmem:s1], $0x8, s25, s17, $0xb8;
	[tilespmem:$0x1B550] =	vst v63  }
0x5d: {  	s11 =	simm.s32 $0x15BD0;
	s16 =	simm.s32 $0x17350  }
0x5e: {  	[tilespmem:s16], [sflag:$0x1] =	stream.indirect.gather [spmem:s1], $0x8, s11, s17, $0xb8;
	[tilespmem:$0x1B550] =	vst v63  }
0x5f: {  	s25 =	simm.s32 $0x15C50;
	s28 =	simm.s32 $0x17750  }
0x60: {  	[tilespmem:s28], [sflag:$0x1] =	stream.indirect.gather [spmem:s1], $0x8, s25, s17, $0xb8;
	[tilespmem:$0x1B550] =	vst v63  }
0x61: {  	s11 =	simm.s32 $0x15CD0;
	s16 =	simm.s32 $0x17B50  }
0x62: {  	[tilespmem:s16], [sflag:$0x1] =	stream.indirect.gather [spmem:s1], $0x8, s11, s17, $0xb8;
	[tilespmem:$0x1B550] =	vst v63  }
0x63: {  	s25 =	simm.s32 $0x15D50;
	s28 =	simm.s32 $0x17F50  }
0x64: {  	[tilespmem:s28], [sflag:$0x1] =	stream.indirect.gather [spmem:s1], $0x8, s25, s17, $0xb8;
	[tilespmem:$0x1B550] =	vst v63  }
0x65: {  	s11 =	simm.s32 $0x15DD0;
	s16 =	simm.s32 $0x18350  }
0x66: {  	[tilespmem:s16], [sflag:$0x1] =	stream.indirect.gather [spmem:s1], $0x8, s11, s17, $0xb8;
	[tilespmem:$0x1B550] =	vst v63  }
0x67: {  	s25 =	simm.s32 $0x15E50;
	s28 =	simm.s32 $0x18750  }
0x68: {  	[tilespmem:s28], [sflag:$0x1] =	stream.indirect.gather [spmem:s1], $0x8, s25, s17, $0xb8;
	[tilespmem:$0x1B550] =	vst v63  }
0x69: {  	s16 =	simm.s32 $0x15ED0;
	s25 =	simm.s32 $0x18B50  }
0x6a: {  	[tilespmem:s25], [sflag:$0x1] =	stream.indirect.gather [spmem:s1], $0x8, s16, s17, $0xb8;
	[tilespmem:$0x1B550] =	vst v63  }
0x6b: {  	_ =	swait.ge [sflag:s22], $0x400  }
0x6c: {  	[sflag:s22] =	ssyncset.done $0x0  }
0x6d: {  	[sflag:s22] =	ssyncadd.s32 $0xFFFFFC00  }
0x6e: {  	_ =	swait.ge [sflag:s22], $0x400  }
0x6f: {  	[sflag:s22] =	ssyncset.done $0x0  }
0x70: {  	[sflag:s22] =	ssyncadd.s32 $0xFFFFFC00  }
0x71: {  	_ =	swait.ge [sflag:s22], $0x400  }
0x72: {  	[sflag:s22] =	ssyncset.done $0x0  }
0x73: {  	[sflag:s22] =	ssyncadd.s32 $0xFFFFFC00  }
0x74: {  	_ =	swait.ge [sflag:s22], $0x400  }
0x75: {  	[sflag:s22] =	ssyncset.done $0x0  }
0x76: {  	[sflag:s22] =	ssyncadd.s32 $0xFFFFFC00  }
0x77: {  	_ =	swait.ge [sflag:s22], $0x400  }
0x78: {  	[sflag:s22] =	ssyncset.done $0x0  }
0x79: {  	[sflag:s22] =	ssyncadd.s32 $0xFFFFFC00  }
0x7a: {  	_ =	swait.ge [sflag:s22], $0x400  }
0x7b: {  	[sflag:s22] =	ssyncset.done $0x0  }
0x7c: {  	[sflag:s22] =	ssyncadd.s32 $0xFFFFFC00  }
0x7d: {  	_ =	swait.ge [sflag:s22], $0x400  }
0x7e: {  	[sflag:s22] =	ssyncset.done $0x0  }
0x7f: {  	[sflag:s22] =	ssyncadd.s32 $0xFFFFFC00  }
0x80: {  	_ =	swait.ge [sflag:s22], $0x400  }
0x81: {  	[sflag:s22] =	ssyncset.done $0x0  }
0x82: {  	[sflag:s22] =	ssyncadd.s32 $0xFFFFFC00  }
0x83: {  	_ =	swait.ge [sflag:s22], $0x400  }
0x84: {  	[sflag:s22] =	ssyncset.done $0x0  }
0x85: {  	[sflag:s22] =	ssyncadd.s32 $0xFFFFFC00  }
0x86: {  	_ =	swait.ge [sflag:s22], $0x400  }
0x87: {  	[sflag:s22] =	ssyncset.done $0x0  }
0x88: {  	v3 =	vmov s6;
	[sflag:s22] =	ssyncadd.s32 $0xFFFFFC00  }
0x89: {  	v3 =	vshll.u32 v3, $0x3;
	_ =	swait.ge [sflag:s22], $0x400  }
0x8a: {  	v4 =	vadd.s32 v0, v3;
	[sflag:s22] =	ssyncset.done $0x0  }
0x8b: {  	v5 =	vadd.s32 v2, v3;
	[sflag:s22] =	ssyncadd.s32 $0xFFFFFC00  }
0x8c: {  	_ =	swait.ge [sflag:s22], $0x400  }
0x8d: {  	v3 =	vadd.s32 v1, v3;
	[sflag:s22] =	ssyncset.done $0x0  }
0x8e: {  	[sflag:s22] =	ssyncadd.s32 $0xFFFFFC00  }
0x8f: {  	v6 =	vld.idx.msk [tilespmem:v4+s18+$0x0], $0xffff  }
0x90: {  	v7 =	vld.idx.msk [tilespmem:v5+s18+$0x0], $0xffff;
	_ =	sdelay $0x1  }
0x91: {  	v8 =	vld.idx.msk [tilespmem:v3+s18+$0x0], $0xffff;
	_ =	sdelay $0x2  }
0x92: {  	v6 =	vadd.f32 v7, v6;
	v7 =	vor.u32 $0x1, v4  }
0x93: {  	v9 =	vor.u32 $0x1, v5  }
0x94: {  	v6 =	vadd.f32 v8, v6  }
0x95: {  	s11 =	simm.s32 $0x18F50;
	v8 =	vor.u32 $0x1, v3  }
0x96: {  	[tilespmem:s11+$0x0] =	vst v6  }
0x97: {  	v6 =	vld.idx.msk [tilespmem:v7+s18+$0x0], $0xffff  }
0x98: {  	v7 =	vld.idx.msk [tilespmem:v9+s18+$0x0], $0xffff;
	_ =	sdelay $0x1  }
0x99: {  	v8 =	vld.idx.msk [tilespmem:v8+s18+$0x0], $0xffff;
	_ =	sdelay $0x2  }
0x9a: {  	v4 =	vor.u32 $0x2, v4;
	v6 =	vadd.f32 v7, v6  }
0x9b: {  	v7 =	vor.u32 $0x2, v5  }
0x9c: {  	v5 =	vadd.f32 v8, v6  }
0x9d: {  	s16 =	simm.s32 $0x19150;
	v3 =	vor.u32 $0x2, v3  }
0x9e: {  	[tilespmem:s16+$0x0] =	vst v5  }
0x9f: {  	v5 =	vld.idx.msk [tilespmem:v4+s18+$0x0], $0xffff  }
0xa0: {  	s28 =	simm.s32 $0x30;
	v8 =	vld.idx.msk [tilespmem:v7+s18+$0x0], $0xffff  }
0xa1: {  	v4 =	vmov s28  }
0xa2: {  	v7 =	vld.idx.msk [tilespmem:v3+s18+$0x0], $0xffff;
	v6 =	vshll.u32 v4, $0x3  }
0xa3: {  	s7 =	simm.s32 $0x60;
	s25 =	simm.s32 $0x19350;
	s1 =	simm.s32 $0x19360;
	v4 =	vadd.s32 v0, v6;
	v3 =	vadd.s32 v2, v6  }
.LBB2_3:
0xa4: {  	s11 =	sadd.s32 $0x10, s11  }
0xa5: {  	v5 =	vadd.f32 v8, v5;
	s16 =	sadd.s32 $0x10, s16;
	s28 =	smov.u32 s7;
	s6 =	sadd.s32 $0x30, s7  }
0xa6: {  	p0 =	sne.s32 s7, $0x5D0  }
0xa7: {  	v5 =	vadd.f32 v7, v5  }
0xa8: {  	v6 =	vadd.s32 v1, v6  }
0xa9: {  	[tilespmem:s25+$0x0] =	vst v5;
	s25 =	smov.u32 s1  }
0xaa: {  	v5 =	vld.idx.msk [tilespmem:v4+s18+$0x0], $0xffff  }
0xab: {  	v7 =	vld.idx.msk [tilespmem:v3+s18+$0x0], $0xffff;
	_ =	sdelay $0x1  }
0xac: {  	v8 =	vld.idx.msk [tilespmem:v6+s18+$0x0], $0xffff;
	_ =	sdelay $0x3  }
0xad: {  	v5 =	vadd.f32 v7, v5;
	v7 =	vor.u32 $0x1, v4  }
0xae: {  	v9 =	vor.u32 $0x1, v3  }
0xaf: {  	v5 =	vadd.f32 v8, v5  }
0xb0: {  	v8 =	vor.u32 $0x1, v6  }
0xb1: {  	[tilespmem:s11+$0x0] =	vst v5  }
0xb2: {  	v5 =	vld.idx.msk [tilespmem:v7+s18+$0x0], $0xffff  }
0xb3: {  	v7 =	vld.idx.msk [tilespmem:v9+s18+$0x0], $0xffff;
	_ =	sdelay $0x1  }
0xb4: {  	v8 =	vld.idx.msk [tilespmem:v8+s18+$0x0], $0xffff;
	_ =	sdelay $0x3  }
0xb5: {  	v4 =	vor.u32 $0x2, v4;
	v5 =	vadd.f32 v7, v5  }
0xb6: {  	v3 =	vor.u32 $0x2, v3  }
0xb7: {  	v6 =	vor.u32 $0x2, v6;
	v5 =	vadd.f32 v8, v5;
	_ =	sdelay $0x1  }
0xb8: {  	[tilespmem:s16+$0x0] =	vst v5  }
0xb9: {  	v5 =	vld.idx.msk [tilespmem:v4+s18+$0x0], $0xffff  }
0xba: {  	v8 =	vld.idx.msk [tilespmem:v3+s18+$0x0], $0xffff  }
.Ltmp0:
0xbb: {  	v7 =	vld.idx.msk [tilespmem:v6+s18+$0x0], $0xffff;
	(pc) =	sbr.rel @p0 .LBB2_3-.Ltmp0, $4  }
0xbc: {  	_ = 	snop  }
0xbd: {  	v3 =	vmov s28  }
0xbe: {  	v6 =	vshll.u32 v3, $0x3  }
0xbf: {  	s7 =	smov.u32 s6;
	s1 =	sadd.s32 $0x10, s1;
	v4 =	vadd.s32 v0, v6;
	v3 =	vadd.s32 v2, v6  }
0xc0: {  	v5 =	vadd.f32 v8, v5;
	_ =	sdelay $0x1  }
0xc1: {  	v5 =	vadd.f32 v7, v5  }
0xc2: {  	v6 =	vadd.s32 v1, v6  }
0xc3: {  	[tilespmem:s25+$0x0] =	vst v5  }
0xc4: {  	v5 =	vld.idx.msk [tilespmem:v4+s18+$0x0], $0xffff  }
0xc5: {  	v58 =	vld.idx.msk [tilespmem:v3+s18+$0x0], $0xffff;
	_ =	sdelay $0x1  }
0xc6: {  	v59 =	vld.idx.msk [tilespmem:v6+s18+$0x0], $0xffff;
	_ =	sdelay $0x2  }
0xc7: {  	v60 =	vor.u32 $0x1, v4;
	v5 =	vadd.f32 v58, v5  }
0xc8: {  	v9 =	vor.u32 $0x1, v3  }
0xc9: {  	v5 =	vadd.f32 v59, v5  }
0xca: {  	s6 =	sadd.s32 $0x10, s11;
	v61 =	vor.u32 $0x1, v6  }
0xcb: {  	[tilespmem:s6+$0x0] =	vst v5  }
0xcc: {  	v5 =	vld.idx.msk [tilespmem:v60+s18+$0x0], $0xffff  }
0xcd: {  	v62 =	vld.idx.msk [tilespmem:v9+s18+$0x0], $0xffff;
	_ =	sdelay $0x1  }
0xce: {  	v8 =	vld.idx.msk [tilespmem:v61+s18+$0x0], $0xffff;
	_ =	sdelay $0x2  }
0xcf: {  	v63 =	vor.u32 $0x2, v4;
	v5 =	vadd.f32 v62, v5  }
0xd0: {  	v3 =	vor.u32 $0x2, v3  }
0xd1: {  	v5 =	vadd.f32 v8, v5  }
0xd2: {  	s11 =	sadd.s32 $0x10, s16;
	v6 =	vor.u32 $0x2, v6  }
0xd3: {  	[tilespmem:s11+$0x0] =	vst v5  }
0xd4: {  	v4 =	vld.idx.msk [tilespmem:v63+s18+$0x0], $0xffff  }
0xd5: {  	v3 =	vld.idx.msk [tilespmem:v3+s18+$0x0], $0xffff;
	_ =	sdelay $0x1  }
0xd6: {  	v5 =	vld.idx.msk [tilespmem:v6+s18+$0x0], $0xffff;
	_ =	sdelay $0x2  }
0xd7: {  	s7 =	sld [smem:$0x7E7];
	v3 =	vadd.f32 v3, v4;
	_ =	sdelay $0x1  }
0xd8: {  	s16 =	sshll.u32 s10, $0x9;
	v3 =	vadd.f32 v5, v3  }
0xd9: {  	s6 =	sadd.s32 s7, s16  }
0xda: {  	s28 =	simm.s32 $0x18F50;
	s25 =	sadd.s32 s6, s3;
	[tilespmem:s1+$0x0] =	vst v3  }
0xdb: {  	[spmem:s25] =	stream.linear.scatter [tilespmem:s28], [sflag:$0x2], $0x200, $0x38;
	[tilespmem:$0x1B550] =	vst v63  }
0xdc: {  	_ =	swait.ge [sflag:s15], $0x200  }
0xdd: {  	[sflag:s15] =	ssyncset.done $0x0  }
0xde: {  	s16 =	simm.s32 $0x19150;
	s11 =	sadd.s32 s6, s4;
	[sflag:s15] =	ssyncadd.s32 $0xFFFFFE00  }
0xdf: {  	[spmem:s11] =	stream.linear.scatter [tilespmem:s16], [sflag:$0x2], $0x200, $0x38;
	[tilespmem:$0x1B550] =	vst v63  }
0xe0: {  	s10 =	sadd.s32 $0x1, s10;
	_ =	swait.ge [sflag:s15], $0x200  }
0xe1: {  	p0 =	sne.s32 s10, $0x19;
	s25 =	sadd.s32 s6, s5;
	[sflag:s15] =	ssyncset.done $0x0  }
.Ltmp1:
0xe2: {  	s28 =	simm.s32 $0x19350;
	[sflag:s15] =	ssyncadd.s32 $0xFFFFFE00;
	(pc) =	sbr.rel @p0 .LBB2_2-.Ltmp1, $4  }
0xe3: {  	[spmem:s25] =	stream.linear.scatter [tilespmem:s28], [sflag:$0x2], $0x200, $0x38;
	[tilespmem:$0x1B550] =	vst v63  }
0xe4: {  	_ =	swait.ge [sflag:s15], $0x200  }
0xe5: {  	[sflag:s15] =	ssyncset.done $0x0  }
0xe6: {  	[sflag:s15] =	ssyncadd.s32 $0xFFFFFE00  }
0xe7: {  	[bflag:$0x0] =	sbarrier.arrive $0xFFFF  }
0xe8: {  	s1 =	rddreg [dreg:$0x8]  }
0xe9: {  	s7 =	simm.s32 $0x0;
	s1 =	sadd.s32 $0x0, s1  }
0xea: {  	[tilespmem:s26], [sflag:$0x2] =	stream.linear.gather [hbm4b:s1+s7], $0x800, $0x38;
	[tilespmem:$0x1B550] =	vst v63  }
0xeb: {  	_ =	swait.ge [sflag:s15], $0x800  }
0xec: {  	[sflag:s15] =	ssyncset.done $0x0  }
0xed: {  	s25 =	simm.s32 $0x19D50;
	s10 =	rddreg [dreg:$0x9];
	[sflag:s15] =	ssyncadd.s32 $0xFFFFF800  }
0xee: {  	[tilespmem:s25], [sflag:$0x1] =	stream.indirect.gather [spmem:s3], $0x1, s26, s17, $0xb8;
	[tilespmem:$0x1B550] =	vst v63  }
0xef: {  	s6 =	rddreg [dreg:$0xa]  }
0xf0: {  	[tilespmem:s10], [sflag:$0x1] =	stream.indirect.gather [spmem:s3], $0x1, s29, s17, $0xb8;
	[tilespmem:$0x1B550] =	vst v63  }
0xf1: {  	s11 =	rddreg [dreg:$0xb]  }
0xf2: {  	[tilespmem:s6], [sflag:$0x1] =	stream.indirect.gather [spmem:s3], $0x1, s30, s17, $0xb8;
	[tilespmem:$0x1B550] =	vst v63  }
0xf3: {  	s16 =	rddreg [dreg:$0xc]  }
0xf4: {  	[tilespmem:s11], [sflag:$0x1] =	stream.indirect.gather [spmem:s3], $0x1, s31, s17, $0xb8;
	[tilespmem:$0x1B550] =	vst v63  }
0xf5: {  	s10 =	rddreg [dreg:$0xd]  }
0xf6: {  	[tilespmem:s16], [sflag:$0x1] =	stream.indirect.gather [spmem:s3], $0x1, s0, s17, $0xb8;
	[tilespmem:$0x1B550] =	vst v63  }
0xf7: {  	s11 =	rddreg [dreg:$0xe]  }
0xf8: {  	[tilespmem:s10], [sflag:$0x1] =	stream.indirect.gather [spmem:s3], $0x1, s2, s17, $0xb8;
	[tilespmem:$0x1B550] =	vst v63  }
0xf9: {  	s16 =	rddreg [dreg:$0xf]  }
0xfa: {  	[tilespmem:s11], [sflag:$0x1] =	stream.indirect.gather [spmem:s3], $0x1, s8, s17, $0xb8;
	[tilespmem:$0x1B550] =	vst v63  }
0xfb: {  	s10 =	rddreg [dreg:$0x10]  }
0xfc: {  	[tilespmem:s16], [sflag:$0x1] =	stream.indirect.gather [spmem:s3], $0x1, s9, s17, $0xb8;
	[tilespmem:$0x1B550] =	vst v63  }
0xfd: {  	s11 =	rddreg [dreg:$0x11]  }
0xfe: {  	[tilespmem:s10], [sflag:$0x1] =	stream.indirect.gather [spmem:s3], $0x1, s12, s17, $0xb8;
	[tilespmem:$0x1B550] =	vst v63  }
0xff: {  	s16 =	rddreg [dreg:$0x12]  }
0x100: {  	[tilespmem:s11], [sflag:$0x1] =	stream.indirect.gather [spmem:s3], $0x1, s14, s17, $0xb8;
	[tilespmem:$0x1B550] =	vst v63  }
0x101: {  	s10 =	rddreg [dreg:$0x13]  }
0x102: {  	[tilespmem:s16], [sflag:$0x1] =	stream.indirect.gather [spmem:s3], $0x1, s13, s17, $0xb8;
	[tilespmem:$0x1B550] =	vst v63  }
0x103: {  	s11 =	rddreg [dreg:$0x14]  }
0x104: {  	[tilespmem:s10], [sflag:$0x1] =	stream.indirect.gather [spmem:s3], $0x1, s19, s17, $0xb8;
	[tilespmem:$0x1B550] =	vst v63  }
0x105: {  	s16 =	rddreg [dreg:$0x15]  }
0x106: {  	[tilespmem:s11], [sflag:$0x1] =	stream.indirect.gather [spmem:s3], $0x1, s20, s17, $0xb8;
	[tilespmem:$0x1B550] =	vst v63  }
0x107: {  	s10 =	rddreg [dreg:$0x16]  }
0x108: {  	[tilespmem:s16], [sflag:$0x1] =	stream.indirect.gather [spmem:s3], $0x1, s21, s17, $0xb8;
	[tilespmem:$0x1B550] =	vst v63  }
0x109: {  	s11 =	rddreg [dreg:$0x17]  }
0x10a: {  	[tilespmem:s10], [sflag:$0x1] =	stream.indirect.gather [spmem:s3], $0x1, s23, s17, $0xb8;
	[tilespmem:$0x1B550] =	vst v63  }
0x10b: {  	s16 =	rddreg [dreg:$0x18]  }
0x10c: {  	[tilespmem:s11], [sflag:$0x1] =	stream.indirect.gather [spmem:s3], $0x1, s24, s17, $0xb8;
	[tilespmem:$0x1B550] =	vst v63  }
0x10d: {  	s10 =	rddreg [dreg:$0x19]  }
0x10e: {  	[tilespmem:s16], [sflag:$0x1] =	stream.indirect.gather [spmem:s4], $0x1, s26, s17, $0xb8;
	[tilespmem:$0x1B550] =	vst v63  }
0x10f: {  	s11 =	rddreg [dreg:$0x1a]  }
0x110: {  	[tilespmem:s10], [sflag:$0x1] =	stream.indirect.gather [spmem:s4], $0x1, s29, s17, $0xb8;
	[tilespmem:$0x1B550] =	vst v63  }
0x111: {  	s16 =	rddreg [dreg:$0x1b]  }
0x112: {  	[tilespmem:s11], [sflag:$0x1] =	stream.indirect.gather [spmem:s4], $0x1, s30, s17, $0xb8;
	[tilespmem:$0x1B550] =	vst v63  }
0x113: {  	s10 =	rddreg [dreg:$0x1c]  }
0x114: {  	[tilespmem:s16], [sflag:$0x1] =	stream.indirect.gather [spmem:s4], $0x1, s31, s17, $0xb8;
	[tilespmem:$0x1B550] =	vst v63  }
0x115: {  	s11 =	rddreg [dreg:$0x1d]  }
0x116: {  	[tilespmem:s10], [sflag:$0x1] =	stream.indirect.gather [spmem:s4], $0x1, s0, s17, $0xb8;
	[tilespmem:$0x1B550] =	vst v63  }
0x117: {  	s16 =	rddreg [dreg:$0x1e]  }
0x118: {  	[tilespmem:s11], [sflag:$0x1] =	stream.indirect.gather [spmem:s4], $0x1, s2, s17, $0xb8;
	[tilespmem:$0x1B550] =	vst v63  }
0x119: {  	s10 =	rddreg [dreg:$0x1f]  }
0x11a: {  	[tilespmem:s16], [sflag:$0x1] =	stream.indirect.gather [spmem:s4], $0x1, s8, s17, $0xb8;
	[tilespmem:$0x1B550] =	vst v63  }
0x11b: {  	s11 =	sld [smem:$0x7E1]  }
0x11c: {  	[tilespmem:s10], [sflag:$0x1] =	stream.indirect.gather [spmem:s4], $0x1, s9, s17, $0xb8;
	[tilespmem:$0x1B550] =	vst v63  }
0x11d: {  	s16 =	sld [smem:$0x7E3]  }
0x11e: {  	[tilespmem:s11], [sflag:$0x1] =	stream.indirect.gather [spmem:s4], $0x1, s12, s17, $0xb8;
	[tilespmem:$0x1B550] =	vst v63  }
0x11f: {  	s10 =	sld [smem:$0x7E4]  }
0x120: {  	[tilespmem:s16], [sflag:$0x1] =	stream.indirect.gather [spmem:s4], $0x1, s14, s17, $0xb8;
	[tilespmem:$0x1B550] =	vst v63  }
0x121: {  	s11 =	sld [smem:$0x7E6]  }
0x122: {  	[tilespmem:s10], [sflag:$0x1] =	stream.indirect.gather [spmem:s4], $0x1, s13, s17, $0xb8;
	[tilespmem:$0x1B550] =	vst v63  }
0x123: {  	s16 =	sld [smem:$0x7E8]  }
0x124: {  	[tilespmem:s11], [sflag:$0x1] =	stream.indirect.gather [spmem:s4], $0x1, s19, s17, $0xb8;
	[tilespmem:$0x1B550] =	vst v63  }
0x125: {  	s10 =	sld [smem:$0x7EA]  }
0x126: {  	[tilespmem:s16], [sflag:$0x1] =	stream.indirect.gather [spmem:s4], $0x1, s20, s17, $0xb8;
	[tilespmem:$0x1B550] =	vst v63  }
0x127: {  	s11 =	sld [smem:$0x7EC]  }
0x128: {  	[tilespmem:s10], [sflag:$0x1] =	stream.indirect.gather [spmem:s4], $0x1, s21, s17, $0xb8;
	[tilespmem:$0x1B550] =	vst v63  }
0x129: {  	s16 =	sld [smem:$0x7ED]  }
0x12a: {  	[tilespmem:s11], [sflag:$0x1] =	stream.indirect.gather [spmem:s4], $0x1, s23, s17, $0xb8;
	[tilespmem:$0x1B550] =	vst v63  }
0x12b: {  	s10 =	sld [smem:$0x7EE]  }
0x12c: {  	[tilespmem:s16], [sflag:$0x1] =	stream.indirect.gather [spmem:s4], $0x1, s24, s17, $0xb8;
	[tilespmem:$0x1B550] =	vst v63  }
0x12d: {  	s11 =	sld [smem:$0x7EF]  }
0x12e: {  	[tilespmem:s10], [sflag:$0x1] =	stream.indirect.gather [spmem:s5], $0x1, s26, s17, $0xb8;
	[tilespmem:$0x1B550] =	vst v63  }
0x12f: {  	s16 =	sld [smem:$0x7F1]  }
0x130: {  	[tilespmem:s11], [sflag:$0x1] =	stream.indirect.gather [spmem:s5], $0x1, s29, s17, $0xb8;
	[tilespmem:$0x1B550] =	vst v63  }
0x131: {  	s10 =	sld [smem:$0x7F3]  }
0x132: {  	[tilespmem:s16], [sflag:$0x1] =	stream.indirect.gather [spmem:s5], $0x1, s30, s17, $0xb8;
	[tilespmem:$0x1B550] =	vst v63  }
0x133: {  	s11 =	sld [smem:$0x7F4]  }
0x134: {  	[tilespmem:s10], [sflag:$0x1] =	stream.indirect.gather [spmem:s5], $0x1, s31, s17, $0xb8;
	[tilespmem:$0x1B550] =	vst v63  }
0x135: {  	s16 =	sld [smem:$0x7F5]  }
0x136: {  	[tilespmem:s11], [sflag:$0x1] =	stream.indirect.gather [spmem:s5], $0x1, s0, s17, $0xb8;
	[tilespmem:$0x1B550] =	vst v63  }
0x137: {  	s10 =	sld [smem:$0x7F6]  }
0x138: {  	[tilespmem:s16], [sflag:$0x1] =	stream.indirect.gather [spmem:s5], $0x1, s2, s17, $0xb8;
	[tilespmem:$0x1B550] =	vst v63  }
0x139: {  	s11 =	sld [smem:$0x7F7]  }
0x13a: {  	[tilespmem:s10], [sflag:$0x1] =	stream.indirect.gather [spmem:s5], $0x1, s8, s17, $0xb8;
	[tilespmem:$0x1B550] =	vst v63  }
0x13b: {  	s16 =	sld [smem:$0x7F8]  }
0x13c: {  	[tilespmem:s11], [sflag:$0x1] =	stream.indirect.gather [spmem:s5], $0x1, s9, s17, $0xb8;
	[tilespmem:$0x1B550] =	vst v63  }
0x13d: {  	s10 =	sld [smem:$0x7F9]  }
0x13e: {  	[tilespmem:s16], [sflag:$0x1] =	stream.indirect.gather [spmem:s5], $0x1, s12, s17, $0xb8;
	[tilespmem:$0x1B550] =	vst v63  }
0x13f: {  	s11 =	sld [smem:$0x7FA]  }
0x140: {  	[tilespmem:s10], [sflag:$0x1] =	stream.indirect.gather [spmem:s5], $0x1, s14, s17, $0xb8;
	[tilespmem:$0x1B550] =	vst v63  }
0x141: {  	s16 =	sld [smem:$0x7FB]  }
0x142: {  	[tilespmem:s11], [sflag:$0x1] =	stream.indirect.gather [spmem:s5], $0x1, s13, s17, $0xb8;
	[tilespmem:$0x1B550] =	vst v63  }
0x143: {  	s10 =	sld [smem:$0x7FC]  }
0x144: {  	[tilespmem:s16], [sflag:$0x1] =	stream.indirect.gather [spmem:s5], $0x1, s19, s17, $0xb8;
	[tilespmem:$0x1B550] =	vst v63  }
0x145: {  	s11 =	sld [smem:$0x7FD]  }
0x146: {  	[tilespmem:s10], [sflag:$0x1] =	stream.indirect.gather [spmem:s5], $0x1, s20, s17, $0xb8;
	[tilespmem:$0x1B550] =	vst v63  }
0x147: {  	_ = 	snop  }
0x148: {  	[tilespmem:s11], [sflag:$0x1] =	stream.indirect.gather [spmem:s5], $0x1, s21, s17, $0xb8;
	[tilespmem:$0x1B550] =	vst v63  }
0x149: {  	s28 =	simm.s32 $0x1B450  }
0x14a: {  	[tilespmem:s28], [sflag:$0x1] =	stream.indirect.gather [spmem:s5], $0x1, s23, s17, $0xb8;
	[tilespmem:$0x1B550] =	vst v63  }
0x14b: {  	s16 =	simm.s32 $0x1B4D0  }
0x14c: {  	[tilespmem:s16], [sflag:$0x1] =	stream.indirect.gather [spmem:s5], $0x1, s24, s17, $0xb8;
	[tilespmem:$0x1B550] =	vst v63  }
0x14d: {  	_ =	swait.ge [sflag:s22], $0x80  }
0x14e: {  	[sflag:s22] =	ssyncset.done $0x0  }
0x14f: {  	[sflag:s22] =	ssyncadd.s32 $0xFFFFFF80  }
0x150: {  	_ =	swait.ge [sflag:s22], $0x80  }
0x151: {  	[sflag:s22] =	ssyncset.done $0x0  }
0x152: {  	[sflag:s22] =	ssyncadd.s32 $0xFFFFFF80  }
0x153: {  	_ =	swait.ge [sflag:s22], $0x80  }
0x154: {  	[sflag:s22] =	ssyncset.done $0x0  }
0x155: {  	[sflag:s22] =	ssyncadd.s32 $0xFFFFFF80  }
0x156: {  	_ =	swait.ge [sflag:s22], $0x80  }
0x157: {  	[sflag:s22] =	ssyncset.done $0x0  }
0x158: {  	[sflag:s22] =	ssyncadd.s32 $0xFFFFFF80  }
0x159: {  	_ =	swait.ge [sflag:s22], $0x80  }
0x15a: {  	[sflag:s22] =	ssyncset.done $0x0  }
0x15b: {  	[sflag:s22] =	ssyncadd.s32 $0xFFFFFF80  }
0x15c: {  	_ =	swait.ge [sflag:s22], $0x80  }
0x15d: {  	[sflag:s22] =	ssyncset.done $0x0  }
0x15e: {  	[sflag:s22] =	ssyncadd.s32 $0xFFFFFF80  }
0x15f: {  	_ =	swait.ge [sflag:s22], $0x80  }
0x160: {  	[sflag:s22] =	ssyncset.done $0x0  }
0x161: {  	[sflag:s22] =	ssyncadd.s32 $0xFFFFFF80  }
0x162: {  	_ =	swait.ge [sflag:s22], $0x80  }
0x163: {  	[sflag:s22] =	ssyncset.done $0x0  }
0x164: {  	[sflag:s22] =	ssyncadd.s32 $0xFFFFFF80  }
0x165: {  	_ =	swait.ge [sflag:s22], $0x80  }
0x166: {  	[sflag:s22] =	ssyncset.done $0x0  }
0x167: {  	[sflag:s22] =	ssyncadd.s32 $0xFFFFFF80  }
0x168: {  	_ =	swait.ge [sflag:s22], $0x80  }
0x169: {  	[sflag:s22] =	ssyncset.done $0x0  }
0x16a: {  	[sflag:s22] =	ssyncadd.s32 $0xFFFFFF80  }
0x16b: {  	_ =	swait.ge [sflag:s22], $0x80  }
0x16c: {  	[sflag:s22] =	ssyncset.done $0x0  }
0x16d: {  	[sflag:s22] =	ssyncadd.s32 $0xFFFFFF80  }
0x16e: {  	_ =	swait.ge [sflag:s22], $0x80  }
0x16f: {  	[sflag:s22] =	ssyncset.done $0x0  }
0x170: {  	[sflag:s22] =	ssyncadd.s32 $0xFFFFFF80  }
0x171: {  	_ =	swait.ge [sflag:s22], $0x80  }
0x172: {  	[sflag:s22] =	ssyncset.done $0x0  }
0x173: {  	[sflag:s22] =	ssyncadd.s32 $0xFFFFFF80  }
0x174: {  	_ =	swait.ge [sflag:s22], $0x80  }
0x175: {  	[sflag:s22] =	ssyncset.done $0x0  }
0x176: {  	[sflag:s22] =	ssyncadd.s32 $0xFFFFFF80  }
0x177: {  	_ =	swait.ge [sflag:s22], $0x80  }
0x178: {  	[sflag:s22] =	ssyncset.done $0x0  }
0x179: {  	[sflag:s22] =	ssyncadd.s32 $0xFFFFFF80  }
0x17a: {  	_ =	swait.ge [sflag:s22], $0x80  }
0x17b: {  	[sflag:s22] =	ssyncset.done $0x0  }
0x17c: {  	[sflag:s22] =	ssyncadd.s32 $0xFFFFFF80  }
0x17d: {  	_ =	swait.ge [sflag:s22], $0x80  }
0x17e: {  	[sflag:s22] =	ssyncset.done $0x0  }
0x17f: {  	[sflag:s22] =	ssyncadd.s32 $0xFFFFFF80  }
0x180: {  	_ =	swait.ge [sflag:s22], $0x80  }
0x181: {  	[sflag:s22] =	ssyncset.done $0x0  }
0x182: {  	[sflag:s22] =	ssyncadd.s32 $0xFFFFFF80  }
0x183: {  	_ =	swait.ge [sflag:s22], $0x80  }
0x184: {  	[sflag:s22] =	ssyncset.done $0x0  }
0x185: {  	[sflag:s22] =	ssyncadd.s32 $0xFFFFFF80  }
0x186: {  	_ =	swait.ge [sflag:s22], $0x80  }
0x187: {  	[sflag:s22] =	ssyncset.done $0x0  }
0x188: {  	[sflag:s22] =	ssyncadd.s32 $0xFFFFFF80  }
0x189: {  	_ =	swait.ge [sflag:s22], $0x80  }
0x18a: {  	[sflag:s22] =	ssyncset.done $0x0  }
0x18b: {  	[sflag:s22] =	ssyncadd.s32 $0xFFFFFF80  }
0x18c: {  	_ =	swait.ge [sflag:s22], $0x80  }
0x18d: {  	[sflag:s22] =	ssyncset.done $0x0  }
0x18e: {  	[sflag:s22] =	ssyncadd.s32 $0xFFFFFF80  }
0x18f: {  	_ =	swait.ge [sflag:s22], $0x80  }
0x190: {  	[sflag:s22] =	ssyncset.done $0x0  }
0x191: {  	[sflag:s22] =	ssyncadd.s32 $0xFFFFFF80  }
0x192: {  	_ =	swait.ge [sflag:s22], $0x80  }
0x193: {  	[sflag:s22] =	ssyncset.done $0x0  }
0x194: {  	[sflag:s22] =	ssyncadd.s32 $0xFFFFFF80  }
0x195: {  	_ =	swait.ge [sflag:s22], $0x80  }
0x196: {  	[sflag:s22] =	ssyncset.done $0x0  }
0x197: {  	[sflag:s22] =	ssyncadd.s32 $0xFFFFFF80  }
0x198: {  	_ =	swait.ge [sflag:s22], $0x80  }
0x199: {  	[sflag:s22] =	ssyncset.done $0x0  }
0x19a: {  	[sflag:s22] =	ssyncadd.s32 $0xFFFFFF80  }
0x19b: {  	_ =	swait.ge [sflag:s22], $0x80  }
0x19c: {  	[sflag:s22] =	ssyncset.done $0x0  }
0x19d: {  	[sflag:s22] =	ssyncadd.s32 $0xFFFFFF80  }
0x19e: {  	_ =	swait.ge [sflag:s22], $0x80  }
0x19f: {  	[sflag:s22] =	ssyncset.done $0x0  }
0x1a0: {  	[sflag:s22] =	ssyncadd.s32 $0xFFFFFF80  }
0x1a1: {  	_ =	swait.ge [sflag:s22], $0x80  }
0x1a2: {  	[sflag:s22] =	ssyncset.done $0x0  }
0x1a3: {  	[sflag:s22] =	ssyncadd.s32 $0xFFFFFF80  }
0x1a4: {  	_ =	swait.ge [sflag:s22], $0x80  }
0x1a5: {  	[sflag:s22] =	ssyncset.done $0x0  }
0x1a6: {  	[sflag:s22] =	ssyncadd.s32 $0xFFFFFF80  }
0x1a7: {  	_ =	swait.ge [sflag:s22], $0x80  }
0x1a8: {  	[sflag:s22] =	ssyncset.done $0x0  }
0x1a9: {  	[sflag:s22] =	ssyncadd.s32 $0xFFFFFF80  }
0x1aa: {  	_ =	swait.ge [sflag:s22], $0x80  }
0x1ab: {  	[sflag:s22] =	ssyncset.done $0x0  }
0x1ac: {  	[sflag:s22] =	ssyncadd.s32 $0xFFFFFF80  }
0x1ad: {  	_ =	swait.ge [sflag:s22], $0x80  }
0x1ae: {  	[sflag:s22] =	ssyncset.done $0x0  }
0x1af: {  	[sflag:s22] =	ssyncadd.s32 $0xFFFFFF80  }
0x1b0: {  	_ =	swait.ge [sflag:s22], $0x80  }
0x1b1: {  	[sflag:s22] =	ssyncset.done $0x0  }
0x1b2: {  	[sflag:s22] =	ssyncadd.s32 $0xFFFFFF80  }
0x1b3: {  	_ =	swait.ge [sflag:s22], $0x80  }
0x1b4: {  	[sflag:s22] =	ssyncset.done $0x0  }
0x1b5: {  	[sflag:s22] =	ssyncadd.s32 $0xFFFFFF80  }
0x1b6: {  	_ =	swait.ge [sflag:s22], $0x80  }
0x1b7: {  	[sflag:s22] =	ssyncset.done $0x0  }
0x1b8: {  	[sflag:s22] =	ssyncadd.s32 $0xFFFFFF80  }
0x1b9: {  	_ =	swait.ge [sflag:s22], $0x80  }
0x1ba: {  	[sflag:s22] =	ssyncset.done $0x0  }
0x1bb: {  	[sflag:s22] =	ssyncadd.s32 $0xFFFFFF80  }
0x1bc: {  	_ =	swait.ge [sflag:s22], $0x80  }
0x1bd: {  	[sflag:s22] =	ssyncset.done $0x0  }
0x1be: {  	[sflag:s22] =	ssyncadd.s32 $0xFFFFFF80  }
0x1bf: {  	_ =	swait.ge [sflag:s22], $0x80  }
0x1c0: {  	[sflag:s22] =	ssyncset.done $0x0  }
0x1c1: {  	[sflag:s22] =	ssyncadd.s32 $0xFFFFFF80  }
0x1c2: {  	_ =	swait.ge [sflag:s22], $0x80  }
0x1c3: {  	[sflag:s22] =	ssyncset.done $0x0  }
0x1c4: {  	[sflag:s22] =	ssyncadd.s32 $0xFFFFFF80  }
0x1c5: {  	_ =	swait.ge [sflag:s22], $0x80  }
0x1c6: {  	[sflag:s22] =	ssyncset.done $0x0  }
0x1c7: {  	[sflag:s22] =	ssyncadd.s32 $0xFFFFFF80  }
0x1c8: {  	_ =	swait.ge [sflag:s22], $0x80  }
0x1c9: {  	[sflag:s22] =	ssyncset.done $0x0  }
0x1ca: {  	[sflag:s22] =	ssyncadd.s32 $0xFFFFFF80  }
0x1cb: {  	_ =	swait.ge [sflag:s22], $0x80  }
0x1cc: {  	[sflag:s22] =	ssyncset.done $0x0  }
0x1cd: {  	[sflag:s22] =	ssyncadd.s32 $0xFFFFFF80  }
0x1ce: {  	_ =	swait.ge [sflag:s22], $0x80  }
0x1cf: {  	[sflag:s22] =	ssyncset.done $0x0  }
0x1d0: {  	[sflag:s22] =	ssyncadd.s32 $0xFFFFFF80  }
0x1d1: {  	_ =	swait.ge [sflag:s22], $0x80  }
0x1d2: {  	[sflag:s22] =	ssyncset.done $0x0  }
0x1d3: {  	[sflag:s22] =	ssyncadd.s32 $0xFFFFFF80  }
0x1d4: {  	_ =	swait.ge [sflag:s22], $0x80  }
0x1d5: {  	[sflag:s22] =	ssyncset.done $0x0  }
0x1d6: {  	[sflag:s22] =	ssyncadd.s32 $0xFFFFFF80  }
0x1d7: {  	_ =	swait.ge [sflag:s22], $0x80  }
0x1d8: {  	[sflag:s22] =	ssyncset.done $0x0  }
0x1d9: {  	[sflag:s22] =	ssyncadd.s32 $0xFFFFFF80  }
0x1da: {  	_ =	swait.ge [sflag:s22], $0x80  }
0x1db: {  	s10 =	sld [smem:$0x7F0]  }
0x1dc: {  	[sflag:s22] =	ssyncset.done $0x0  }
0x1dd: {  	[sflag:s22] =	ssyncadd.s32 $0xFFFFFF80  }
0x1de: {  	[hbm4b:s10+s7] =	stream.linear.scatter [tilespmem:s25], [sflag:$0x2], $0x1800, $0x38;
	[tilespmem:$0x1B550] =	vst v63  }
0x1df: {  	s11 =	simm.s32 $0x100;
	_ =	swait.ge [sflag:s15], $0x1800  }
0x1e0: {  	s16 =	simm.s32 $0x200;
	s1 =	rddreg [dreg:$0x8];
	[sflag:s15] =	ssyncset.done $0x0  }
.LBB2_6:
0x1e1: {  	[sflag:s15] =	ssyncadd.s32 $0xFFFFE800;
	s1 =	sadd.s32 s11, s1  }
0x1e2: {  	[tilespmem:s26], [sflag:$0x2] =	stream.linear.gather [hbm4b:s1+s7], $0x800, $0x38;
	[tilespmem:$0x1B550] =	vst v63  }
0x1e3: {  	_ =	swait.ge [sflag:s15], $0x800  }
0x1e4: {  	[sflag:s15] =	ssyncset.done $0x0  }
0x1e5: {  	s6 =	smov.u32 s16;
	s1 =	rddreg [dreg:$0x9];
	[sflag:s15] =	ssyncadd.s32 $0xFFFFF800  }
0x1e6: {  	[tilespmem:s25], [sflag:$0x1] =	stream.indirect.gather [spmem:s3], $0x1, s26, s17, $0xb8;
	[tilespmem:$0x1B550] =	vst v63  }
0x1e7: {  	s11 =	smov.u32 s6;
	s6 =	rddreg [dreg:$0xa]  }
0x1e8: {  	[tilespmem:s1], [sflag:$0x1] =	stream.indirect.gather [spmem:s3], $0x1, s29, s17, $0xb8;
	[tilespmem:$0x1B550] =	vst v63  }
0x1e9: {  	s1 =	rddreg [dreg:$0xb]  }
0x1ea: {  	[tilespmem:s6], [sflag:$0x1] =	stream.indirect.gather [spmem:s3], $0x1, s30, s17, $0xb8;
	[tilespmem:$0x1B550] =	vst v63  }
0x1eb: {  	s6 =	rddreg [dreg:$0xc]  }
0x1ec: {  	[tilespmem:s1], [sflag:$0x1] =	stream.indirect.gather [spmem:s3], $0x1, s31, s17, $0xb8;
	[tilespmem:$0x1B550] =	vst v63  }
0x1ed: {  	s1 =	rddreg [dreg:$0xd]  }
0x1ee: {  	[tilespmem:s6], [sflag:$0x1] =	stream.indirect.gather [spmem:s3], $0x1, s0, s17, $0xb8;
	[tilespmem:$0x1B550] =	vst v63  }
0x1ef: {  	s6 =	rddreg [dreg:$0xe]  }
0x1f0: {  	[tilespmem:s1], [sflag:$0x1] =	stream.indirect.gather [spmem:s3], $0x1, s2, s17, $0xb8;
	[tilespmem:$0x1B550] =	vst v63  }
0x1f1: {  	s1 =	rddreg [dreg:$0xf]  }
0x1f2: {  	[tilespmem:s6], [sflag:$0x1] =	stream.indirect.gather [spmem:s3], $0x1, s8, s17, $0xb8;
	[tilespmem:$0x1B550] =	vst v63  }
0x1f3: {  	s6 =	rddreg [dreg:$0x10]  }
0x1f4: {  	[tilespmem:s1], [sflag:$0x1] =	stream.indirect.gather [spmem:s3], $0x1, s9, s17, $0xb8;
	[tilespmem:$0x1B550] =	vst v63  }
0x1f5: {  	s1 =	rddreg [dreg:$0x11]  }
0x1f6: {  	[tilespmem:s6], [sflag:$0x1] =	stream.indirect.gather [spmem:s3], $0x1, s12, s17, $0xb8;
	[tilespmem:$0x1B550] =	vst v63  }
0x1f7: {  	s6 =	rddreg [dreg:$0x12]  }
0x1f8: {  	[tilespmem:s1], [sflag:$0x1] =	stream.indirect.gather [spmem:s3], $0x1, s14, s17, $0xb8;
	[tilespmem:$0x1B550] =	vst v63  }
0x1f9: {  	s1 =	rddreg [dreg:$0x13]  }
0x1fa: {  	[tilespmem:s6], [sflag:$0x1] =	stream.indirect.gather [spmem:s3], $0x1, s13, s17, $0xb8;
	[tilespmem:$0x1B550] =	vst v63  }
0x1fb: {  	s6 =	rddreg [dreg:$0x14]  }
0x1fc: {  	[tilespmem:s1], [sflag:$0x1] =	stream.indirect.gather [spmem:s3], $0x1, s19, s17, $0xb8;
	[tilespmem:$0x1B550] =	vst v63  }
0x1fd: {  	s1 =	rddreg [dreg:$0x15]  }
0x1fe: {  	[tilespmem:s6], [sflag:$0x1] =	stream.indirect.gather [spmem:s3], $0x1, s20, s17, $0xb8;
	[tilespmem:$0x1B550] =	vst v63  }
0x1ff: {  	s6 =	rddreg [dreg:$0x16]  }
0x200: {  	[tilespmem:s1], [sflag:$0x1] =	stream.indirect.gather [spmem:s3], $0x1, s21, s17, $0xb8;
	[tilespmem:$0x1B550] =	vst v63  }
0x201: {  	s1 =	rddreg [dreg:$0x17]  }
0x202: {  	[tilespmem:s6], [sflag:$0x1] =	stream.indirect.gather [spmem:s3], $0x1, s23, s17, $0xb8;
	[tilespmem:$0x1B550] =	vst v63  }
0x203: {  	s6 =	rddreg [dreg:$0x18]  }
0x204: {  	[tilespmem:s1], [sflag:$0x1] =	stream.indirect.gather [spmem:s3], $0x1, s24, s17, $0xb8;
	[tilespmem:$0x1B550] =	vst v63  }
0x205: {  	s1 =	rddreg [dreg:$0x19]  }
0x206: {  	[tilespmem:s6], [sflag:$0x1] =	stream.indirect.gather [spmem:s4], $0x1, s26, s17, $0xb8;
	[tilespmem:$0x1B550] =	vst v63  }
0x207: {  	s6 =	rddreg [dreg:$0x1a]  }
0x208: {  	[tilespmem:s1], [sflag:$0x1] =	stream.indirect.gather [spmem:s4], $0x1, s29, s17, $0xb8;
	[tilespmem:$0x1B550] =	vst v63  }
0x209: {  	s1 =	rddreg [dreg:$0x1b]  }
0x20a: {  	[tilespmem:s6], [sflag:$0x1] =	stream.indirect.gather [spmem:s4], $0x1, s30, s17, $0xb8;
	[tilespmem:$0x1B550] =	vst v63  }
0x20b: {  	s6 =	rddreg [dreg:$0x1c]  }
0x20c: {  	[tilespmem:s1], [sflag:$0x1] =	stream.indirect.gather [spmem:s4], $0x1, s31, s17, $0xb8;
	[tilespmem:$0x1B550] =	vst v63  }
0x20d: {  	s1 =	rddreg [dreg:$0x1d]  }
0x20e: {  	[tilespmem:s6], [sflag:$0x1] =	stream.indirect.gather [spmem:s4], $0x1, s0, s17, $0xb8;
	[tilespmem:$0x1B550] =	vst v63  }
0x20f: {  	s6 =	rddreg [dreg:$0x1e]  }
0x210: {  	[tilespmem:s1], [sflag:$0x1] =	stream.indirect.gather [spmem:s4], $0x1, s2, s17, $0xb8;
	[tilespmem:$0x1B550] =	vst v63  }
0x211: {  	s1 =	rddreg [dreg:$0x1f]  }
0x212: {  	[tilespmem:s6], [sflag:$0x1] =	stream.indirect.gather [spmem:s4], $0x1, s8, s17, $0xb8;
	[tilespmem:$0x1B550] =	vst v63  }
0x213: {  	s6 =	sld [smem:$0x7E1]  }
0x214: {  	[tilespmem:s1], [sflag:$0x1] =	stream.indirect.gather [spmem:s4], $0x1, s9, s17, $0xb8;
	[tilespmem:$0x1B550] =	vst v63  }
0x215: {  	s1 =	sld [smem:$0x7E3]  }
0x216: {  	[tilespmem:s6], [sflag:$0x1] =	stream.indirect.gather [spmem:s4], $0x1, s12, s17, $0xb8;
	[tilespmem:$0x1B550] =	vst v63  }
0x217: {  	s6 =	sld [smem:$0x7E4]  }
0x218: {  	[tilespmem:s1], [sflag:$0x1] =	stream.indirect.gather [spmem:s4], $0x1, s14, s17, $0xb8;
	[tilespmem:$0x1B550] =	vst v63  }
0x219: {  	s1 =	sld [smem:$0x7E6]  }
0x21a: {  	[tilespmem:s6], [sflag:$0x1] =	stream.indirect.gather [spmem:s4], $0x1, s13, s17, $0xb8;
	[tilespmem:$0x1B550] =	vst v63  }
0x21b: {  	s6 =	sld [smem:$0x7E8]  }
0x21c: {  	[tilespmem:s1], [sflag:$0x1] =	stream.indirect.gather [spmem:s4], $0x1, s19, s17, $0xb8;
	[tilespmem:$0x1B550] =	vst v63  }
0x21d: {  	s1 =	sld [smem:$0x7EA]  }
0x21e: {  	[tilespmem:s6], [sflag:$0x1] =	stream.indirect.gather [spmem:s4], $0x1, s20, s17, $0xb8;
	[tilespmem:$0x1B550] =	vst v63  }
0x21f: {  	s6 =	sld [smem:$0x7EC]  }
0x220: {  	[tilespmem:s1], [sflag:$0x1] =	stream.indirect.gather [spmem:s4], $0x1, s21, s17, $0xb8;
	[tilespmem:$0x1B550] =	vst v63  }
0x221: {  	s1 =	sld [smem:$0x7ED]  }
0x222: {  	[tilespmem:s6], [sflag:$0x1] =	stream.indirect.gather [spmem:s4], $0x1, s23, s17, $0xb8;
	[tilespmem:$0x1B550] =	vst v63  }
0x223: {  	s6 =	sld [smem:$0x7EE]  }
0x224: {  	[tilespmem:s1], [sflag:$0x1] =	stream.indirect.gather [spmem:s4], $0x1, s24, s17, $0xb8;
	[tilespmem:$0x1B550] =	vst v63  }
0x225: {  	s1 =	sld [smem:$0x7EF]  }
0x226: {  	[tilespmem:s6], [sflag:$0x1] =	stream.indirect.gather [spmem:s5], $0x1, s26, s17, $0xb8;
	[tilespmem:$0x1B550] =	vst v63  }
0x227: {  	s6 =	sld [smem:$0x7F1]  }
0x228: {  	[tilespmem:s1], [sflag:$0x1] =	stream.indirect.gather [spmem:s5], $0x1, s29, s17, $0xb8;
	[tilespmem:$0x1B550] =	vst v63  }
0x229: {  	s1 =	sld [smem:$0x7F3]  }
0x22a: {  	[tilespmem:s6], [sflag:$0x1] =	stream.indirect.gather [spmem:s5], $0x1, s30, s17, $0xb8;
	[tilespmem:$0x1B550] =	vst v63  }
0x22b: {  	s6 =	sld [smem:$0x7F4]  }
0x22c: {  	[tilespmem:s1], [sflag:$0x1] =	stream.indirect.gather [spmem:s5], $0x1, s31, s17, $0xb8;
	[tilespmem:$0x1B550] =	vst v63  }
0x22d: {  	s1 =	sld [smem:$0x7F5]  }
0x22e: {  	[tilespmem:s6], [sflag:$0x1] =	stream.indirect.gather [spmem:s5], $0x1, s0, s17, $0xb8;
	[tilespmem:$0x1B550] =	vst v63  }
0x22f: {  	s6 =	sld [smem:$0x7F6]  }
0x230: {  	[tilespmem:s1], [sflag:$0x1] =	stream.indirect.gather [spmem:s5], $0x1, s2, s17, $0xb8;
	[tilespmem:$0x1B550] =	vst v63  }
0x231: {  	s1 =	sld [smem:$0x7F7]  }
0x232: {  	[tilespmem:s6], [sflag:$0x1] =	stream.indirect.gather [spmem:s5], $0x1, s8, s17, $0xb8;
	[tilespmem:$0x1B550] =	vst v63  }
0x233: {  	s6 =	sld [smem:$0x7F8]  }
0x234: {  	[tilespmem:s1], [sflag:$0x1] =	stream.indirect.gather [spmem:s5], $0x1, s9, s17, $0xb8;
	[tilespmem:$0x1B550] =	vst v63  }
0x235: {  	s1 =	sld [smem:$0x7F9]  }
0x236: {  	[tilespmem:s6], [sflag:$0x1] =	stream.indirect.gather [spmem:s5], $0x1, s12, s17, $0xb8;
	[tilespmem:$0x1B550] =	vst v63  }
0x237: {  	s6 =	sld [smem:$0x7FA]  }
0x238: {  	[tilespmem:s1], [sflag:$0x1] =	stream.indirect.gather [spmem:s5], $0x1, s14, s17, $0xb8;
	[tilespmem:$0x1B550] =	vst v63  }
0x239: {  	s1 =	sld [smem:$0x7FB]  }
0x23a: {  	[tilespmem:s6], [sflag:$0x1] =	stream.indirect.gather [spmem:s5], $0x1, s13, s17, $0xb8;
	[tilespmem:$0x1B550] =	vst v63  }
0x23b: {  	s6 =	sld [smem:$0x7FC]  }
0x23c: {  	[tilespmem:s1], [sflag:$0x1] =	stream.indirect.gather [spmem:s5], $0x1, s19, s17, $0xb8;
	[tilespmem:$0x1B550] =	vst v63  }
0x23d: {  	s1 =	sld [smem:$0x7FD]  }
0x23e: {  	[tilespmem:s6], [sflag:$0x1] =	stream.indirect.gather [spmem:s5], $0x1, s20, s17, $0xb8;
	[tilespmem:$0x1B550] =	vst v63  }
0x23f: {  	_ = 	snop  }
0x240: {  	[tilespmem:s1], [sflag:$0x1] =	stream.indirect.gather [spmem:s5], $0x1, s21, s17, $0xb8;
	[tilespmem:$0x1B550] =	vst v63  }
0x241: {  	_ = 	snop  }
0x242: {  	[tilespmem:s28], [sflag:$0x1] =	stream.indirect.gather [spmem:s5], $0x1, s23, s17, $0xb8;
	[tilespmem:$0x1B550] =	vst v63  }
0x243: {  	s6 =	simm.s32 $0x1B4D0  }
0x244: {  	[tilespmem:s6], [sflag:$0x1] =	stream.indirect.gather [spmem:s5], $0x1, s24, s17, $0xb8;
	[tilespmem:$0x1B550] =	vst v63  }
0x245: {  	_ =	swait.ge [sflag:s22], $0x80  }
0x246: {  	[sflag:s22] =	ssyncset.done $0x0  }
0x247: {  	[sflag:s22] =	ssyncadd.s32 $0xFFFFFF80  }
0x248: {  	_ =	swait.ge [sflag:s22], $0x80  }
0x249: {  	[sflag:s22] =	ssyncset.done $0x0  }
0x24a: {  	[sflag:s22] =	ssyncadd.s32 $0xFFFFFF80  }
0x24b: {  	_ =	swait.ge [sflag:s22], $0x80  }
0x24c: {  	[sflag:s22] =	ssyncset.done $0x0  }
0x24d: {  	[sflag:s22] =	ssyncadd.s32 $0xFFFFFF80  }
0x24e: {  	_ =	swait.ge [sflag:s22], $0x80  }
0x24f: {  	[sflag:s22] =	ssyncset.done $0x0  }
0x250: {  	[sflag:s22] =	ssyncadd.s32 $0xFFFFFF80  }
0x251: {  	_ =	swait.ge [sflag:s22], $0x80  }
0x252: {  	[sflag:s22] =	ssyncset.done $0x0  }
0x253: {  	[sflag:s22] =	ssyncadd.s32 $0xFFFFFF80  }
0x254: {  	_ =	swait.ge [sflag:s22], $0x80  }
0x255: {  	[sflag:s22] =	ssyncset.done $0x0  }
0x256: {  	[sflag:s22] =	ssyncadd.s32 $0xFFFFFF80  }
0x257: {  	_ =	swait.ge [sflag:s22], $0x80  }
0x258: {  	[sflag:s22] =	ssyncset.done $0x0  }
0x259: {  	[sflag:s22] =	ssyncadd.s32 $0xFFFFFF80  }
0x25a: {  	_ =	swait.ge [sflag:s22], $0x80  }
0x25b: {  	[sflag:s22] =	ssyncset.done $0x0  }
0x25c: {  	[sflag:s22] =	ssyncadd.s32 $0xFFFFFF80  }
0x25d: {  	_ =	swait.ge [sflag:s22], $0x80  }
0x25e: {  	[sflag:s22] =	ssyncset.done $0x0  }
0x25f: {  	[sflag:s22] =	ssyncadd.s32 $0xFFFFFF80  }
0x260: {  	_ =	swait.ge [sflag:s22], $0x80  }
0x261: {  	[sflag:s22] =	ssyncset.done $0x0  }
0x262: {  	[sflag:s22] =	ssyncadd.s32 $0xFFFFFF80  }
0x263: {  	_ =	swait.ge [sflag:s22], $0x80  }
0x264: {  	[sflag:s22] =	ssyncset.done $0x0  }
0x265: {  	[sflag:s22] =	ssyncadd.s32 $0xFFFFFF80  }
0x266: {  	_ =	swait.ge [sflag:s22], $0x80  }
0x267: {  	[sflag:s22] =	ssyncset.done $0x0  }
0x268: {  	[sflag:s22] =	ssyncadd.s32 $0xFFFFFF80  }
0x269: {  	_ =	swait.ge [sflag:s22], $0x80  }
0x26a: {  	[sflag:s22] =	ssyncset.done $0x0  }
0x26b: {  	[sflag:s22] =	ssyncadd.s32 $0xFFFFFF80  }
0x26c: {  	_ =	swait.ge [sflag:s22], $0x80  }
0x26d: {  	[sflag:s22] =	ssyncset.done $0x0  }
0x26e: {  	[sflag:s22] =	ssyncadd.s32 $0xFFFFFF80  }
0x26f: {  	_ =	swait.ge [sflag:s22], $0x80  }
0x270: {  	[sflag:s22] =	ssyncset.done $0x0  }
0x271: {  	[sflag:s22] =	ssyncadd.s32 $0xFFFFFF80  }
0x272: {  	_ =	swait.ge [sflag:s22], $0x80  }
0x273: {  	[sflag:s22] =	ssyncset.done $0x0  }
0x274: {  	[sflag:s22] =	ssyncadd.s32 $0xFFFFFF80  }
0x275: {  	_ =	swait.ge [sflag:s22], $0x80  }
0x276: {  	[sflag:s22] =	ssyncset.done $0x0  }
0x277: {  	[sflag:s22] =	ssyncadd.s32 $0xFFFFFF80  }
0x278: {  	_ =	swait.ge [sflag:s22], $0x80  }
0x279: {  	[sflag:s22] =	ssyncset.done $0x0  }
0x27a: {  	[sflag:s22] =	ssyncadd.s32 $0xFFFFFF80  }
0x27b: {  	_ =	swait.ge [sflag:s22], $0x80  }
0x27c: {  	[sflag:s22] =	ssyncset.done $0x0  }
0x27d: {  	[sflag:s22] =	ssyncadd.s32 $0xFFFFFF80  }
0x27e: {  	_ =	swait.ge [sflag:s22], $0x80  }
0x27f: {  	[sflag:s22] =	ssyncset.done $0x0  }
0x280: {  	[sflag:s22] =	ssyncadd.s32 $0xFFFFFF80  }
0x281: {  	_ =	swait.ge [sflag:s22], $0x80  }
0x282: {  	[sflag:s22] =	ssyncset.done $0x0  }
0x283: {  	[sflag:s22] =	ssyncadd.s32 $0xFFFFFF80  }
0x284: {  	_ =	swait.ge [sflag:s22], $0x80  }
0x285: {  	[sflag:s22] =	ssyncset.done $0x0  }
0x286: {  	[sflag:s22] =	ssyncadd.s32 $0xFFFFFF80  }
0x287: {  	_ =	swait.ge [sflag:s22], $0x80  }
0x288: {  	[sflag:s22] =	ssyncset.done $0x0  }
0x289: {  	[sflag:s22] =	ssyncadd.s32 $0xFFFFFF80  }
0x28a: {  	_ =	swait.ge [sflag:s22], $0x80  }
0x28b: {  	[sflag:s22] =	ssyncset.done $0x0  }
0x28c: {  	[sflag:s22] =	ssyncadd.s32 $0xFFFFFF80  }
0x28d: {  	_ =	swait.ge [sflag:s22], $0x80  }
0x28e: {  	[sflag:s22] =	ssyncset.done $0x0  }
0x28f: {  	[sflag:s22] =	ssyncadd.s32 $0xFFFFFF80  }
0x290: {  	_ =	swait.ge [sflag:s22], $0x80  }
0x291: {  	[sflag:s22] =	ssyncset.done $0x0  }
0x292: {  	[sflag:s22] =	ssyncadd.s32 $0xFFFFFF80  }
0x293: {  	_ =	swait.ge [sflag:s22], $0x80  }
0x294: {  	[sflag:s22] =	ssyncset.done $0x0  }
0x295: {  	[sflag:s22] =	ssyncadd.s32 $0xFFFFFF80  }
0x296: {  	_ =	swait.ge [sflag:s22], $0x80  }
0x297: {  	[sflag:s22] =	ssyncset.done $0x0  }
0x298: {  	[sflag:s22] =	ssyncadd.s32 $0xFFFFFF80  }
0x299: {  	_ =	swait.ge [sflag:s22], $0x80  }
0x29a: {  	[sflag:s22] =	ssyncset.done $0x0  }
0x29b: {  	[sflag:s22] =	ssyncadd.s32 $0xFFFFFF80  }
0x29c: {  	_ =	swait.ge [sflag:s22], $0x80  }
0x29d: {  	[sflag:s22] =	ssyncset.done $0x0  }
0x29e: {  	[sflag:s22] =	ssyncadd.s32 $0xFFFFFF80  }
0x29f: {  	_ =	swait.ge [sflag:s22], $0x80  }
0x2a0: {  	[sflag:s22] =	ssyncset.done $0x0  }
0x2a1: {  	[sflag:s22] =	ssyncadd.s32 $0xFFFFFF80  }
0x2a2: {  	_ =	swait.ge [sflag:s22], $0x80  }
0x2a3: {  	[sflag:s22] =	ssyncset.done $0x0  }
0x2a4: {  	[sflag:s22] =	ssyncadd.s32 $0xFFFFFF80  }
0x2a5: {  	_ =	swait.ge [sflag:s22], $0x80  }
0x2a6: {  	[sflag:s22] =	ssyncset.done $0x0  }
0x2a7: {  	[sflag:s22] =	ssyncadd.s32 $0xFFFFFF80  }
0x2a8: {  	_ =	swait.ge [sflag:s22], $0x80  }
0x2a9: {  	[sflag:s22] =	ssyncset.done $0x0  }
0x2aa: {  	[sflag:s22] =	ssyncadd.s32 $0xFFFFFF80  }
0x2ab: {  	_ =	swait.ge [sflag:s22], $0x80  }
0x2ac: {  	[sflag:s22] =	ssyncset.done $0x0  }
0x2ad: {  	[sflag:s22] =	ssyncadd.s32 $0xFFFFFF80  }
0x2ae: {  	_ =	swait.ge [sflag:s22], $0x80  }
0x2af: {  	[sflag:s22] =	ssyncset.done $0x0  }
0x2b0: {  	[sflag:s22] =	ssyncadd.s32 $0xFFFFFF80  }
0x2b1: {  	_ =	swait.ge [sflag:s22], $0x80  }
0x2b2: {  	[sflag:s22] =	ssyncset.done $0x0  }
0x2b3: {  	[sflag:s22] =	ssyncadd.s32 $0xFFFFFF80  }
0x2b4: {  	_ =	swait.ge [sflag:s22], $0x80  }
0x2b5: {  	[sflag:s22] =	ssyncset.done $0x0  }
0x2b6: {  	[sflag:s22] =	ssyncadd.s32 $0xFFFFFF80  }
0x2b7: {  	_ =	swait.ge [sflag:s22], $0x80  }
0x2b8: {  	[sflag:s22] =	ssyncset.done $0x0  }
0x2b9: {  	[sflag:s22] =	ssyncadd.s32 $0xFFFFFF80  }
0x2ba: {  	_ =	swait.ge [sflag:s22], $0x80  }
0x2bb: {  	[sflag:s22] =	ssyncset.done $0x0  }
0x2bc: {  	[sflag:s22] =	ssyncadd.s32 $0xFFFFFF80  }
0x2bd: {  	_ =	swait.ge [sflag:s22], $0x80  }
0x2be: {  	[sflag:s22] =	ssyncset.done $0x0  }
0x2bf: {  	[sflag:s22] =	ssyncadd.s32 $0xFFFFFF80  }
0x2c0: {  	_ =	swait.ge [sflag:s22], $0x80  }
0x2c1: {  	[sflag:s22] =	ssyncset.done $0x0  }
0x2c2: {  	[sflag:s22] =	ssyncadd.s32 $0xFFFFFF80  }
0x2c3: {  	_ =	swait.ge [sflag:s22], $0x80  }
0x2c4: {  	[sflag:s22] =	ssyncset.done $0x0  }
0x2c5: {  	[sflag:s22] =	ssyncadd.s32 $0xFFFFFF80  }
0x2c6: {  	_ =	swait.ge [sflag:s22], $0x80  }
0x2c7: {  	[sflag:s22] =	ssyncset.done $0x0  }
0x2c8: {  	[sflag:s22] =	ssyncadd.s32 $0xFFFFFF80  }
0x2c9: {  	_ =	swait.ge [sflag:s22], $0x80  }
0x2ca: {  	[sflag:s22] =	ssyncset.done $0x0  }
0x2cb: {  	[sflag:s22] =	ssyncadd.s32 $0xFFFFFF80  }
0x2cc: {  	_ =	swait.ge [sflag:s22], $0x80  }
0x2cd: {  	[sflag:s22] =	ssyncset.done $0x0  }
0x2ce: {  	[sflag:s22] =	ssyncadd.s32 $0xFFFFFF80  }
0x2cf: {  	_ =	swait.ge [sflag:s22], $0x80  }
0x2d0: {  	[sflag:s22] =	ssyncset.done $0x0  }
0x2d1: {  	[sflag:s22] =	ssyncadd.s32 $0xFFFFFF80  }
0x2d2: {  	p0 =	sne.s32 s16, $0x3F00;
	_ =	swait.ge [sflag:s22], $0x80  }
.Ltmp2:
0x2d3: {  	[sflag:s22] =	ssyncset.done $0x0;
	(pc) =	sbr.rel @p0 .LBB2_6-.Ltmp2, $4  }
0x2d4: {  	s10 =	sadd.s32 $0x300, s10;
	[sflag:s22] =	ssyncadd.s32 $0xFFFFFF80  }
0x2d5: {  	[hbm4b:s10+s7] =	stream.linear.scatter [tilespmem:s25], [sflag:$0x2], $0x1800, $0x38;
	[tilespmem:$0x1B550] =	vst v63  }
0x2d6: {  	_ =	swait.ge [sflag:s15], $0x1800  }
0x2d7: {  	s16 =	sadd.s32 $0x100, s16;
	s1 =	rddreg [dreg:$0x8];
	[sflag:s15] =	ssyncset.done $0x0  }
0x2d8: {  	[sflag:s15] =	ssyncadd.s32 $0xFFFFE800;
	s1 =	sadd.s32 s11, s1  }
0x2d9: {  	[tilespmem:s26], [sflag:$0x2] =	stream.linear.gather [hbm4b:s1+s7], $0x800, $0x38;
	[tilespmem:$0x1B550] =	vst v63  }
0x2da: {  	_ =	swait.ge [sflag:s15], $0x800  }
0x2db: {  	[sflag:s15] =	ssyncset.done $0x0  }
0x2dc: {  	s11 =	rddreg [dreg:$0x9];
	[sflag:s15] =	ssyncadd.s32 $0xFFFFF800  }
0x2dd: {  	[tilespmem:s25], [sflag:$0x1] =	stream.indirect.gather [spmem:s3], $0x1, s26, s17, $0xb8;
	[tilespmem:$0x1B550] =	vst v63  }
0x2de: {  	s6 =	rddreg [dreg:$0xa]  }
0x2df: {  	[tilespmem:s11], [sflag:$0x1] =	stream.indirect.gather [spmem:s3], $0x1, s29, s17, $0xb8;
	[tilespmem:$0x1B550] =	vst v63  }
0x2e0: {  	s16 =	rddreg [dreg:$0xb]  }
0x2e1: {  	[tilespmem:s6], [sflag:$0x1] =	stream.indirect.gather [spmem:s3], $0x1, s30, s17, $0xb8;
	[tilespmem:$0x1B550] =	vst v63  }
0x2e2: {  	s11 =	rddreg [dreg:$0xc]  }
0x2e3: {  	[tilespmem:s16], [sflag:$0x1] =	stream.indirect.gather [spmem:s3], $0x1, s31, s17, $0xb8;
	[tilespmem:$0x1B550] =	vst v63  }
0x2e4: {  	s16 =	rddreg [dreg:$0xd]  }
0x2e5: {  	[tilespmem:s11], [sflag:$0x1] =	stream.indirect.gather [spmem:s3], $0x1, s0, s17, $0xb8;
	[tilespmem:$0x1B550] =	vst v63  }
0x2e6: {  	s11 =	rddreg [dreg:$0xe]  }
0x2e7: {  	[tilespmem:s16], [sflag:$0x1] =	stream.indirect.gather [spmem:s3], $0x1, s2, s17, $0xb8;
	[tilespmem:$0x1B550] =	vst v63  }
0x2e8: {  	s16 =	rddreg [dreg:$0xf]  }
0x2e9: {  	[tilespmem:s11], [sflag:$0x1] =	stream.indirect.gather [spmem:s3], $0x1, s8, s17, $0xb8;
	[tilespmem:$0x1B550] =	vst v63  }
0x2ea: {  	s11 =	rddreg [dreg:$0x10]  }
0x2eb: {  	[tilespmem:s16], [sflag:$0x1] =	stream.indirect.gather [spmem:s3], $0x1, s9, s17, $0xb8;
	[tilespmem:$0x1B550] =	vst v63  }
0x2ec: {  	s16 =	rddreg [dreg:$0x11]  }
0x2ed: {  	[tilespmem:s11], [sflag:$0x1] =	stream.indirect.gather [spmem:s3], $0x1, s12, s17, $0xb8;
	[tilespmem:$0x1B550] =	vst v63  }
0x2ee: {  	s11 =	rddreg [dreg:$0x12]  }
0x2ef: {  	[tilespmem:s16], [sflag:$0x1] =	stream.indirect.gather [spmem:s3], $0x1, s14, s17, $0xb8;
	[tilespmem:$0x1B550] =	vst v63  }
0x2f0: {  	s16 =	rddreg [dreg:$0x13]  }
0x2f1: {  	[tilespmem:s11], [sflag:$0x1] =	stream.indirect.gather [spmem:s3], $0x1, s13, s17, $0xb8;
	[tilespmem:$0x1B550] =	vst v63  }
0x2f2: {  	s11 =	rddreg [dreg:$0x14]  }
0x2f3: {  	[tilespmem:s16], [sflag:$0x1] =	stream.indirect.gather [spmem:s3], $0x1, s19, s17, $0xb8;
	[tilespmem:$0x1B550] =	vst v63  }
0x2f4: {  	s16 =	rddreg [dreg:$0x15]  }
0x2f5: {  	[tilespmem:s11], [sflag:$0x1] =	stream.indirect.gather [spmem:s3], $0x1, s20, s17, $0xb8;
	[tilespmem:$0x1B550] =	vst v63  }
0x2f6: {  	s11 =	rddreg [dreg:$0x16]  }
0x2f7: {  	[tilespmem:s16], [sflag:$0x1] =	stream.indirect.gather [spmem:s3], $0x1, s21, s17, $0xb8;
	[tilespmem:$0x1B550] =	vst v63  }
0x2f8: {  	s16 =	rddreg [dreg:$0x17]  }
0x2f9: {  	[tilespmem:s11], [sflag:$0x1] =	stream.indirect.gather [spmem:s3], $0x1, s23, s17, $0xb8;
	[tilespmem:$0x1B550] =	vst v63  }
0x2fa: {  	s11 =	rddreg [dreg:$0x18]  }
0x2fb: {  	[tilespmem:s16], [sflag:$0x1] =	stream.indirect.gather [spmem:s3], $0x1, s24, s17, $0xb8;
	[tilespmem:$0x1B550] =	vst v63  }
0x2fc: {  	s16 =	rddreg [dreg:$0x19]  }
0x2fd: {  	[tilespmem:s11], [sflag:$0x1] =	stream.indirect.gather [spmem:s4], $0x1, s26, s17, $0xb8;
	[tilespmem:$0x1B550] =	vst v63  }
0x2fe: {  	s11 =	rddreg [dreg:$0x1a]  }
0x2ff: {  	[tilespmem:s16], [sflag:$0x1] =	stream.indirect.gather [spmem:s4], $0x1, s29, s17, $0xb8;
	[tilespmem:$0x1B550] =	vst v63  }
0x300: {  	s16 =	rddreg [dreg:$0x1b]  }
0x301: {  	[tilespmem:s11], [sflag:$0x1] =	stream.indirect.gather [spmem:s4], $0x1, s30, s17, $0xb8;
	[tilespmem:$0x1B550] =	vst v63  }
0x302: {  	s11 =	rddreg [dreg:$0x1c]  }
0x303: {  	[tilespmem:s16], [sflag:$0x1] =	stream.indirect.gather [spmem:s4], $0x1, s31, s17, $0xb8;
	[tilespmem:$0x1B550] =	vst v63  }
0x304: {  	s16 =	rddreg [dreg:$0x1d]  }
0x305: {  	[tilespmem:s11], [sflag:$0x1] =	stream.indirect.gather [spmem:s4], $0x1, s0, s17, $0xb8;
	[tilespmem:$0x1B550] =	vst v63  }
0x306: {  	s11 =	rddreg [dreg:$0x1e]  }
0x307: {  	[tilespmem:s16], [sflag:$0x1] =	stream.indirect.gather [spmem:s4], $0x1, s2, s17, $0xb8;
	[tilespmem:$0x1B550] =	vst v63  }
0x308: {  	s16 =	rddreg [dreg:$0x1f]  }
0x309: {  	[tilespmem:s11], [sflag:$0x1] =	stream.indirect.gather [spmem:s4], $0x1, s8, s17, $0xb8;
	[tilespmem:$0x1B550] =	vst v63  }
0x30a: {  	s11 =	sld [smem:$0x7E1]  }
0x30b: {  	[tilespmem:s16], [sflag:$0x1] =	stream.indirect.gather [spmem:s4], $0x1, s9, s17, $0xb8;
	[tilespmem:$0x1B550] =	vst v63  }
0x30c: {  	s16 =	sld [smem:$0x7E3]  }
0x30d: {  	[tilespmem:s11], [sflag:$0x1] =	stream.indirect.gather [spmem:s4], $0x1, s12, s17, $0xb8;
	[tilespmem:$0x1B550] =	vst v63  }
0x30e: {  	s11 =	sld [smem:$0x7E4]  }
0x30f: {  	[tilespmem:s16], [sflag:$0x1] =	stream.indirect.gather [spmem:s4], $0x1, s14, s17, $0xb8;
	[tilespmem:$0x1B550] =	vst v63  }
0x310: {  	s16 =	sld [smem:$0x7E6]  }
0x311: {  	[tilespmem:s11], [sflag:$0x1] =	stream.indirect.gather [spmem:s4], $0x1, s13, s17, $0xb8;
	[tilespmem:$0x1B550] =	vst v63  }
0x312: {  	s11 =	sld [smem:$0x7E8]  }
0x313: {  	[tilespmem:s16], [sflag:$0x1] =	stream.indirect.gather [spmem:s4], $0x1, s19, s17, $0xb8;
	[tilespmem:$0x1B550] =	vst v63  }
0x314: {  	s16 =	sld [smem:$0x7EA]  }
0x315: {  	[tilespmem:s11], [sflag:$0x1] =	stream.indirect.gather [spmem:s4], $0x1, s20, s17, $0xb8;
	[tilespmem:$0x1B550] =	vst v63  }
0x316: {  	s11 =	sld [smem:$0x7EC]  }
0x317: {  	[tilespmem:s16], [sflag:$0x1] =	stream.indirect.gather [spmem:s4], $0x1, s21, s17, $0xb8;
	[tilespmem:$0x1B550] =	vst v63  }
0x318: {  	s16 =	sld [smem:$0x7ED]  }
0x319: {  	[tilespmem:s11], [sflag:$0x1] =	stream.indirect.gather [spmem:s4], $0x1, s23, s17, $0xb8;
	[tilespmem:$0x1B550] =	vst v63  }
0x31a: {  	s11 =	sld [smem:$0x7EE]  }
0x31b: {  	[tilespmem:s16], [sflag:$0x1] =	stream.indirect.gather [spmem:s4], $0x1, s24, s17, $0xb8;
	[tilespmem:$0x1B550] =	vst v63  }
0x31c: {  	s16 =	sld [smem:$0x7EF]  }
0x31d: {  	[tilespmem:s11], [sflag:$0x1] =	stream.indirect.gather [spmem:s5], $0x1, s26, s17, $0xb8;
	[tilespmem:$0x1B550] =	vst v63  }
0x31e: {  	s11 =	sld [smem:$0x7F1]  }
0x31f: {  	[tilespmem:s16], [sflag:$0x1] =	stream.indirect.gather [spmem:s5], $0x1, s29, s17, $0xb8;
	[tilespmem:$0x1B550] =	vst v63  }
0x320: {  	s16 =	sld [smem:$0x7F3]  }
0x321: {  	[tilespmem:s11], [sflag:$0x1] =	stream.indirect.gather [spmem:s5], $0x1, s30, s17, $0xb8;
	[tilespmem:$0x1B550] =	vst v63  }
0x322: {  	s11 =	sld [smem:$0x7F4]  }
0x323: {  	[tilespmem:s16], [sflag:$0x1] =	stream.indirect.gather [spmem:s5], $0x1, s31, s17, $0xb8;
	[tilespmem:$0x1B550] =	vst v63  }
0x324: {  	s16 =	sld [smem:$0x7F5]  }
0x325: {  	[tilespmem:s11], [sflag:$0x1] =	stream.indirect.gather [spmem:s5], $0x1, s0, s17, $0xb8;
	[tilespmem:$0x1B550] =	vst v63  }
0x326: {  	s11 =	sld [smem:$0x7F6]  }
0x327: {  	[tilespmem:s16], [sflag:$0x1] =	stream.indirect.gather [spmem:s5], $0x1, s2, s17, $0xb8;
	[tilespmem:$0x1B550] =	vst v63  }
0x328: {  	s16 =	sld [smem:$0x7F7]  }
0x329: {  	[tilespmem:s11], [sflag:$0x1] =	stream.indirect.gather [spmem:s5], $0x1, s8, s17, $0xb8;
	[tilespmem:$0x1B550] =	vst v63  }
0x32a: {  	s11 =	sld [smem:$0x7F8]  }
0x32b: {  	[tilespmem:s16], [sflag:$0x1] =	stream.indirect.gather [spmem:s5], $0x1, s9, s17, $0xb8;
	[tilespmem:$0x1B550] =	vst v63  }
0x32c: {  	s16 =	sld [smem:$0x7F9]  }
0x32d: {  	[tilespmem:s11], [sflag:$0x1] =	stream.indirect.gather [spmem:s5], $0x1, s12, s17, $0xb8;
	[tilespmem:$0x1B550] =	vst v63  }
0x32e: {  	s11 =	sld [smem:$0x7FA]  }
0x32f: {  	[tilespmem:s16], [sflag:$0x1] =	stream.indirect.gather [spmem:s5], $0x1, s14, s17, $0xb8;
	[tilespmem:$0x1B550] =	vst v63  }
0x330: {  	s16 =	sld [smem:$0x7FB]  }
0x331: {  	[tilespmem:s11], [sflag:$0x1] =	stream.indirect.gather [spmem:s5], $0x1, s13, s17, $0xb8;
	[tilespmem:$0x1B550] =	vst v63  }
0x332: {  	s11 =	sld [smem:$0x7FC]  }
0x333: {  	[tilespmem:s16], [sflag:$0x1] =	stream.indirect.gather [spmem:s5], $0x1, s19, s17, $0xb8;
	[tilespmem:$0x1B550] =	vst v63  }
0x334: {  	s16 =	sld [smem:$0x7FD]  }
0x335: {  	[tilespmem:s11], [sflag:$0x1] =	stream.indirect.gather [spmem:s5], $0x1, s20, s17, $0xb8;
	[tilespmem:$0x1B550] =	vst v63  }
0x336: {  	_ = 	snop  }
0x337: {  	[tilespmem:s16], [sflag:$0x1] =	stream.indirect.gather [spmem:s5], $0x1, s21, s17, $0xb8;
	[tilespmem:$0x1B550] =	vst v63  }
0x338: {  	_ = 	snop  }
0x339: {  	[tilespmem:s28], [sflag:$0x1] =	stream.indirect.gather [spmem:s5], $0x1, s23, s17, $0xb8;
	[tilespmem:$0x1B550] =	vst v63  }
0x33a: {  	s11 =	simm.s32 $0x1B4D0  }
0x33b: {  	[tilespmem:s11], [sflag:$0x1] =	stream.indirect.gather [spmem:s5], $0x1, s24, s17, $0xb8;
	[tilespmem:$0x1B550] =	vst v63  }
0x33c: {  	_ =	swait.ge [sflag:s22], $0x80  }
0x33d: {  	[sflag:s22] =	ssyncset.done $0x0  }
0x33e: {  	[sflag:s22] =	ssyncadd.s32 $0xFFFFFF80  }
0x33f: {  	_ =	swait.ge [sflag:s22], $0x80  }
0x340: {  	[sflag:s22] =	ssyncset.done $0x0  }
0x341: {  	[sflag:s22] =	ssyncadd.s32 $0xFFFFFF80  }
0x342: {  	_ =	swait.ge [sflag:s22], $0x80  }
0x343: {  	[sflag:s22] =	ssyncset.done $0x0  }
0x344: {  	[sflag:s22] =	ssyncadd.s32 $0xFFFFFF80  }
0x345: {  	_ =	swait.ge [sflag:s22], $0x80  }
0x346: {  	[sflag:s22] =	ssyncset.done $0x0  }
0x347: {  	[sflag:s22] =	ssyncadd.s32 $0xFFFFFF80  }
0x348: {  	_ =	swait.ge [sflag:s22], $0x80  }
0x349: {  	[sflag:s22] =	ssyncset.done $0x0  }
0x34a: {  	[sflag:s22] =	ssyncadd.s32 $0xFFFFFF80  }
0x34b: {  	_ =	swait.ge [sflag:s22], $0x80  }
0x34c: {  	[sflag:s22] =	ssyncset.done $0x0  }
0x34d: {  	[sflag:s22] =	ssyncadd.s32 $0xFFFFFF80  }
0x34e: {  	_ =	swait.ge [sflag:s22], $0x80  }
0x34f: {  	[sflag:s22] =	ssyncset.done $0x0  }
0x350: {  	[sflag:s22] =	ssyncadd.s32 $0xFFFFFF80  }
0x351: {  	_ =	swait.ge [sflag:s22], $0x80  }
0x352: {  	[sflag:s22] =	ssyncset.done $0x0  }
0x353: {  	[sflag:s22] =	ssyncadd.s32 $0xFFFFFF80  }
0x354: {  	_ =	swait.ge [sflag:s22], $0x80  }
0x355: {  	[sflag:s22] =	ssyncset.done $0x0  }
0x356: {  	[sflag:s22] =	ssyncadd.s32 $0xFFFFFF80  }
0x357: {  	_ =	swait.ge [sflag:s22], $0x80  }
0x358: {  	[sflag:s22] =	ssyncset.done $0x0  }
0x359: {  	[sflag:s22] =	ssyncadd.s32 $0xFFFFFF80  }
0x35a: {  	_ =	swait.ge [sflag:s22], $0x80  }
0x35b: {  	[sflag:s22] =	ssyncset.done $0x0  }
0x35c: {  	[sflag:s22] =	ssyncadd.s32 $0xFFFFFF80  }
0x35d: {  	_ =	swait.ge [sflag:s22], $0x80  }
0x35e: {  	[sflag:s22] =	ssyncset.done $0x0  }
0x35f: {  	[sflag:s22] =	ssyncadd.s32 $0xFFFFFF80  }
0x360: {  	_ =	swait.ge [sflag:s22], $0x80  }
0x361: {  	[sflag:s22] =	ssyncset.done $0x0  }
0x362: {  	[sflag:s22] =	ssyncadd.s32 $0xFFFFFF80  }
0x363: {  	_ =	swait.ge [sflag:s22], $0x80  }
0x364: {  	[sflag:s22] =	ssyncset.done $0x0  }
0x365: {  	[sflag:s22] =	ssyncadd.s32 $0xFFFFFF80  }
0x366: {  	_ =	swait.ge [sflag:s22], $0x80  }
0x367: {  	[sflag:s22] =	ssyncset.done $0x0  }
0x368: {  	[sflag:s22] =	ssyncadd.s32 $0xFFFFFF80  }
0x369: {  	_ =	swait.ge [sflag:s22], $0x80  }
0x36a: {  	[sflag:s22] =	ssyncset.done $0x0  }
0x36b: {  	[sflag:s22] =	ssyncadd.s32 $0xFFFFFF80  }
0x36c: {  	_ =	swait.ge [sflag:s22], $0x80  }
0x36d: {  	[sflag:s22] =	ssyncset.done $0x0  }
0x36e: {  	[sflag:s22] =	ssyncadd.s32 $0xFFFFFF80  }
0x36f: {  	_ =	swait.ge [sflag:s22], $0x80  }
0x370: {  	[sflag:s22] =	ssyncset.done $0x0  }
0x371: {  	[sflag:s22] =	ssyncadd.s32 $0xFFFFFF80  }
0x372: {  	_ =	swait.ge [sflag:s22], $0x80  }
0x373: {  	[sflag:s22] =	ssyncset.done $0x0  }
0x374: {  	[sflag:s22] =	ssyncadd.s32 $0xFFFFFF80  }
0x375: {  	_ =	swait.ge [sflag:s22], $0x80  }
0x376: {  	[sflag:s22] =	ssyncset.done $0x0  }
0x377: {  	[sflag:s22] =	ssyncadd.s32 $0xFFFFFF80  }
0x378: {  	_ =	swait.ge [sflag:s22], $0x80  }
0x379: {  	[sflag:s22] =	ssyncset.done $0x0  }
0x37a: {  	[sflag:s22] =	ssyncadd.s32 $0xFFFFFF80  }
0x37b: {  	_ =	swait.ge [sflag:s22], $0x80  }
0x37c: {  	[sflag:s22] =	ssyncset.done $0x0  }
0x37d: {  	[sflag:s22] =	ssyncadd.s32 $0xFFFFFF80  }
0x37e: {  	_ =	swait.ge [sflag:s22], $0x80  }
0x37f: {  	[sflag:s22] =	ssyncset.done $0x0  }
0x380: {  	[sflag:s22] =	ssyncadd.s32 $0xFFFFFF80  }
0x381: {  	_ =	swait.ge [sflag:s22], $0x80  }
0x382: {  	[sflag:s22] =	ssyncset.done $0x0  }
0x383: {  	[sflag:s22] =	ssyncadd.s32 $0xFFFFFF80  }
0x384: {  	_ =	swait.ge [sflag:s22], $0x80  }
0x385: {  	[sflag:s22] =	ssyncset.done $0x0  }
0x386: {  	[sflag:s22] =	ssyncadd.s32 $0xFFFFFF80  }
0x387: {  	_ =	swait.ge [sflag:s22], $0x80  }
0x388: {  	[sflag:s22] =	ssyncset.done $0x0  }
0x389: {  	[sflag:s22] =	ssyncadd.s32 $0xFFFFFF80  }
0x38a: {  	_ =	swait.ge [sflag:s22], $0x80  }
0x38b: {  	[sflag:s22] =	ssyncset.done $0x0  }
0x38c: {  	[sflag:s22] =	ssyncadd.s32 $0xFFFFFF80  }
0x38d: {  	_ =	swait.ge [sflag:s22], $0x80  }
0x38e: {  	[sflag:s22] =	ssyncset.done $0x0  }
0x38f: {  	[sflag:s22] =	ssyncadd.s32 $0xFFFFFF80  }
0x390: {  	_ =	swait.ge [sflag:s22], $0x80  }
0x391: {  	[sflag:s22] =	ssyncset.done $0x0  }
0x392: {  	[sflag:s22] =	ssyncadd.s32 $0xFFFFFF80  }
0x393: {  	_ =	swait.ge [sflag:s22], $0x80  }
0x394: {  	[sflag:s22] =	ssyncset.done $0x0  }
0x395: {  	[sflag:s22] =	ssyncadd.s32 $0xFFFFFF80  }
0x396: {  	_ =	swait.ge [sflag:s22], $0x80  }
0x397: {  	[sflag:s22] =	ssyncset.done $0x0  }
0x398: {  	[sflag:s22] =	ssyncadd.s32 $0xFFFFFF80  }
0x399: {  	_ =	swait.ge [sflag:s22], $0x80  }
0x39a: {  	[sflag:s22] =	ssyncset.done $0x0  }
0x39b: {  	[sflag:s22] =	ssyncadd.s32 $0xFFFFFF80  }
0x39c: {  	_ =	swait.ge [sflag:s22], $0x80  }
0x39d: {  	[sflag:s22] =	ssyncset.done $0x0  }
0x39e: {  	[sflag:s22] =	ssyncadd.s32 $0xFFFFFF80  }
0x39f: {  	_ =	swait.ge [sflag:s22], $0x80  }
0x3a0: {  	[sflag:s22] =	ssyncset.done $0x0  }
0x3a1: {  	[sflag:s22] =	ssyncadd.s32 $0xFFFFFF80  }
0x3a2: {  	_ =	swait.ge [sflag:s22], $0x80  }
0x3a3: {  	[sflag:s22] =	ssyncset.done $0x0  }
0x3a4: {  	[sflag:s22] =	ssyncadd.s32 $0xFFFFFF80  }
0x3a5: {  	_ =	swait.ge [sflag:s22], $0x80  }
0x3a6: {  	[sflag:s22] =	ssyncset.done $0x0  }
0x3a7: {  	[sflag:s22] =	ssyncadd.s32 $0xFFFFFF80  }
0x3a8: {  	_ =	swait.ge [sflag:s22], $0x80  }
0x3a9: {  	[sflag:s22] =	ssyncset.done $0x0  }
0x3aa: {  	[sflag:s22] =	ssyncadd.s32 $0xFFFFFF80  }
0x3ab: {  	_ =	swait.ge [sflag:s22], $0x80  }
0x3ac: {  	[sflag:s22] =	ssyncset.done $0x0  }
0x3ad: {  	[sflag:s22] =	ssyncadd.s32 $0xFFFFFF80  }
0x3ae: {  	_ =	swait.ge [sflag:s22], $0x80  }
0x3af: {  	[sflag:s22] =	ssyncset.done $0x0  }
0x3b0: {  	[sflag:s22] =	ssyncadd.s32 $0xFFFFFF80  }
0x3b1: {  	_ =	swait.ge [sflag:s22], $0x80  }
0x3b2: {  	[sflag:s22] =	ssyncset.done $0x0  }
0x3b3: {  	[sflag:s22] =	ssyncadd.s32 $0xFFFFFF80  }
0x3b4: {  	_ =	swait.ge [sflag:s22], $0x80  }
0x3b5: {  	[sflag:s22] =	ssyncset.done $0x0  }
0x3b6: {  	[sflag:s22] =	ssyncadd.s32 $0xFFFFFF80  }
0x3b7: {  	_ =	swait.ge [sflag:s22], $0x80  }
0x3b8: {  	[sflag:s22] =	ssyncset.done $0x0  }
0x3b9: {  	[sflag:s22] =	ssyncadd.s32 $0xFFFFFF80  }
0x3ba: {  	_ =	swait.ge [sflag:s22], $0x80  }
0x3bb: {  	[sflag:s22] =	ssyncset.done $0x0  }
0x3bc: {  	[sflag:s22] =	ssyncadd.s32 $0xFFFFFF80  }
0x3bd: {  	_ =	swait.ge [sflag:s22], $0x80  }
0x3be: {  	[sflag:s22] =	ssyncset.done $0x0  }
0x3bf: {  	[sflag:s22] =	ssyncadd.s32 $0xFFFFFF80  }
0x3c0: {  	_ =	swait.ge [sflag:s22], $0x80  }
0x3c1: {  	[sflag:s22] =	ssyncset.done $0x0  }
0x3c2: {  	[sflag:s22] =	ssyncadd.s32 $0xFFFFFF80  }
0x3c3: {  	_ =	swait.ge [sflag:s22], $0x80  }
0x3c4: {  	[sflag:s22] =	ssyncset.done $0x0  }
0x3c5: {  	[sflag:s22] =	ssyncadd.s32 $0xFFFFFF80  }
0x3c6: {  	_ =	swait.ge [sflag:s22], $0x80  }
0x3c7: {  	[sflag:s22] =	ssyncset.done $0x0  }
0x3c8: {  	[sflag:s22] =	ssyncadd.s32 $0xFFFFFF80  }
0x3c9: {  	_ =	swait.ge [sflag:s22], $0x80  }
0x3ca: {  	[sflag:s22] =	ssyncset.done $0x0  }
0x3cb: {  	s16 =	sadd.s32 $0x300, s10;
	[sflag:s22] =	ssyncadd.s32 $0xFFFFFF80  }
0x3cc: {  	[hbm4b:s16+s7] =	stream.linear.scatter [tilespmem:s25], [sflag:$0x2], $0x1800, $0x38;
	[tilespmem:$0x1B550] =	vst v63  }
0x3cd: {  	_ =	swait.ge [sflag:s15], $0x1800  }
0x3ce: {  	s25 =	sld [smem:$0x7DF]  }
0x3cf: {  	s28 =	sld [smem:$0x7EB];
	_ =	sdelay $0x1  }
0x3d0: {  	s6 =	sadd.s32 $0x1, s25  }
0x3d1: {  	p0 =	sne.s32 s6, s28  }
.Ltmp3:
0x3d2: {  	_ = 	snop;
	(pc) =	sbr.rel @p0 .LBB2_1-.Ltmp3, $3  }
0x3d3: {  	_ =	sdelay $0x1  }
0x3d4: {  	[sflag:s15] =	ssyncset.done $0x0  }
0x3d5: {  	[sflag:s15] =	ssyncadd.s32 $0xFFFFE800  }
0x3d6: {  	_ =	sfence.sel $0x180000  }
0x3d7: {  	[bflag:$0x0] =	sbarrier.arrive $0xFFFF  }
0x3d8: {  	_ =	strace $0x90000047  }
0x3d9: {  	s0 =	stileid.u32;
	[bflag:$0x2] =	sbarrier.arrive $0xFFFF  }
0x3da: {  	p0 =	sne.s32 s0, $0x0;
	s0 =	rddreg [dreg:$0x7]  }
0x3db: {  	s0 =	sadd.s32 @!p0 $0x100000, s0  }
0x3dc: {  	[sflag:s0] =	ssyncadd.tile.s32 @!p0 $0x1;
	_ =	shalt  }
.Lfunc_end2:
_tile_overlayer_lowered:
.L_overlay_start_2:
0x3dd: {  	(tag) =	ssettag $0x2  }
0x3de: {  	s0 =	rddreg [dreg:$0x0];
	s2 =	stileid.u32  }
0x3df: {  	s1 =	rddreg [dreg:$0x1];
	p0 =	sne.s32 s2, $0x0  }
0x3e0: {  	s3 =	rddreg [dreg:$0x2];
	[bflag:$0x3] =	sbarrier.arrive $0xFFFF;
	s2 =	simm.s32 @!p0 $0x1C02  }
0x3e1: {  	[timem:s3], [sflag:s2] =	dma.local @!p0 [hbm:s0], s1  }
0x3e2: {  	s0 =	simm.s32 @!p0 $0x2  }
0x3e3: {  	_ =	swait.ge @!p0 [sflag:s0], s1  }
0x3e4: {  	s1 =	ssub.s32 @!p0 $0x0, s1;
	[sflag:s0] =	ssyncset.done @!p0 $0x0  }
0x3e5: {  	[sflag:s0] =	ssyncadd.s32 @!p0 s1  }
0x3e6: {  	[bflag:$0x3] =	sbarrier.arrive $0xFFFF  }
0x3e7: {  	_ =	shalt  }

</sc_bundles>
